<compile_context>
chip_gen: v7x
topology: tpu7x:2x2x1
jax: 0.10.2.dev20260603
libtpu: 0.0.44.dev20260713+nightly
codegen_flags: <defaults>
</compile_context>

<pallas_src>
import functools

import jax
import jax.numpy as jnp
from jax import lax
from jax.experimental import pallas as pl
from jax.experimental.pallas import tpu as pltpu
from jax.experimental.pallas import tpu_sc as plsc

_C = 8
_T = 16
_NC = 2
_NS = 16
_CH = 64
_CHUNKS = (2048, 6144)


def _sc_idx_body(row_offset, rows_per, x_hbm, ab_hbm, idx_hbm, xv, abv, sv):
    TC = _T * _C
    wid = lax.axis_index("s") * _NC + lax.axis_index("c")
    base = wid * rows_per
    pltpu.sync_copy(ab_hbm, abv)

    def chunk_body(ch, carry):
        row0 = base + ch * _CH
        pltpu.sync_copy(x_hbm.at[pl.ds(row_offset + row0, _CH)], xv)

        def row_body(b, carry2):
            rowv = jnp.full((16,), b, jnp.int32)
            acc = jnp.zeros((16,), jnp.float32)
            for c in range(_C):
                ia = abv[pl.ds(c * 16, 16)]
                ib = abv[pl.ds(TC + c * 16, 16)]
                xa = plsc.load_gather(xv, [rowv, ia])
                xb = plsc.load_gather(xv, [rowv, ib])
                acc = acc + jnp.where(xa - xb > 0.0,
                                      jnp.float32(1 << c), 0.0)
            sv[b, :] = acc
            return carry2

        lax.fori_loop(0, _CH, row_body, 0, unroll=4)
        pltpu.sync_copy(sv, idx_hbm.at[pl.ds(row0, _CH)])
        return carry

    lax.fori_loop(0, rows_per // _CH, chunk_body, 0)


def _sc_idx(x, ab, row_offset, rows_chunk):
    F = x.shape[1]
    rows_per = rows_chunk // (_NC * _NS)
    mesh = plsc.VectorSubcoreMesh(core_axis_name="c", subcore_axis_name="s")
    return pl.kernel(
        functools.partial(_sc_idx_body, row_offset, rows_per),
        mesh=mesh,
        compiler_params=pltpu.CompilerParams(needs_layout_passes=False),
        out_type=jax.ShapeDtypeStruct((rows_chunk, _T), jnp.float32),
        scratch_types=[
            pltpu.VMEM((_CH, F), jnp.float32),
            pltpu.VMEM((2 * _T * _C,), jnp.int32),
            pltpu.VMEM((_CH, _T), jnp.float32),
        ],
    )(x, ab)


def _tc_body(idx_ref, r_ref, rpat_ref, tab_ref, *rest):
    (o_ref,) = rest[-1:]
    SUB = 512
    nsub = idx_ref.shape[0] // SUB
    rm = r_ref[...]
    rpat = rpat_ref[...]
    tab = tab_ref[...]
    for j in range(nsub):
        sl = pl.ds(j * SUB, SUB)
        idxb = idx_ref[sl, :].astype(jnp.bfloat16)
        idxw = jax.lax.dot_general(
            idxb, rm,
            dimension_numbers=(((1,), (0,)), ((), ())),
            preferred_element_type=jnp.float32)
        w = (idxw == rpat).astype(jnp.bfloat16)
        o_ref[sl, :] = jax.lax.dot_general(
            w, tab,
            dimension_numbers=(((1,), (0,)), ((), ())),
            preferred_element_type=jnp.float32)


def _tc_stage(idx, R, rpat, tab, out_prev, row0, B):
    Bc = idx.shape[0]
    D = tab.shape[1]
    BB = 1024
    blk0 = row0 // BB
    in_specs = [
        pl.BlockSpec((BB, _T), lambda i: (i, 0)),
        pl.BlockSpec((_T, _T * 256), lambda i: (0, 0)),
        pl.BlockSpec((1, _T * 256), lambda i: (0, 0)),
        pl.BlockSpec((_T * 256, D), lambda i: (0, 0)),
    ]
    args = [idx, R, rpat, tab]
    aliases = {}
    if out_prev is not None:
        in_specs.append(pl.BlockSpec(memory_space=pl.ANY))
        args.append(out_prev)
        aliases = {4: 0}
    return pl.pallas_call(
        _tc_body,
        grid=(Bc // BB,),
        in_specs=in_specs,
        out_specs=pl.BlockSpec((BB, D), lambda i: (blk0 + i, 0)),
        out_shape=jax.ShapeDtypeStruct((B, D), jnp.float32),
        input_output_aliases=aliases,
    )(*args)


def kernel(x, table, anchors_a, anchors_b):
    B, F = x.shape
    T, R_, D = table.shape
    C = _C
    ab = jnp.concatenate([
        anchors_a.astype(jnp.int32).T.reshape(-1),
        anchors_b.astype(jnp.int32).T.reshape(-1),
    ])

    tr = jnp.arange(T * R_, dtype=jnp.int32)
    Rm = ((jnp.arange(T, dtype=jnp.int32)[:, None] == tr[None, :] // R_)
          .astype(jnp.bfloat16))
    rpat = (tr % R_).astype(jnp.float32)[None, :]
    tab = table.reshape(T * R_, D).astype(jnp.bfloat16)

    offs = [0]
    for n in _CHUNKS[:-1]:
        offs.append(offs[-1] + n)
    idxs = [_sc_idx(x, ab, offs[i], _CHUNKS[i])
            for i in range(len(_CHUNKS))]
    out = None
    for i in range(len(_CHUNKS)):
        out = _tc_stage(idxs[i], Rm, rpat, tab, out, offs[i], B)
    return out

# --- scband reference (transcript-rebuilt; emitter-appended) ---
"""Pipeline reference for scband-lutblock-36601711296516 (READ-ONLY COPY).

The authoritative reference and input builder live on the scoring server;
editing this copy changes nothing except your own understanding.
"""

import jax, jax.numpy as jnp
import numpy as np

IN_FEATURES = 1024
OUT_FEATURES = 1024
NUM_TABLES = 16
NUM_COMPARISONS = 8
NUM_ROWS = 2 ** NUM_COMPARISONS
TAU = 0.5
SHARP = 12.0
TABLE_STD = 0.02
BATCH = 8192


def setup_inputs(seed: int = 0) -> dict:
    key = jax.random.key(seed)
    k1, k2, k3, k4 = jax.random.split(key, 4)
    x = jax.random.normal(k1, (BATCH, IN_FEATURES), dtype=jnp.float32)
    anchors_a = jax.random.randint(k2, (NUM_TABLES, NUM_COMPARISONS), 0, IN_FEATURES)
    # guarantee anchors_b != anchors_a by adding a nonzero offset mod in_features
    offs = jax.random.randint(k3, (NUM_TABLES, NUM_COMPARISONS), 1, IN_FEATURES)
    anchors_b = (anchors_a + offs) % IN_FEATURES
    table = jax.random.normal(k4, (NUM_TABLES, NUM_ROWS, OUT_FEATURES), dtype=jnp.float32) * TABLE_STD
    return {"x": x, "table": table, "anchors_a": anchors_a, "anchors_b": anchors_b}


def reference(x, table, anchors_a, anchors_b):
    B = x.shape[0]
    powers = (2 ** jnp.arange(NUM_COMPARISONS)).astype(jnp.int32)
    bits = ((jnp.arange(NUM_ROWS)[:, None] >> jnp.arange(NUM_COMPARISONS)[None, :]) & 1).astype(jnp.float32)
    # pairwise anchor diffs for all tables at once: [B, T, C]
    diffs = x[:, anchors_a] - x[:, anchors_b]
    # hard route
    hard_bits = (diffs > 0).astype(jnp.int32)
    hard_idx = (hard_bits * powers[None, None, :]).sum(axis=-1)  # [B, T]
    hard_rows = table[jnp.arange(NUM_TABLES)[None, :], hard_idx]  # [B, T, D]
    # soft route
    probs = jax.nn.sigmoid(diffs / TAU)  # [B, T, C]
    p2 = (probs ** 2).sum(axis=-1)  # [B, T]
    b2 = (bits ** 2).sum(axis=-1)  # [R]
    dist2 = p2[:, :, None] + b2[None, None, :] - 2.0 * jnp.einsum('btc,rc->btr', probs, bits)
    w = jax.nn.softmax(-SHARP * dist2, axis=-1)  # [B, T, R]
    soft_rows = jnp.einsum('btr,trd->btd', w, table)  # [B, T, D]
    hard_sum = hard_rows.sum(axis=1)
    soft_sum = soft_rows.sum(axis=1)
    out = hard_sum + (soft_sum - jax.lax.stop_gradient(soft_sum))
    return out

if __name__ == "__main__":
    import jax
    _d = setup_inputs()
    print(jax.jit(kernel)(*tuple(_d.values())))

</pallas_src>

<mosaic_0001>
#map = affine_map<(d0, d1) -> (0, 0)>
#map1 = affine_map<(d0, d1) -> (0)>
module attributes {stable_mosaic.version = 14 : i64} {
  func.func @_sc_idx_body(%arg0: i32, %arg1: i32, %arg2: memref<8192x1024xf32, #tpu.memory_space<hbm>>, %arg3: memref<256xi32, #tpu.memory_space<hbm>>, %arg4: memref<6144x16xf32, #tpu.memory_space<hbm>>, %arg5: memref<64x1024xf32, #tpu.memory_space<vmem>>, %arg6: memref<256xi32, #tpu.memory_space<vmem>>, %arg7: memref<64x16xf32, #tpu.memory_space<vmem>>) attributes {dimension_semantics = [#tpu.dimension_semantics<core_parallel>, #tpu.dimension_semantics<subcore_parallel>], iteration_bounds = array<i64: 2, 16>, scalar_prefetch = 0 : i64, scratch_operands = 3 : i64, tpu.core_type = #tpu.core_type<sc_vector_subcore>, window_params = [{transform_indices = #map}, {transform_indices = #map1}, {transform_indices = #map}]} {
    %mul3A = arith.constant 2 : i32
    %mul3A_0 = arith.muli %arg1, %mul3A : i32
    %add3A = arith.addi %mul3A_0, %arg0 : i32
    %mul3A_1 = arith.constant 192 : i32
    %mul3A_2 = arith.muli %add3A, %mul3A_1 : i32
    "tpu.region"() ({
      %run_scoped3A = tpu.sem_alloc : memref<!tpu.dma_semaphore, #tpu.memory_space<semaphore_mem>>
      tpu.enqueue_dma source(%arg3 : memref<256xi32, #tpu.memory_space<hbm>>) target(%arg6 : memref<256xi32, #tpu.memory_space<vmem>>) target_semaphore(%run_scoped3A : memref<!tpu.dma_semaphore, #tpu.memory_space<semaphore_mem>>)
      tpu.wait_dma2 semaphore(%run_scoped3A : memref<!tpu.dma_semaphore, #tpu.memory_space<semaphore_mem>>) src(%arg3 : memref<256xi32, #tpu.memory_space<hbm>>) dst(%arg6 : memref<256xi32, #tpu.memory_space<vmem>>)
      tpu.yield
    }) : () -> ()
    %scan3A = arith.constant 0 : i32
    %scan3A_3 = arith.constant 0 : i32
    %scan3A_4 = arith.constant 3 : i32
    %scan3A_5 = arith.addi %scan3A_3, %scan3A_4 : i32
    %scan3A_6 = arith.constant 1 : i32
    scf.for %scan3A_8 = %scan3A_3 to %scan3A_5 step %scan3A_6  : i32 {
      %mul3A_9 = arith.constant 64 : i32
      %mul3A_10 = arith.muli %scan3A_8, %mul3A_9 : i32
      %add3A_11 = arith.addi %mul3A_2, %mul3A_10 : i32
      %add3A_12 = arith.constant 2048 : i32
      %add3A_13 = arith.addi %add3A_12, %add3A_11 : i32
      "tpu.region"() ({
        %run_scoped3A = tpu.sem_alloc : memref<!tpu.dma_semaphore, #tpu.memory_space<semaphore_mem>>
        %dma_start3A = arith.constant 0 : i32
        %dma_start3A_20 = tpu.memref_slice %arg2[%add3A_13, %dma_start3A] : memref<8192x1024xf32, #tpu.memory_space<hbm>> -> memref<64x1024xf32, #tpu.memory_space<hbm>>
        %dma_start3A_21 = arith.constant 0 : i32
        %dma_start3A_22 = tpu.memref_slice %arg2[%add3A_13, %dma_start3A_21] : memref<8192x1024xf32, #tpu.memory_space<hbm>> -> memref<64x1024xf32, #tpu.memory_space<hbm>>
        tpu.enqueue_dma source(%dma_start3A_22 : memref<64x1024xf32, #tpu.memory_space<hbm>>) target(%arg5 : memref<64x1024xf32, #tpu.memory_space<vmem>>) target_semaphore(%run_scoped3A : memref<!tpu.dma_semaphore, #tpu.memory_space<semaphore_mem>>)
        %dma_wait3A = arith.constant 0 : i32
        %dma_wait3A_23 = tpu.memref_slice %arg2[%add3A_13, %dma_wait3A] : memref<8192x1024xf32, #tpu.memory_space<hbm>> -> memref<64x1024xf32, #tpu.memory_space<hbm>>
        %dma_wait3A_24 = arith.constant 0 : i32
        %dma_wait3A_25 = tpu.memref_slice %arg2[%add3A_13, %dma_wait3A_24] : memref<8192x1024xf32, #tpu.memory_space<hbm>> -> memref<64x1024xf32, #tpu.memory_space<hbm>>
        tpu.wait_dma2 semaphore(%run_scoped3A : memref<!tpu.dma_semaphore, #tpu.memory_space<semaphore_mem>>) src(%dma_wait3A_25 : memref<64x1024xf32, #tpu.memory_space<hbm>>) dst(%arg5 : memref<64x1024xf32, #tpu.memory_space<vmem>>)
        tpu.yield
      }) : () -> ()
      %scan3A_14 = arith.constant 0 : i32
      %scan3A_15 = arith.constant 0 : i32
      %scan3A_16 = arith.constant 64 : i32
      %scan3A_17 = arith.addi %scan3A_15, %scan3A_16 : i32
      %scan3A_18 = arith.constant 4 : i32
      scf.for %scan3A_20 = %scan3A_15 to %scan3A_17 step %scan3A_18  : i32 {
        %broadcast_in_dim3A = vector.broadcast %scan3A_20 : i32 to vector<16xi32>
        %broadcast_in_dim3A_21 = arith.constant 0.000000e+00 : f32
        %broadcast_in_dim3A_22 = vector.broadcast %broadcast_in_dim3A_21 : f32 to vector<16xf32>
        %get3A = arith.constant 0 : index
        %get3A_23 = tpu.vector_load %arg6[%get3A] {strides = array<i32>} : memref<256xi32, #tpu.memory_space<vmem>>, vector<16xi32>,
        %get3A_24 = arith.constant 128 : index
        %get3A_25 = tpu.vector_load %arg6[%get3A_24] {strides = array<i32>} : memref<256xi32, #tpu.memory_space<vmem>>, vector<16xi32>,
        %gather3A = tpu.vector_load_idx %arg5[%broadcast_in_dim3A, %get3A_23] : memref<64x1024xf32, #tpu.memory_space<vmem>>[vector<16xi32>, vector<16xi32>], vector<16xf32>,
        %gather3A_26 = tpu.vector_load_idx %arg5[%broadcast_in_dim3A, %get3A_25] : memref<64x1024xf32, #tpu.memory_space<vmem>>[vector<16xi32>, vector<16xi32>], vector<16xf32>,
        %sub3A = arith.subf %gather3A, %gather3A_26 : vector<16xf32>
        %gt3A = arith.constant 0.000000e+00 : f32
        %gt3A_27 = vector.broadcast %gt3A : f32 to vector<16xf32>
        %gt3A_28 = arith.cmpf ogt, %sub3A, %gt3A_27 : vector<16xf32>
        %jit3A = arith.constant 1.000000e+00 : f32
        %jit3A_29 = arith.constant 0.000000e+00 : f32
        %broadcast_in_dim3A_30 = vector.broadcast %jit3A : f32 to vector<16xf32>
        %broadcast_in_dim3A_31 = vector.broadcast %jit3A_29 : f32 to vector<16xf32>
        %select_n3A = arith.select %gt3A_28, %broadcast_in_dim3A_30, %broadcast_in_dim3A_31 : vector<16xi1>, vector<16xf32>
        %add3A_32 = arith.addf %broadcast_in_dim3A_22, %select_n3A : vector<16xf32>
        %get3A_33 = arith.constant 16 : index
        %get3A_34 = tpu.vector_load %arg6[%get3A_33] {strides = array<i32>} : memref<256xi32, #tpu.memory_space<vmem>>, vector<16xi32>,
        %get3A_35 = arith.constant 144 : index
        %get3A_36 = tpu.vector_load %arg6[%get3A_35] {strides = array<i32>} : memref<256xi32, #tpu.memory_space<vmem>>, vector<16xi32>,
        %gather3A_37 = tpu.vector_load_idx %arg5[%broadcast_in_dim3A, %get3A_34] : memref<64x1024xf32, #tpu.memory_space<vmem>>[vector<16xi32>, vector<16xi32>], vector<16xf32>,
        %gather3A_38 = tpu.vector_load_idx %arg5[%broadcast_in_dim3A, %get3A_36] : memref<64x1024xf32, #tpu.memory_space<vmem>>[vector<16xi32>, vector<16xi32>], vector<16xf32>,
        %sub3A_39 = arith.subf %gather3A_37, %gather3A_38 : vector<16xf32>
        %gt3A_40 = arith.constant 0.000000e+00 : f32
        %gt3A_41 = vector.broadcast %gt3A_40 : f32 to vector<16xf32>
        %gt3A_42 = arith.cmpf ogt, %sub3A_39, %gt3A_41 : vector<16xf32>
        %jit3A_43 = arith.constant 2.000000e+00 : f32
        %jit3A_44 = arith.constant 0.000000e+00 : f32
        %broadcast_in_dim3A_45 = vector.broadcast %jit3A_43 : f32 to vector<16xf32>
        %broadcast_in_dim3A_46 = vector.broadcast %jit3A_44 : f32 to vector<16xf32>
        %select_n3A_47 = arith.select %gt3A_42, %broadcast_in_dim3A_45, %broadcast_in_dim3A_46 : vector<16xi1>, vector<16xf32>
        %add3A_48 = arith.addf %add3A_32, %select_n3A_47 : vector<16xf32>
        %get3A_49 = arith.constant 32 : index
        %get3A_50 = tpu.vector_load %arg6[%get3A_49] {strides = array<i32>} : memref<256xi32, #tpu.memory_space<vmem>>, vector<16xi32>,
        %get3A_51 = arith.constant 160 : index
        %get3A_52 = tpu.vector_load %arg6[%get3A_51] {strides = array<i32>} : memref<256xi32, #tpu.memory_space<vmem>>, vector<16xi32>,
        %gather3A_53 = tpu.vector_load_idx %arg5[%broadcast_in_dim3A, %get3A_50] : memref<64x1024xf32, #tpu.memory_space<vmem>>[vector<16xi32>, vector<16xi32>], vector<16xf32>,
        %gather3A_54 = tpu.vector_load_idx %arg5[%broadcast_in_dim3A, %get3A_52] : memref<64x1024xf32, #tpu.memory_space<vmem>>[vector<16xi32>, vector<16xi32>], vector<16xf32>,
        %sub3A_55 = arith.subf %gather3A_53, %gather3A_54 : vector<16xf32>
        %gt3A_56 = arith.constant 0.000000e+00 : f32
        %gt3A_57 = vector.broadcast %gt3A_56 : f32 to vector<16xf32>
        %gt3A_58 = arith.cmpf ogt, %sub3A_55, %gt3A_57 : vector<16xf32>
        %jit3A_59 = arith.constant 4.000000e+00 : f32
        %jit3A_60 = arith.constant 0.000000e+00 : f32
        %broadcast_in_dim3A_61 = vector.broadcast %jit3A_59 : f32 to vector<16xf32>
        %broadcast_in_dim3A_62 = vector.broadcast %jit3A_60 : f32 to vector<16xf32>
        %select_n3A_63 = arith.select %gt3A_58, %broadcast_in_dim3A_61, %broadcast_in_dim3A_62 : vector<16xi1>, vector<16xf32>
        %add3A_64 = arith.addf %add3A_48, %select_n3A_63 : vector<16xf32>
        %get3A_65 = arith.constant 48 : index
        %get3A_66 = tpu.vector_load %arg6[%get3A_65] {strides = array<i32>} : memref<256xi32, #tpu.memory_space<vmem>>, vector<16xi32>,
        %get3A_67 = arith.constant 176 : index
        %get3A_68 = tpu.vector_load %arg6[%get3A_67] {strides = array<i32>} : memref<256xi32, #tpu.memory_space<vmem>>, vector<16xi32>,
        %gather3A_69 = tpu.vector_load_idx %arg5[%broadcast_in_dim3A, %get3A_66] : memref<64x1024xf32, #tpu.memory_space<vmem>>[vector<16xi32>, vector<16xi32>], vector<16xf32>,
        %gather3A_70 = tpu.vector_load_idx %arg5[%broadcast_in_dim3A, %get3A_68] : memref<64x1024xf32, #tpu.memory_space<vmem>>[vector<16xi32>, vector<16xi32>], vector<16xf32>,
        %sub3A_71 = arith.subf %gather3A_69, %gather3A_70 : vector<16xf32>
        %gt3A_72 = arith.constant 0.000000e+00 : f32
        %gt3A_73 = vector.broadcast %gt3A_72 : f32 to vector<16xf32>
        %gt3A_74 = arith.cmpf ogt, %sub3A_71, %gt3A_73 : vector<16xf32>
        %jit3A_75 = arith.constant 8.000000e+00 : f32
        %jit3A_76 = arith.constant 0.000000e+00 : f32
        %broadcast_in_dim3A_77 = vector.broadcast %jit3A_75 : f32 to vector<16xf32>
        %broadcast_in_dim3A_78 = vector.broadcast %jit3A_76 : f32 to vector<16xf32>
        %select_n3A_79 = arith.select %gt3A_74, %broadcast_in_dim3A_77, %broadcast_in_dim3A_78 : vector<16xi1>, vector<16xf32>
        %add3A_80 = arith.addf %add3A_64, %select_n3A_79 : vector<16xf32>
        %get3A_81 = arith.constant 64 : index
        %get3A_82 = tpu.vector_load %arg6[%get3A_81] {strides = array<i32>} : memref<256xi32, #tpu.memory_space<vmem>>, vector<16xi32>,
        %get3A_83 = arith.constant 192 : index
        %get3A_84 = tpu.vector_load %arg6[%get3A_83] {strides = array<i32>} : memref<256xi32, #tpu.memory_space<vmem>>, vector<16xi32>,
        %gather3A_85 = tpu.vector_load_idx %arg5[%broadcast_in_dim3A, %get3A_82] : memref<64x1024xf32, #tpu.memory_space<vmem>>[vector<16xi32>, vector<16xi32>], vector<16xf32>,
        %gather3A_86 = tpu.vector_load_idx %arg5[%broadcast_in_dim3A, %get3A_84] : memref<64x1024xf32, #tpu.memory_space<vmem>>[vector<16xi32>, vector<16xi32>], vector<16xf32>,
        %sub3A_87 = arith.subf %gather3A_85, %gather3A_86 : vector<16xf32>
        %gt3A_88 = arith.constant 0.000000e+00 : f32
        %gt3A_89 = vector.broadcast %gt3A_88 : f32 to vector<16xf32>
        %gt3A_90 = arith.cmpf ogt, %sub3A_87, %gt3A_89 : vector<16xf32>
        %jit3A_91 = arith.constant 1.600000e+01 : f32
        %jit3A_92 = arith.constant 0.000000e+00 : f32
        %broadcast_in_dim3A_93 = vector.broadcast %jit3A_91 : f32 to vector<16xf32>
        %broadcast_in_dim3A_94 = vector.broadcast %jit3A_92 : f32 to vector<16xf32>
        %select_n3A_95 = arith.select %gt3A_90, %broadcast_in_dim3A_93, %broadcast_in_dim3A_94 : vector<16xi1>, vector<16xf32>
        %add3A_96 = arith.addf %add3A_80, %select_n3A_95 : vector<16xf32>
        %get3A_97 = arith.constant 80 : index
        %get3A_98 = tpu.vector_load %arg6[%get3A_97] {strides = array<i32>} : memref<256xi32, #tpu.memory_space<vmem>>, vector<16xi32>,
        %get3A_99 = arith.constant 208 : index
        %get3A_100 = tpu.vector_load %arg6[%get3A_99] {strides = array<i32>} : memref<256xi32, #tpu.memory_space<vmem>>, vector<16xi32>,
        %gather3A_101 = tpu.vector_load_idx %arg5[%broadcast_in_dim3A, %get3A_98] : memref<64x1024xf32, #tpu.memory_space<vmem>>[vector<16xi32>, vector<16xi32>], vector<16xf32>,
        %gather3A_102 = tpu.vector_load_idx %arg5[%broadcast_in_dim3A, %get3A_100] : memref<64x1024xf32, #tpu.memory_space<vmem>>[vector<16xi32>, vector<16xi32>], vector<16xf32>,
        %sub3A_103 = arith.subf %gather3A_101, %gather3A_102 : vector<16xf32>
        %gt3A_104 = arith.constant 0.000000e+00 : f32
        %gt3A_105 = vector.broadcast %gt3A_104 : f32 to vector<16xf32>
        %gt3A_106 = arith.cmpf ogt, %sub3A_103, %gt3A_105 : vector<16xf32>
        %jit3A_107 = arith.constant 3.200000e+01 : f32
        %jit3A_108 = arith.constant 0.000000e+00 : f32
        %broadcast_in_dim3A_109 = vector.broadcast %jit3A_107 : f32 to vector<16xf32>
        %broadcast_in_dim3A_110 = vector.broadcast %jit3A_108 : f32 to vector<16xf32>
        %select_n3A_111 = arith.select %gt3A_106, %broadcast_in_dim3A_109, %broadcast_in_dim3A_110 : vector<16xi1>, vector<16xf32>
        %add3A_112 = arith.addf %add3A_96, %select_n3A_111 : vector<16xf32>
        %get3A_113 = arith.constant 96 : index
        %get3A_114 = tpu.vector_load %arg6[%get3A_113] {strides = array<i32>} : memref<256xi32, #tpu.memory_space<vmem>>, vector<16xi32>,
        %get3A_115 = arith.constant 224 : index
        %get3A_116 = tpu.vector_load %arg6[%get3A_115] {strides = array<i32>} : memref<256xi32, #tpu.memory_space<vmem>>, vector<16xi32>,
        %gather3A_117 = tpu.vector_load_idx %arg5[%broadcast_in_dim3A, %get3A_114] : memref<64x1024xf32, #tpu.memory_space<vmem>>[vector<16xi32>, vector<16xi32>], vector<16xf32>,
        %gather3A_118 = tpu.vector_load_idx %arg5[%broadcast_in_dim3A, %get3A_116] : memref<64x1024xf32, #tpu.memory_space<vmem>>[vector<16xi32>, vector<16xi32>], vector<16xf32>,
        %sub3A_119 = arith.subf %gather3A_117, %gather3A_118 : vector<16xf32>
        %gt3A_120 = arith.constant 0.000000e+00 : f32
        %gt3A_121 = vector.broadcast %gt3A_120 : f32 to vector<16xf32>
        %gt3A_122 = arith.cmpf ogt, %sub3A_119, %gt3A_121 : vector<16xf32>
        %jit3A_123 = arith.constant 6.400000e+01 : f32
        %jit3A_124 = arith.constant 0.000000e+00 : f32
        %broadcast_in_dim3A_125 = vector.broadcast %jit3A_123 : f32 to vector<16xf32>
        %broadcast_in_dim3A_126 = vector.broadcast %jit3A_124 : f32 to vector<16xf32>
        %select_n3A_127 = arith.select %gt3A_122, %broadcast_in_dim3A_125, %broadcast_in_dim3A_126 : vector<16xi1>, vector<16xf32>
        %add3A_128 = arith.addf %add3A_112, %select_n3A_127 : vector<16xf32>
        %get3A_129 = arith.constant 112 : index
        %get3A_130 = tpu.vector_load %arg6[%get3A_129] {strides = array<i32>} : memref<256xi32, #tpu.memory_space<vmem>>, vector<16xi32>,
        %get3A_131 = arith.constant 240 : index
        %get3A_132 = tpu.vector_load %arg6[%get3A_131] {strides = array<i32>} : memref<256xi32, #tpu.memory_space<vmem>>, vector<16xi32>,
        %gather3A_133 = tpu.vector_load_idx %arg5[%broadcast_in_dim3A, %get3A_130] : memref<64x1024xf32, #tpu.memory_space<vmem>>[vector<16xi32>, vector<16xi32>], vector<16xf32>,
        %gather3A_134 = tpu.vector_load_idx %arg5[%broadcast_in_dim3A, %get3A_132] : memref<64x1024xf32, #tpu.memory_space<vmem>>[vector<16xi32>, vector<16xi32>], vector<16xf32>,
        %sub3A_135 = arith.subf %gather3A_133, %gather3A_134 : vector<16xf32>
        %gt3A_136 = arith.constant 0.000000e+00 : f32
        %gt3A_137 = vector.broadcast %gt3A_136 : f32 to vector<16xf32>
        %gt3A_138 = arith.cmpf ogt, %sub3A_135, %gt3A_137 : vector<16xf32>
        %jit3A_139 = arith.constant 1.280000e+02 : f32
        %jit3A_140 = arith.constant 0.000000e+00 : f32
        %broadcast_in_dim3A_141 = vector.broadcast %jit3A_139 : f32 to vector<16xf32>
        %broadcast_in_dim3A_142 = vector.broadcast %jit3A_140 : f32 to vector<16xf32>
        %select_n3A_143 = arith.select %gt3A_138, %broadcast_in_dim3A_141, %broadcast_in_dim3A_142 : vector<16xi1>, vector<16xf32>
        %add3A_144 = arith.addf %add3A_128, %select_n3A_143 : vector<16xf32>
        %swap3A = arith.index_cast %scan3A_20 : i32 to index
        %swap3A_145 = arith.constant 0 : index
        %swap3A_146 = tpu.vector_load %arg7[%swap3A, %swap3A_145] {strides = array<i32>} : memref<64x16xf32, #tpu.memory_space<vmem>>, vector<16xf32>,
        tpu.vector_store %arg7[%swap3A, %swap3A_145], %add3A_144 {strides = array<i32>} : memref<64x16xf32, #tpu.memory_space<vmem>>, vector<16xf32>,
        %scan3A_147 = arith.constant 1 : i32
        %scan3A_148 = arith.addi %scan3A_20, %scan3A_147 : i32
        %broadcast_in_dim3A_149 = vector.broadcast %scan3A_148 : i32 to vector<16xi32>
        %broadcast_in_dim3A_150 = arith.constant 0.000000e+00 : f32
        %broadcast_in_dim3A_151 = vector.broadcast %broadcast_in_dim3A_150 : f32 to vector<16xf32>
        %get3A_152 = arith.constant 0 : index
        %get3A_153 = tpu.vector_load %arg6[%get3A_152] {strides = array<i32>} : memref<256xi32, #tpu.memory_space<vmem>>, vector<16xi32>,
        %get3A_154 = arith.constant 128 : index
        %get3A_155 = tpu.vector_load %arg6[%get3A_154] {strides = array<i32>} : memref<256xi32, #tpu.memory_space<vmem>>, vector<16xi32>,
        %gather3A_156 = tpu.vector_load_idx %arg5[%broadcast_in_dim3A_149, %get3A_153] : memref<64x1024xf32, #tpu.memory_space<vmem>>[vector<16xi32>, vector<16xi32>], vector<16xf32>,
        %gather3A_157 = tpu.vector_load_idx %arg5[%broadcast_in_dim3A_149, %get3A_155] : memref<64x1024xf32, #tpu.memory_space<vmem>>[vector<16xi32>, vector<16xi32>], vector<16xf32>,
        %sub3A_158 = arith.subf %gather3A_156, %gather3A_157 : vector<16xf32>
        %gt3A_159 = arith.constant 0.000000e+00 : f32
        %gt3A_160 = vector.broadcast %gt3A_159 : f32 to vector<16xf32>
        %gt3A_161 = arith.cmpf ogt, %sub3A_158, %gt3A_160 : vector<16xf32>
        %jit3A_162 = arith.constant 1.000000e+00 : f32
        %jit3A_163 = arith.constant 0.000000e+00 : f32
        %broadcast_in_dim3A_164 = vector.broadcast %jit3A_162 : f32 to vector<16xf32>
        %broadcast_in_dim3A_165 = vector.broadcast %jit3A_163 : f32 to vector<16xf32>
        %select_n3A_166 = arith.select %gt3A_161, %broadcast_in_dim3A_164, %broadcast_in_dim3A_165 : vector<16xi1>, vector<16xf32>
        %add3A_167 = arith.addf %broadcast_in_dim3A_151, %select_n3A_166 : vector<16xf32>
        %get3A_168 = arith.constant 16 : index
        %get3A_169 = tpu.vector_load %arg6[%get3A_168] {strides = array<i32>} : memref<256xi32, #tpu.memory_space<vmem>>, vector<16xi32>,
        %get3A_170 = arith.constant 144 : index
        %get3A_171 = tpu.vector_load %arg6[%get3A_170] {strides = array<i32>} : memref<256xi32, #tpu.memory_space<vmem>>, vector<16xi32>,
        %gather3A_172 = tpu.vector_load_idx %arg5[%broadcast_in_dim3A_149, %get3A_169] : memref<64x1024xf32, #tpu.memory_space<vmem>>[vector<16xi32>, vector<16xi32>], vector<16xf32>,
        %gather3A_173 = tpu.vector_load_idx %arg5[%broadcast_in_dim3A_149, %get3A_171] : memref<64x1024xf32, #tpu.memory_space<vmem>>[vector<16xi32>, vector<16xi32>], vector<16xf32>,
        %sub3A_174 = arith.subf %gather3A_172, %gather3A_173 : vector<16xf32>
        %gt3A_175 = arith.constant 0.000000e+00 : f32
        %gt3A_176 = vector.broadcast %gt3A_175 : f32 to vector<16xf32>
        %gt3A_177 = arith.cmpf ogt, %sub3A_174, %gt3A_176 : vector<16xf32>
        %jit3A_178 = arith.constant 2.000000e+00 : f32
        %jit3A_179 = arith.constant 0.000000e+00 : f32
        %broadcast_in_dim3A_180 = vector.broadcast %jit3A_178 : f32 to vector<16xf32>
        %broadcast_in_dim3A_181 = vector.broadcast %jit3A_179 : f32 to vector<16xf32>
        %select_n3A_182 = arith.select %gt3A_177, %broadcast_in_dim3A_180, %broadcast_in_dim3A_181 : vector<16xi1>, vector<16xf32>
        %add3A_183 = arith.addf %add3A_167, %select_n3A_182 : vector<16xf32>
        %get3A_184 = arith.constant 32 : index
        %get3A_185 = tpu.vector_load %arg6[%get3A_184] {strides = array<i32>} : memref<256xi32, #tpu.memory_space<vmem>>, vector<16xi32>,
        %get3A_186 = arith.constant 160 : index
        %get3A_187 = tpu.vector_load %arg6[%get3A_186] {strides = array<i32>} : memref<256xi32, #tpu.memory_space<vmem>>, vector<16xi32>,
        %gather3A_188 = tpu.vector_load_idx %arg5[%broadcast_in_dim3A_149, %get3A_185] : memref<64x1024xf32, #tpu.memory_space<vmem>>[vector<16xi32>, vector<16xi32>], vector<16xf32>,
        %gather3A_189 = tpu.vector_load_idx %arg5[%broadcast_in_dim3A_149, %get3A_187] : memref<64x1024xf32, #tpu.memory_space<vmem>>[vector<16xi32>, vector<16xi32>], vector<16xf32>,
        %sub3A_190 = arith.subf %gather3A_188, %gather3A_189 : vector<16xf32>
        %gt3A_191 = arith.constant 0.000000e+00 : f32
        %gt3A_192 = vector.broadcast %gt3A_191 : f32 to vector<16xf32>
        %gt3A_193 = arith.cmpf ogt, %sub3A_190, %gt3A_192 : vector<16xf32>
        %jit3A_194 = arith.constant 4.000000e+00 : f32
        %jit3A_195 = arith.constant 0.000000e+00 : f32
        %broadcast_in_dim3A_196 = vector.broadcast %jit3A_194 : f32 to vector<16xf32>
        %broadcast_in_dim3A_197 = vector.broadcast %jit3A_195 : f32 to vector<16xf32>
        %select_n3A_198 = arith.select %gt3A_193, %broadcast_in_dim3A_196, %broadcast_in_dim3A_197 : vector<16xi1>, vector<16xf32>
        %add3A_199 = arith.addf %add3A_183, %select_n3A_198 : vector<16xf32>
        %get3A_200 = arith.constant 48 : index
        %get3A_201 = tpu.vector_load %arg6[%get3A_200] {strides = array<i32>} : memref<256xi32, #tpu.memory_space<vmem>>, vector<16xi32>,
        %get3A_202 = arith.constant 176 : index
        %get3A_203 = tpu.vector_load %arg6[%get3A_202] {strides = array<i32>} : memref<256xi32, #tpu.memory_space<vmem>>, vector<16xi32>,
        %gather3A_204 = tpu.vector_load_idx %arg5[%broadcast_in_dim3A_149, %get3A_201] : memref<64x1024xf32, #tpu.memory_space<vmem>>[vector<16xi32>, vector<16xi32>], vector<16xf32>,
        %gather3A_205 = tpu.vector_load_idx %arg5[%broadcast_in_dim3A_149, %get3A_203] : memref<64x1024xf32, #tpu.memory_space<vmem>>[vector<16xi32>, vector<16xi32>], vector<16xf32>,
        %sub3A_206 = arith.subf %gather3A_204, %gather3A_205 : vector<16xf32>
        %gt3A_207 = arith.constant 0.000000e+00 : f32
        %gt3A_208 = vector.broadcast %gt3A_207 : f32 to vector<16xf32>
        %gt3A_209 = arith.cmpf ogt, %sub3A_206, %gt3A_208 : vector<16xf32>
        %jit3A_210 = arith.constant 8.000000e+00 : f32
        %jit3A_211 = arith.constant 0.000000e+00 : f32
        %broadcast_in_dim3A_212 = vector.broadcast %jit3A_210 : f32 to vector<16xf32>
        %broadcast_in_dim3A_213 = vector.broadcast %jit3A_211 : f32 to vector<16xf32>
        %select_n3A_214 = arith.select %gt3A_209, %broadcast_in_dim3A_212, %broadcast_in_dim3A_213 : vector<16xi1>, vector<16xf32>
        %add3A_215 = arith.addf %add3A_199, %select_n3A_214 : vector<16xf32>
        %get3A_216 = arith.constant 64 : index
        %get3A_217 = tpu.vector_load %arg6[%get3A_216] {strides = array<i32>} : memref<256xi32, #tpu.memory_space<vmem>>, vector<16xi32>,
        %get3A_218 = arith.constant 192 : index
        %get3A_219 = tpu.vector_load %arg6[%get3A_218] {strides = array<i32>} : memref<256xi32, #tpu.memory_space<vmem>>, vector<16xi32>,
        %gather3A_220 = tpu.vector_load_idx %arg5[%broadcast_in_dim3A_149, %get3A_217] : memref<64x1024xf32, #tpu.memory_space<vmem>>[vector<16xi32>, vector<16xi32>], vector<16xf32>,
        %gather3A_221 = tpu.vector_load_idx %arg5[%broadcast_in_dim3A_149, %get3A_219] : memref<64x1024xf32, #tpu.memory_space<vmem>>[vector<16xi32>, vector<16xi32>], vector<16xf32>,
        %sub3A_222 = arith.subf %gather3A_220, %gather3A_221 : vector<16xf32>
        %gt3A_223 = arith.constant 0.000000e+00 : f32
        %gt3A_224 = vector.broadcast %gt3A_223 : f32 to vector<16xf32>
        %gt3A_225 = arith.cmpf ogt, %sub3A_222, %gt3A_224 : vector<16xf32>
        %jit3A_226 = arith.constant 1.600000e+01 : f32
        %jit3A_227 = arith.constant 0.000000e+00 : f32
        %broadcast_in_dim3A_228 = vector.broadcast %jit3A_226 : f32 to vector<16xf32>
        %broadcast_in_dim3A_229 = vector.broadcast %jit3A_227 : f32 to vector<16xf32>
        %select_n3A_230 = arith.select %gt3A_225, %broadcast_in_dim3A_228, %broadcast_in_dim3A_229 : vector<16xi1>, vector<16xf32>
        %add3A_231 = arith.addf %add3A_215, %select_n3A_230 : vector<16xf32>
        %get3A_232 = arith.constant 80 : index
        %get3A_233 = tpu.vector_load %arg6[%get3A_232] {strides = array<i32>} : memref<256xi32, #tpu.memory_space<vmem>>, vector<16xi32>,
        %get3A_234 = arith.constant 208 : index
        %get3A_235 = tpu.vector_load %arg6[%get3A_234] {strides = array<i32>} : memref<256xi32, #tpu.memory_space<vmem>>, vector<16xi32>,
        %gather3A_236 = tpu.vector_load_idx %arg5[%broadcast_in_dim3A_149, %get3A_233] : memref<64x1024xf32, #tpu.memory_space<vmem>>[vector<16xi32>, vector<16xi32>], vector<16xf32>,
        %gather3A_237 = tpu.vector_load_idx %arg5[%broadcast_in_dim3A_149, %get3A_235] : memref<64x1024xf32, #tpu.memory_space<vmem>>[vector<16xi32>, vector<16xi32>], vector<16xf32>,
        %sub3A_238 = arith.subf %gather3A_236, %gather3A_237 : vector<16xf32>
        %gt3A_239 = arith.constant 0.000000e+00 : f32
        %gt3A_240 = vector.broadcast %gt3A_239 : f32 to vector<16xf32>
        %gt3A_241 = arith.cmpf ogt, %sub3A_238, %gt3A_240 : vector<16xf32>
        %jit3A_242 = arith.constant 3.200000e+01 : f32
        %jit3A_243 = arith.constant 0.000000e+00 : f32
        %broadcast_in_dim3A_244 = vector.broadcast %jit3A_242 : f32 to vector<16xf32>
        %broadcast_in_dim3A_245 = vector.broadcast %jit3A_243 : f32 to vector<16xf32>
        %select_n3A_246 = arith.select %gt3A_241, %broadcast_in_dim3A_244, %broadcast_in_dim3A_245 : vector<16xi1>, vector<16xf32>
        %add3A_247 = arith.addf %add3A_231, %select_n3A_246 : vector<16xf32>
        %get3A_248 = arith.constant 96 : index
        %get3A_249 = tpu.vector_load %arg6[%get3A_248] {strides = array<i32>} : memref<256xi32, #tpu.memory_space<vmem>>, vector<16xi32>,
        %get3A_250 = arith.constant 224 : index
        %get3A_251 = tpu.vector_load %arg6[%get3A_250] {strides = array<i32>} : memref<256xi32, #tpu.memory_space<vmem>>, vector<16xi32>,
        %gather3A_252 = tpu.vector_load_idx %arg5[%broadcast_in_dim3A_149, %get3A_249] : memref<64x1024xf32, #tpu.memory_space<vmem>>[vector<16xi32>, vector<16xi32>], vector<16xf32>,
        %gather3A_253 = tpu.vector_load_idx %arg5[%broadcast_in_dim3A_149, %get3A_251] : memref<64x1024xf32, #tpu.memory_space<vmem>>[vector<16xi32>, vector<16xi32>], vector<16xf32>,
        %sub3A_254 = arith.subf %gather3A_252, %gather3A_253 : vector<16xf32>
        %gt3A_255 = arith.constant 0.000000e+00 : f32
        %gt3A_256 = vector.broadcast %gt3A_255 : f32 to vector<16xf32>
        %gt3A_257 = arith.cmpf ogt, %sub3A_254, %gt3A_256 : vector<16xf32>
        %jit3A_258 = arith.constant 6.400000e+01 : f32
        %jit3A_259 = arith.constant 0.000000e+00 : f32
        %broadcast_in_dim3A_260 = vector.broadcast %jit3A_258 : f32 to vector<16xf32>
        %broadcast_in_dim3A_261 = vector.broadcast %jit3A_259 : f32 to vector<16xf32>
        %select_n3A_262 = arith.select %gt3A_257, %broadcast_in_dim3A_260, %broadcast_in_dim3A_261 : vector<16xi1>, vector<16xf32>
        %add3A_263 = arith.addf %add3A_247, %select_n3A_262 : vector<16xf32>
        %get3A_264 = arith.constant 112 : index
        %get3A_265 = tpu.vector_load %arg6[%get3A_264] {strides = array<i32>} : memref<256xi32, #tpu.memory_space<vmem>>, vector<16xi32>,
        %get3A_266 = arith.constant 240 : index
        %get3A_267 = tpu.vector_load %arg6[%get3A_266] {strides = array<i32>} : memref<256xi32, #tpu.memory_space<vmem>>, vector<16xi32>,
        %gather3A_268 = tpu.vector_load_idx %arg5[%broadcast_in_dim3A_149, %get3A_265] : memref<64x1024xf32, #tpu.memory_space<vmem>>[vector<16xi32>, vector<16xi32>], vector<16xf32>,
        %gather3A_269 = tpu.vector_load_idx %arg5[%broadcast_in_dim3A_149, %get3A_267] : memref<64x1024xf32, #tpu.memory_space<vmem>>[vector<16xi32>, vector<16xi32>], vector<16xf32>,
        %sub3A_270 = arith.subf %gather3A_268, %gather3A_269 : vector<16xf32>
        %gt3A_271 = arith.constant 0.000000e+00 : f32
        %gt3A_272 = vector.broadcast %gt3A_271 : f32 to vector<16xf32>
        %gt3A_273 = arith.cmpf ogt, %sub3A_270, %gt3A_272 : vector<16xf32>
        %jit3A_274 = arith.constant 1.280000e+02 : f32
        %jit3A_275 = arith.constant 0.000000e+00 : f32
        %broadcast_in_dim3A_276 = vector.broadcast %jit3A_274 : f32 to vector<16xf32>
        %broadcast_in_dim3A_277 = vector.broadcast %jit3A_275 : f32 to vector<16xf32>
        %select_n3A_278 = arith.select %gt3A_273, %broadcast_in_dim3A_276, %broadcast_in_dim3A_277 : vector<16xi1>, vector<16xf32>
        %add3A_279 = arith.addf %add3A_263, %select_n3A_278 : vector<16xf32>
        %swap3A_280 = arith.index_cast %scan3A_148 : i32 to index
        %swap3A_281 = arith.constant 0 : index
        %swap3A_282 = tpu.vector_load %arg7[%swap3A_280, %swap3A_281] {strides = array<i32>} : memref<64x16xf32, #tpu.memory_space<vmem>>, vector<16xf32>,
        tpu.vector_store %arg7[%swap3A_280, %swap3A_281], %add3A_279 {strides = array<i32>} : memref<64x16xf32, #tpu.memory_space<vmem>>, vector<16xf32>,
        %scan3A_283 = arith.constant 2 : i32
        %scan3A_284 = arith.addi %scan3A_20, %scan3A_283 : i32
        %broadcast_in_dim3A_285 = vector.broadcast %scan3A_284 : i32 to vector<16xi32>
        %broadcast_in_dim3A_286 = arith.constant 0.000000e+00 : f32
        %broadcast_in_dim3A_287 = vector.broadcast %broadcast_in_dim3A_286 : f32 to vector<16xf32>
        %get3A_288 = arith.constant 0 : index
        %get3A_289 = tpu.vector_load %arg6[%get3A_288] {strides = array<i32>} : memref<256xi32, #tpu.memory_space<vmem>>, vector<16xi32>,
        %get3A_290 = arith.constant 128 : index
        %get3A_291 = tpu.vector_load %arg6[%get3A_290] {strides = array<i32>} : memref<256xi32, #tpu.memory_space<vmem>>, vector<16xi32>,
        %gather3A_292 = tpu.vector_load_idx %arg5[%broadcast_in_dim3A_285, %get3A_289] : memref<64x1024xf32, #tpu.memory_space<vmem>>[vector<16xi32>, vector<16xi32>], vector<16xf32>,
        %gather3A_293 = tpu.vector_load_idx %arg5[%broadcast_in_dim3A_285, %get3A_291] : memref<64x1024xf32, #tpu.memory_space<vmem>>[vector<16xi32>, vector<16xi32>], vector<16xf32>,
        %sub3A_294 = arith.subf %gather3A_292, %gather3A_293 : vector<16xf32>
        %gt3A_295 = arith.constant 0.000000e+00 : f32
        %gt3A_296 = vector.broadcast %gt3A_295 : f32 to vector<16xf32>
        %gt3A_297 = arith.cmpf ogt, %sub3A_294, %gt3A_296 : vector<16xf32>
        %jit3A_298 = arith.constant 1.000000e+00 : f32
        %jit3A_299 = arith.constant 0.000000e+00 : f32
        %broadcast_in_dim3A_300 = vector.broadcast %jit3A_298 : f32 to vector<16xf32>
        %broadcast_in_dim3A_301 = vector.broadcast %jit3A_299 : f32 to vector<16xf32>
        %select_n3A_302 = arith.select %gt3A_297, %broadcast_in_dim3A_300, %broadcast_in_dim3A_301 : vector<16xi1>, vector<16xf32>
        %add3A_303 = arith.addf %broadcast_in_dim3A_287, %select_n3A_302 : vector<16xf32>
        %get3A_304 = arith.constant 16 : index
        %get3A_305 = tpu.vector_load %arg6[%get3A_304] {strides = array<i32>} : memref<256xi32, #tpu.memory_space<vmem>>, vector<16xi32>,
        %get3A_306 = arith.constant 144 : index
        %get3A_307 = tpu.vector_load %arg6[%get3A_306] {strides = array<i32>} : memref<256xi32, #tpu.memory_space<vmem>>, vector<16xi32>,
        %gather3A_308 = tpu.vector_load_idx %arg5[%broadcast_in_dim3A_285, %get3A_305] : memref<64x1024xf32, #tpu.memory_space<vmem>>[vector<16xi32>, vector<16xi32>], vector<16xf32>,
        %gather3A_309 = tpu.vector_load_idx %arg5[%broadcast_in_dim3A_285, %get3A_307] : memref<64x1024xf32, #tpu.memory_space<vmem>>[vector<16xi32>, vector<16xi32>], vector<16xf32>,
        %sub3A_310 = arith.subf %gather3A_308, %gather3A_309 : vector<16xf32>
        %gt3A_311 = arith.constant 0.000000e+00 : f32
        %gt3A_312 = vector.broadcast %gt3A_311 : f32 to vector<16xf32>
        %gt3A_313 = arith.cmpf ogt, %sub3A_310, %gt3A_312 : vector<16xf32>
        %jit3A_314 = arith.constant 2.000000e+00 : f32
        %jit3A_315 = arith.constant 0.000000e+00 : f32
        %broadcast_in_dim3A_316 = vector.broadcast %jit3A_314 : f32 to vector<16xf32>
        %broadcast_in_dim3A_317 = vector.broadcast %jit3A_315 : f32 to vector<16xf32>
        %select_n3A_318 = arith.select %gt3A_313, %broadcast_in_dim3A_316, %broadcast_in_dim3A_317 : vector<16xi1>, vector<16xf32>
        %add3A_319 = arith.addf %add3A_303, %select_n3A_318 : vector<16xf32>
        %get3A_320 = arith.constant 32 : index
        %get3A_321 = tpu.vector_load %arg6[%get3A_320] {strides = array<i32>} : memref<256xi32, #tpu.memory_space<vmem>>, vector<16xi32>,
        %get3A_322 = arith.constant 160 : index
        %get3A_323 = tpu.vector_load %arg6[%get3A_322] {strides = array<i32>} : memref<256xi32, #tpu.memory_space<vmem>>, vector<16xi32>,
        %gather3A_324 = tpu.vector_load_idx %arg5[%broadcast_in_dim3A_285, %get3A_321] : memref<64x1024xf32, #tpu.memory_space<vmem>>[vector<16xi32>, vector<16xi32>], vector<16xf32>,
        %gather3A_325 = tpu.vector_load_idx %arg5[%broadcast_in_dim3A_285, %get3A_323] : memref<64x1024xf32, #tpu.memory_space<vmem>>[vector<16xi32>, vector<16xi32>], vector<16xf32>,
        %sub3A_326 = arith.subf %gather3A_324, %gather3A_325 : vector<16xf32>
        %gt3A_327 = arith.constant 0.000000e+00 : f32
        %gt3A_328 = vector.broadcast %gt3A_327 : f32 to vector<16xf32>
        %gt3A_329 = arith.cmpf ogt, %sub3A_326, %gt3A_328 : vector<16xf32>
        %jit3A_330 = arith.constant 4.000000e+00 : f32
        %jit3A_331 = arith.constant 0.000000e+00 : f32
        %broadcast_in_dim3A_332 = vector.broadcast %jit3A_330 : f32 to vector<16xf32>
        %broadcast_in_dim3A_333 = vector.broadcast %jit3A_331 : f32 to vector<16xf32>
        %select_n3A_334 = arith.select %gt3A_329, %broadcast_in_dim3A_332, %broadcast_in_dim3A_333 : vector<16xi1>, vector<16xf32>
        %add3A_335 = arith.addf %add3A_319, %select_n3A_334 : vector<16xf32>
        %get3A_336 = arith.constant 48 : index
        %get3A_337 = tpu.vector_load %arg6[%get3A_336] {strides = array<i32>} : memref<256xi32, #tpu.memory_space<vmem>>, vector<16xi32>,
        %get3A_338 = arith.constant 176 : index
        %get3A_339 = tpu.vector_load %arg6[%get3A_338] {strides = array<i32>} : memref<256xi32, #tpu.memory_space<vmem>>, vector<16xi32>,
        %gather3A_340 = tpu.vector_load_idx %arg5[%broadcast_in_dim3A_285, %get3A_337] : memref<64x1024xf32, #tpu.memory_space<vmem>>[vector<16xi32>, vector<16xi32>], vector<16xf32>,
        %gather3A_341 = tpu.vector_load_idx %arg5[%broadcast_in_dim3A_285, %get3A_339] : memref<64x1024xf32, #tpu.memory_space<vmem>>[vector<16xi32>, vector<16xi32>], vector<16xf32>,
        %sub3A_342 = arith.subf %gather3A_340, %gather3A_341 : vector<16xf32>
        %gt3A_343 = arith.constant 0.000000e+00 : f32
        %gt3A_344 = vector.broadcast %gt3A_343 : f32 to vector<16xf32>
        %gt3A_345 = arith.cmpf ogt, %sub3A_342, %gt3A_344 : vector<16xf32>
        %jit3A_346 = arith.constant 8.000000e+00 : f32
        %jit3A_347 = arith.constant 0.000000e+00 : f32
        %broadcast_in_dim3A_348 = vector.broadcast %jit3A_346 : f32 to vector<16xf32>
        %broadcast_in_dim3A_349 = vector.broadcast %jit3A_347 : f32 to vector<16xf32>
        %select_n3A_350 = arith.select %gt3A_345, %broadcast_in_dim3A_348, %broadcast_in_dim3A_349 : vector<16xi1>, vector<16xf32>
        %add3A_351 = arith.addf %add3A_335, %select_n3A_350 : vector<16xf32>
        %get3A_352 = arith.constant 64 : index
        %get3A_353 = tpu.vector_load %arg6[%get3A_352] {strides = array<i32>} : memref<256xi32, #tpu.memory_space<vmem>>, vector<16xi32>,
        %get3A_354 = arith.constant 192 : index
        %get3A_355 = tpu.vector_load %arg6[%get3A_354] {strides = array<i32>} : memref<256xi32, #tpu.memory_space<vmem>>, vector<16xi32>,
        %gather3A_356 = tpu.vector_load_idx %arg5[%broadcast_in_dim3A_285, %get3A_353] : memref<64x1024xf32, #tpu.memory_space<vmem>>[vector<16xi32>, vector<16xi32>], vector<16xf32>,
        %gather3A_357 = tpu.vector_load_idx %arg5[%broadcast_in_dim3A_285, %get3A_355] : memref<64x1024xf32, #tpu.memory_space<vmem>>[vector<16xi32>, vector<16xi32>], vector<16xf32>,
        %sub3A_358 = arith.subf %gather3A_356, %gather3A_357 : vector<16xf32>
        %gt3A_359 = arith.constant 0.000000e+00 : f32
        %gt3A_360 = vector.broadcast %gt3A_359 : f32 to vector<16xf32>
        %gt3A_361 = arith.cmpf ogt, %sub3A_358, %gt3A_360 : vector<16xf32>
        %jit3A_362 = arith.constant 1.600000e+01 : f32
        %jit3A_363 = arith.constant 0.000000e+00 : f32
        %broadcast_in_dim3A_364 = vector.broadcast %jit3A_362 : f32 to vector<16xf32>
        %broadcast_in_dim3A_365 = vector.broadcast %jit3A_363 : f32 to vector<16xf32>
        %select_n3A_366 = arith.select %gt3A_361, %broadcast_in_dim3A_364, %broadcast_in_dim3A_365 : vector<16xi1>, vector<16xf32>
        %add3A_367 = arith.addf %add3A_351, %select_n3A_366 : vector<16xf32>
        %get3A_368 = arith.constant 80 : index
        %get3A_369 = tpu.vector_load %arg6[%get3A_368] {strides = array<i32>} : memref<256xi32, #tpu.memory_space<vmem>>, vector<16xi32>,
        %get3A_370 = arith.constant 208 : index
        %get3A_371 = tpu.vector_load %arg6[%get3A_370] {strides = array<i32>} : memref<256xi32, #tpu.memory_space<vmem>>, vector<16xi32>,
        %gather3A_372 = tpu.vector_load_idx %arg5[%broadcast_in_dim3A_285, %get3A_369] : memref<64x1024xf32, #tpu.memory_space<vmem>>[vector<16xi32>, vector<16xi32>], vector<16xf32>,
        %gather3A_373 = tpu.vector_load_idx %arg5[%broadcast_in_dim3A_285, %get3A_371] : memref<64x1024xf32, #tpu.memory_space<vmem>>[vector<16xi32>, vector<16xi32>], vector<16xf32>,
        %sub3A_374 = arith.subf %gather3A_372, %gather3A_373 : vector<16xf32>
        %gt3A_375 = arith.constant 0.000000e+00 : f32
        %gt3A_376 = vector.broadcast %gt3A_375 : f32 to vector<16xf32>
        %gt3A_377 = arith.cmpf ogt, %sub3A_374, %gt3A_376 : vector<16xf32>
        %jit3A_378 = arith.constant 3.200000e+01 : f32
        %jit3A_379 = arith.constant 0.000000e+00 : f32
        %broadcast_in_dim3A_380 = vector.broadcast %jit3A_378 : f32 to vector<16xf32>
        %broadcast_in_dim3A_381 = vector.broadcast %jit3A_379 : f32 to vector<16xf32>
        %select_n3A_382 = arith.select %gt3A_377, %broadcast_in_dim3A_380, %broadcast_in_dim3A_381 : vector<16xi1>, vector<16xf32>
        %add3A_383 = arith.addf %add3A_367, %select_n3A_382 : vector<16xf32>
        %get3A_384 = arith.constant 96 : index
        %get3A_385 = tpu.vector_load %arg6[%get3A_384] {strides = array<i32>} : memref<256xi32, #tpu.memory_space<vmem>>, vector<16xi32>,
        %get3A_386 = arith.constant 224 : index
        %get3A_387 = tpu.vector_load %arg6[%get3A_386] {strides = array<i32>} : memref<256xi32, #tpu.memory_space<vmem>>, vector<16xi32>,
        %gather3A_388 = tpu.vector_load_idx %arg5[%broadcast_in_dim3A_285, %get3A_385] : memref<64x1024xf32, #tpu.memory_space<vmem>>[vector<16xi32>, vector<16xi32>], vector<16xf32>,
        %gather3A_389 = tpu.vector_load_idx %arg5[%broadcast_in_dim3A_285, %get3A_387] : memref<64x1024xf32, #tpu.memory_space<vmem>>[vector<16xi32>, vector<16xi32>], vector<16xf32>,
        %sub3A_390 = arith.subf %gather3A_388, %gather3A_389 : vector<16xf32>
        %gt3A_391 = arith.constant 0.000000e+00 : f32
        %gt3A_392 = vector.broadcast %gt3A_391 : f32 to vector<16xf32>
        %gt3A_393 = arith.cmpf ogt, %sub3A_390, %gt3A_392 : vector<16xf32>
        %jit3A_394 = arith.constant 6.400000e+01 : f32
        %jit3A_395 = arith.constant 0.000000e+00 : f32
        %broadcast_in_dim3A_396 = vector.broadcast %jit3A_394 : f32 to vector<16xf32>
        %broadcast_in_dim3A_397 = vector.broadcast %jit3A_395 : f32 to vector<16xf32>
        %select_n3A_398 = arith.select %gt3A_393, %broadcast_in_dim3A_396, %broadcast_in_dim3A_397 : vector<16xi1>, vector<16xf32>
        %add3A_399 = arith.addf %add3A_383, %select_n3A_398 : vector<16xf32>
        %get3A_400 = arith.constant 112 : index
        %get3A_401 = tpu.vector_load %arg6[%get3A_400] {strides = array<i32>} : memref<256xi32, #tpu.memory_space<vmem>>, vector<16xi32>,
        %get3A_402 = arith.constant 240 : index
        %get3A_403 = tpu.vector_load %arg6[%get3A_402] {strides = array<i32>} : memref<256xi32, #tpu.memory_space<vmem>>, vector<16xi32>,
        %gather3A_404 = tpu.vector_load_idx %arg5[%broadcast_in_dim3A_285, %get3A_401] : memref<64x1024xf32, #tpu.memory_space<vmem>>[vector<16xi32>, vector<16xi32>], vector<16xf32>,
        %gather3A_405 = tpu.vector_load_idx %arg5[%broadcast_in_dim3A_285, %get3A_403] : memref<64x1024xf32, #tpu.memory_space<vmem>>[vector<16xi32>, vector<16xi32>], vector<16xf32>,
        %sub3A_406 = arith.subf %gather3A_404, %gather3A_405 : vector<16xf32>
        %gt3A_407 = arith.constant 0.000000e+00 : f32
        %gt3A_408 = vector.broadcast %gt3A_407 : f32 to vector<16xf32>
        %gt3A_409 = arith.cmpf ogt, %sub3A_406, %gt3A_408 : vector<16xf32>
        %jit3A_410 = arith.constant 1.280000e+02 : f32
        %jit3A_411 = arith.constant 0.000000e+00 : f32
        %broadcast_in_dim3A_412 = vector.broadcast %jit3A_410 : f32 to vector<16xf32>
        %broadcast_in_dim3A_413 = vector.broadcast %jit3A_411 : f32 to vector<16xf32>
        %select_n3A_414 = arith.select %gt3A_409, %broadcast_in_dim3A_412, %broadcast_in_dim3A_413 : vector<16xi1>, vector<16xf32>
        %add3A_415 = arith.addf %add3A_399, %select_n3A_414 : vector<16xf32>
        %swap3A_416 = arith.index_cast %scan3A_284 : i32 to index
        %swap3A_417 = arith.constant 0 : index
        %swap3A_418 = tpu.vector_load %arg7[%swap3A_416, %swap3A_417] {strides = array<i32>} : memref<64x16xf32, #tpu.memory_space<vmem>>, vector<16xf32>,
        tpu.vector_store %arg7[%swap3A_416, %swap3A_417], %add3A_415 {strides = array<i32>} : memref<64x16xf32, #tpu.memory_space<vmem>>, vector<16xf32>,
        %scan3A_419 = arith.constant 3 : i32
        %scan3A_420 = arith.addi %scan3A_20, %scan3A_419 : i32
        %broadcast_in_dim3A_421 = vector.broadcast %scan3A_420 : i32 to vector<16xi32>
        %broadcast_in_dim3A_422 = arith.constant 0.000000e+00 : f32
        %broadcast_in_dim3A_423 = vector.broadcast %broadcast_in_dim3A_422 : f32 to vector<16xf32>
        %get3A_424 = arith.constant 0 : index
        %get3A_425 = tpu.vector_load %arg6[%get3A_424] {strides = array<i32>} : memref<256xi32, #tpu.memory_space<vmem>>, vector<16xi32>,
        %get3A_426 = arith.constant 128 : index
        %get3A_427 = tpu.vector_load %arg6[%get3A_426] {strides = array<i32>} : memref<256xi32, #tpu.memory_space<vmem>>, vector<16xi32>,
        %gather3A_428 = tpu.vector_load_idx %arg5[%broadcast_in_dim3A_421, %get3A_425] : memref<64x1024xf32, #tpu.memory_space<vmem>>[vector<16xi32>, vector<16xi32>], vector<16xf32>,
        %gather3A_429 = tpu.vector_load_idx %arg5[%broadcast_in_dim3A_421, %get3A_427] : memref<64x1024xf32, #tpu.memory_space<vmem>>[vector<16xi32>, vector<16xi32>], vector<16xf32>,
        %sub3A_430 = arith.subf %gather3A_428, %gather3A_429 : vector<16xf32>
        %gt3A_431 = arith.constant 0.000000e+00 : f32
        %gt3A_432 = vector.broadcast %gt3A_431 : f32 to vector<16xf32>
        %gt3A_433 = arith.cmpf ogt, %sub3A_430, %gt3A_432 : vector<16xf32>
        %jit3A_434 = arith.constant 1.000000e+00 : f32
        %jit3A_435 = arith.constant 0.000000e+00 : f32
        %broadcast_in_dim3A_436 = vector.broadcast %jit3A_434 : f32 to vector<16xf32>
        %broadcast_in_dim3A_437 = vector.broadcast %jit3A_435 : f32 to vector<16xf32>
        %select_n3A_438 = arith.select %gt3A_433, %broadcast_in_dim3A_436, %broadcast_in_dim3A_437 : vector<16xi1>, vector<16xf32>
        %add3A_439 = arith.addf %broadcast_in_dim3A_423, %select_n3A_438 : vector<16xf32>
        %get3A_440 = arith.constant 16 : index
        %get3A_441 = tpu.vector_load %arg6[%get3A_440] {strides = array<i32>} : memref<256xi32, #tpu.memory_space<vmem>>, vector<16xi32>,
        %get3A_442 = arith.constant 144 : index
        %get3A_443 = tpu.vector_load %arg6[%get3A_442] {strides = array<i32>} : memref<256xi32, #tpu.memory_space<vmem>>, vector<16xi32>,
        %gather3A_444 = tpu.vector_load_idx %arg5[%broadcast_in_dim3A_421, %get3A_441] : memref<64x1024xf32, #tpu.memory_space<vmem>>[vector<16xi32>, vector<16xi32>], vector<16xf32>,
        %gather3A_445 = tpu.vector_load_idx %arg5[%broadcast_in_dim3A_421, %get3A_443] : memref<64x1024xf32, #tpu.memory_space<vmem>>[vector<16xi32>, vector<16xi32>], vector<16xf32>,
        %sub3A_446 = arith.subf %gather3A_444, %gather3A_445 : vector<16xf32>
        %gt3A_447 = arith.constant 0.000000e+00 : f32
        %gt3A_448 = vector.broadcast %gt3A_447 : f32 to vector<16xf32>
        %gt3A_449 = arith.cmpf ogt, %sub3A_446, %gt3A_448 : vector<16xf32>
        %jit3A_450 = arith.constant 2.000000e+00 : f32
        %jit3A_451 = arith.constant 0.000000e+00 : f32
        %broadcast_in_dim3A_452 = vector.broadcast %jit3A_450 : f32 to vector<16xf32>
        %broadcast_in_dim3A_453 = vector.broadcast %jit3A_451 : f32 to vector<16xf32>
        %select_n3A_454 = arith.select %gt3A_449, %broadcast_in_dim3A_452, %broadcast_in_dim3A_453 : vector<16xi1>, vector<16xf32>
        %add3A_455 = arith.addf %add3A_439, %select_n3A_454 : vector<16xf32>
        %get3A_456 = arith.constant 32 : index
        %get3A_457 = tpu.vector_load %arg6[%get3A_456] {strides = array<i32>} : memref<256xi32, #tpu.memory_space<vmem>>, vector<16xi32>,
        %get3A_458 = arith.constant 160 : index
        %get3A_459 = tpu.vector_load %arg6[%get3A_458] {strides = array<i32>} : memref<256xi32, #tpu.memory_space<vmem>>, vector<16xi32>,
        %gather3A_460 = tpu.vector_load_idx %arg5[%broadcast_in_dim3A_421, %get3A_457] : memref<64x1024xf32, #tpu.memory_space<vmem>>[vector<16xi32>, vector<16xi32>], vector<16xf32>,
        %gather3A_461 = tpu.vector_load_idx %arg5[%broadcast_in_dim3A_421, %get3A_459] : memref<64x1024xf32, #tpu.memory_space<vmem>>[vector<16xi32>, vector<16xi32>], vector<16xf32>,
        %sub3A_462 = arith.subf %gather3A_460, %gather3A_461 : vector<16xf32>
        %gt3A_463 = arith.constant 0.000000e+00 : f32
        %gt3A_464 = vector.broadcast %gt3A_463 : f32 to vector<16xf32>
        %gt3A_465 = arith.cmpf ogt, %sub3A_462, %gt3A_464 : vector<16xf32>
        %jit3A_466 = arith.constant 4.000000e+00 : f32
        %jit3A_467 = arith.constant 0.000000e+00 : f32
        %broadcast_in_dim3A_468 = vector.broadcast %jit3A_466 : f32 to vector<16xf32>
        %broadcast_in_dim3A_469 = vector.broadcast %jit3A_467 : f32 to vector<16xf32>
        %select_n3A_470 = arith.select %gt3A_465, %broadcast_in_dim3A_468, %broadcast_in_dim3A_469 : vector<16xi1>, vector<16xf32>
        %add3A_471 = arith.addf %add3A_455, %select_n3A_470 : vector<16xf32>
        %get3A_472 = arith.constant 48 : index
        %get3A_473 = tpu.vector_load %arg6[%get3A_472] {strides = array<i32>} : memref<256xi32, #tpu.memory_space<vmem>>, vector<16xi32>,
        %get3A_474 = arith.constant 176 : index
        %get3A_475 = tpu.vector_load %arg6[%get3A_474] {strides = array<i32>} : memref<256xi32, #tpu.memory_space<vmem>>, vector<16xi32>,
        %gather3A_476 = tpu.vector_load_idx %arg5[%broadcast_in_dim3A_421, %get3A_473] : memref<64x1024xf32, #tpu.memory_space<vmem>>[vector<16xi32>, vector<16xi32>], vector<16xf32>,
        %gather3A_477 = tpu.vector_load_idx %arg5[%broadcast_in_dim3A_421, %get3A_475] : memref<64x1024xf32, #tpu.memory_space<vmem>>[vector<16xi32>, vector<16xi32>], vector<16xf32>,
        %sub3A_478 = arith.subf %gather3A_476, %gather3A_477 : vector<16xf32>
        %gt3A_479 = arith.constant 0.000000e+00 : f32
        %gt3A_480 = vector.broadcast %gt3A_479 : f32 to vector<16xf32>
        %gt3A_481 = arith.cmpf ogt, %sub3A_478, %gt3A_480 : vector<16xf32>
        %jit3A_482 = arith.constant 8.000000e+00 : f32
        %jit3A_483 = arith.constant 0.000000e+00 : f32
        %broadcast_in_dim3A_484 = vector.broadcast %jit3A_482 : f32 to vector<16xf32>
        %broadcast_in_dim3A_485 = vector.broadcast %jit3A_483 : f32 to vector<16xf32>
        %select_n3A_486 = arith.select %gt3A_481, %broadcast_in_dim3A_484, %broadcast_in_dim3A_485 : vector<16xi1>, vector<16xf32>
        %add3A_487 = arith.addf %add3A_471, %select_n3A_486 : vector<16xf32>
        %get3A_488 = arith.constant 64 : index
        %get3A_489 = tpu.vector_load %arg6[%get3A_488] {strides = array<i32>} : memref<256xi32, #tpu.memory_space<vmem>>, vector<16xi32>,
        %get3A_490 = arith.constant 192 : index
        %get3A_491 = tpu.vector_load %arg6[%get3A_490] {strides = array<i32>} : memref<256xi32, #tpu.memory_space<vmem>>, vector<16xi32>,
        %gather3A_492 = tpu.vector_load_idx %arg5[%broadcast_in_dim3A_421, %get3A_489] : memref<64x1024xf32, #tpu.memory_space<vmem>>[vector<16xi32>, vector<16xi32>], vector<16xf32>,
        %gather3A_493 = tpu.vector_load_idx %arg5[%broadcast_in_dim3A_421, %get3A_491] : memref<64x1024xf32, #tpu.memory_space<vmem>>[vector<16xi32>, vector<16xi32>], vector<16xf32>,
        %sub3A_494 = arith.subf %gather3A_492, %gather3A_493 : vector<16xf32>
        %gt3A_495 = arith.constant 0.000000e+00 : f32
        %gt3A_496 = vector.broadcast %gt3A_495 : f32 to vector<16xf32>
        %gt3A_497 = arith.cmpf ogt, %sub3A_494, %gt3A_496 : vector<16xf32>
        %jit3A_498 = arith.constant 1.600000e+01 : f32
        %jit3A_499 = arith.constant 0.000000e+00 : f32
        %broadcast_in_dim3A_500 = vector.broadcast %jit3A_498 : f32 to vector<16xf32>
        %broadcast_in_dim3A_501 = vector.broadcast %jit3A_499 : f32 to vector<16xf32>
        %select_n3A_502 = arith.select %gt3A_497, %broadcast_in_dim3A_500, %broadcast_in_dim3A_501 : vector<16xi1>, vector<16xf32>
        %add3A_503 = arith.addf %add3A_487, %select_n3A_502 : vector<16xf32>
        %get3A_504 = arith.constant 80 : index
        %get3A_505 = tpu.vector_load %arg6[%get3A_504] {strides = array<i32>} : memref<256xi32, #tpu.memory_space<vmem>>, vector<16xi32>,
        %get3A_506 = arith.constant 208 : index
        %get3A_507 = tpu.vector_load %arg6[%get3A_506] {strides = array<i32>} : memref<256xi32, #tpu.memory_space<vmem>>, vector<16xi32>,
        %gather3A_508 = tpu.vector_load_idx %arg5[%broadcast_in_dim3A_421, %get3A_505] : memref<64x1024xf32, #tpu.memory_space<vmem>>[vector<16xi32>, vector<16xi32>], vector<16xf32>,
        %gather3A_509 = tpu.vector_load_idx %arg5[%broadcast_in_dim3A_421, %get3A_507] : memref<64x1024xf32, #tpu.memory_space<vmem>>[vector<16xi32>, vector<16xi32>], vector<16xf32>,
        %sub3A_510 = arith.subf %gather3A_508, %gather3A_509 : vector<16xf32>
        %gt3A_511 = arith.constant 0.000000e+00 : f32
        %gt3A_512 = vector.broadcast %gt3A_511 : f32 to vector<16xf32>
        %gt3A_513 = arith.cmpf ogt, %sub3A_510, %gt3A_512 : vector<16xf32>
        %jit3A_514 = arith.constant 3.200000e+01 : f32
        %jit3A_515 = arith.constant 0.000000e+00 : f32
        %broadcast_in_dim3A_516 = vector.broadcast %jit3A_514 : f32 to vector<16xf32>
        %broadcast_in_dim3A_517 = vector.broadcast %jit3A_515 : f32 to vector<16xf32>
        %select_n3A_518 = arith.select %gt3A_513, %broadcast_in_dim3A_516, %broadcast_in_dim3A_517 : vector<16xi1>, vector<16xf32>
        %add3A_519 = arith.addf %add3A_503, %select_n3A_518 : vector<16xf32>
        %get3A_520 = arith.constant 96 : index
        %get3A_521 = tpu.vector_load %arg6[%get3A_520] {strides = array<i32>} : memref<256xi32, #tpu.memory_space<vmem>>, vector<16xi32>,
        %get3A_522 = arith.constant 224 : index
        %get3A_523 = tpu.vector_load %arg6[%get3A_522] {strides = array<i32>} : memref<256xi32, #tpu.memory_space<vmem>>, vector<16xi32>,
        %gather3A_524 = tpu.vector_load_idx %arg5[%broadcast_in_dim3A_421, %get3A_521] : memref<64x1024xf32, #tpu.memory_space<vmem>>[vector<16xi32>, vector<16xi32>], vector<16xf32>,
        %gather3A_525 = tpu.vector_load_idx %arg5[%broadcast_in_dim3A_421, %get3A_523] : memref<64x1024xf32, #tpu.memory_space<vmem>>[vector<16xi32>, vector<16xi32>], vector<16xf32>,
        %sub3A_526 = arith.subf %gather3A_524, %gather3A_525 : vector<16xf32>
        %gt3A_527 = arith.constant 0.000000e+00 : f32
        %gt3A_528 = vector.broadcast %gt3A_527 : f32 to vector<16xf32>
        %gt3A_529 = arith.cmpf ogt, %sub3A_526, %gt3A_528 : vector<16xf32>
        %jit3A_530 = arith.constant 6.400000e+01 : f32
        %jit3A_531 = arith.constant 0.000000e+00 : f32
        %broadcast_in_dim3A_532 = vector.broadcast %jit3A_530 : f32 to vector<16xf32>
        %broadcast_in_dim3A_533 = vector.broadcast %jit3A_531 : f32 to vector<16xf32>
        %select_n3A_534 = arith.select %gt3A_529, %broadcast_in_dim3A_532, %broadcast_in_dim3A_533 : vector<16xi1>, vector<16xf32>
        %add3A_535 = arith.addf %add3A_519, %select_n3A_534 : vector<16xf32>
        %get3A_536 = arith.constant 112 : index
        %get3A_537 = tpu.vector_load %arg6[%get3A_536] {strides = array<i32>} : memref<256xi32, #tpu.memory_space<vmem>>, vector<16xi32>,
        %get3A_538 = arith.constant 240 : index
        %get3A_539 = tpu.vector_load %arg6[%get3A_538] {strides = array<i32>} : memref<256xi32, #tpu.memory_space<vmem>>, vector<16xi32>,
        %gather3A_540 = tpu.vector_load_idx %arg5[%broadcast_in_dim3A_421, %get3A_537] : memref<64x1024xf32, #tpu.memory_space<vmem>>[vector<16xi32>, vector<16xi32>], vector<16xf32>,
        %gather3A_541 = tpu.vector_load_idx %arg5[%broadcast_in_dim3A_421, %get3A_539] : memref<64x1024xf32, #tpu.memory_space<vmem>>[vector<16xi32>, vector<16xi32>], vector<16xf32>,
        %sub3A_542 = arith.subf %gather3A_540, %gather3A_541 : vector<16xf32>
        %gt3A_543 = arith.constant 0.000000e+00 : f32
        %gt3A_544 = vector.broadcast %gt3A_543 : f32 to vector<16xf32>
        %gt3A_545 = arith.cmpf ogt, %sub3A_542, %gt3A_544 : vector<16xf32>
        %jit3A_546 = arith.constant 1.280000e+02 : f32
        %jit3A_547 = arith.constant 0.000000e+00 : f32
        %broadcast_in_dim3A_548 = vector.broadcast %jit3A_546 : f32 to vector<16xf32>
        %broadcast_in_dim3A_549 = vector.broadcast %jit3A_547 : f32 to vector<16xf32>
        %select_n3A_550 = arith.select %gt3A_545, %broadcast_in_dim3A_548, %broadcast_in_dim3A_549 : vector<16xi1>, vector<16xf32>
        %add3A_551 = arith.addf %add3A_535, %select_n3A_550 : vector<16xf32>
        %swap3A_552 = arith.index_cast %scan3A_420 : i32 to index
        %swap3A_553 = arith.constant 0 : index
        %swap3A_554 = tpu.vector_load %arg7[%swap3A_552, %swap3A_553] {strides = array<i32>} : memref<64x16xf32, #tpu.memory_space<vmem>>, vector<16xf32>,
        tpu.vector_store %arg7[%swap3A_552, %swap3A_553], %add3A_551 {strides = array<i32>} : memref<64x16xf32, #tpu.memory_space<vmem>>, vector<16xf32>,
      }
      %scan3A_19 = arith.constant 64 : i32
      "tpu.region"() ({
        %run_scoped3A = tpu.sem_alloc : memref<!tpu.dma_semaphore, #tpu.memory_space<semaphore_mem>>
        %dma_start3A = arith.constant 0 : i32
        %dma_start3A_20 = tpu.memref_slice %arg4[%add3A_11, %dma_start3A] : memref<6144x16xf32, #tpu.memory_space<hbm>> -> memref<64x16xf32, #tpu.memory_space<hbm>>
        %dma_start3A_21 = arith.constant 0 : i32
        %dma_start3A_22 = tpu.memref_slice %arg4[%add3A_11, %dma_start3A_21] : memref<6144x16xf32, #tpu.memory_space<hbm>> -> memref<64x16xf32, #tpu.memory_space<hbm>>
        tpu.enqueue_dma source(%arg7 : memref<64x16xf32, #tpu.memory_space<vmem>>) target(%dma_start3A_22 : memref<64x16xf32, #tpu.memory_space<hbm>>) target_semaphore(%run_scoped3A : memref<!tpu.dma_semaphore, #tpu.memory_space<semaphore_mem>>)
        %dma_wait3A = arith.constant 0 : i32
        %dma_wait3A_23 = tpu.memref_slice %arg4[%add3A_11, %dma_wait3A] : memref<6144x16xf32, #tpu.memory_space<hbm>> -> memref<64x16xf32, #tpu.memory_space<hbm>>
        %dma_wait3A_24 = arith.constant 0 : i32
        %dma_wait3A_25 = tpu.memref_slice %arg4[%add3A_11, %dma_wait3A_24] : memref<6144x16xf32, #tpu.memory_space<hbm>> -> memref<64x16xf32, #tpu.memory_space<hbm>>
        tpu.wait_dma2 semaphore(%run_scoped3A : memref<!tpu.dma_semaphore, #tpu.memory_space<semaphore_mem>>) src(%arg7 : memref<64x16xf32, #tpu.memory_space<vmem>>) dst(%dma_wait3A_25 : memref<64x16xf32, #tpu.memory_space<hbm>>)
        tpu.yield
      }) : () -> ()
    }
    %scan3A_7 = arith.constant 3 : i32
    return
  }
}

#map = affine_map<(d0, d1) -> (0, 0)>
#map1 = affine_map<(d0, d1) -> (0)>
module attributes {stable_mosaic.version = 14 : i64} {
  func.func @_sc_idx_body(%arg0: i32, %arg1: i32, %arg2: memref<8192x1024xf32, #tpu.memory_space<hbm>>, %arg3: memref<256xi32, #tpu.memory_space<hbm>>, %arg4: memref<2048x16xf32, #tpu.memory_space<hbm>>, %arg5: memref<64x1024xf32, #tpu.memory_space<vmem>>, %arg6: memref<256xi32, #tpu.memory_space<vmem>>, %arg7: memref<64x16xf32, #tpu.memory_space<vmem>>) attributes {dimension_semantics = [#tpu.dimension_semantics<core_parallel>, #tpu.dimension_semantics<subcore_parallel>], iteration_bounds = array<i64: 2, 16>, scalar_prefetch = 0 : i64, scratch_operands = 3 : i64, tpu.core_type = #tpu.core_type<sc_vector_subcore>, window_params = [{transform_indices = #map}, {transform_indices = #map1}, {transform_indices = #map}]} {
    %mul3A = arith.constant 2 : i32
    %mul3A_0 = arith.muli %arg1, %mul3A : i32
    %add3A = arith.addi %mul3A_0, %arg0 : i32
    %mul3A_1 = arith.constant 64 : i32
    %mul3A_2 = arith.muli %add3A, %mul3A_1 : i32
    "tpu.region"() ({
      %run_scoped3A = tpu.sem_alloc : memref<!tpu.dma_semaphore, #tpu.memory_space<semaphore_mem>>
      tpu.enqueue_dma source(%arg3 : memref<256xi32, #tpu.memory_space<hbm>>) target(%arg6 : memref<256xi32, #tpu.memory_space<vmem>>) target_semaphore(%run_scoped3A : memref<!tpu.dma_semaphore, #tpu.memory_space<semaphore_mem>>)
      tpu.wait_dma2 semaphore(%run_scoped3A : memref<!tpu.dma_semaphore, #tpu.memory_space<semaphore_mem>>) src(%arg3 : memref<256xi32, #tpu.memory_space<hbm>>) dst(%arg6 : memref<256xi32, #tpu.memory_space<vmem>>)
      tpu.yield
    }) : () -> ()
    %scan3A = arith.constant 0 : i32
    %scan3A_3 = arith.constant 0 : i32
    %mul3A_4 = arith.constant 64 : i32
    %mul3A_5 = arith.muli %scan3A_3, %mul3A_4 : i32
    %add3A_6 = arith.addi %mul3A_2, %mul3A_5 : i32
    %add3A_7 = arith.constant 0 : i32
    %add3A_8 = arith.addi %add3A_7, %add3A_6 : i32
    "tpu.region"() ({
      %run_scoped3A = tpu.sem_alloc : memref<!tpu.dma_semaphore, #tpu.memory_space<semaphore_mem>>
      %dma_start3A = arith.constant 0 : i32
      %dma_start3A_16 = tpu.memref_slice %arg2[%add3A_8, %dma_start3A] : memref<8192x1024xf32, #tpu.memory_space<hbm>> -> memref<64x1024xf32, #tpu.memory_space<hbm>>
      %dma_start3A_17 = arith.constant 0 : i32
      %dma_start3A_18 = tpu.memref_slice %arg2[%add3A_8, %dma_start3A_17] : memref<8192x1024xf32, #tpu.memory_space<hbm>> -> memref<64x1024xf32, #tpu.memory_space<hbm>>
      tpu.enqueue_dma source(%dma_start3A_18 : memref<64x1024xf32, #tpu.memory_space<hbm>>) target(%arg5 : memref<64x1024xf32, #tpu.memory_space<vmem>>) target_semaphore(%run_scoped3A : memref<!tpu.dma_semaphore, #tpu.memory_space<semaphore_mem>>)
      %dma_wait3A = arith.constant 0 : i32
      %dma_wait3A_19 = tpu.memref_slice %arg2[%add3A_8, %dma_wait3A] : memref<8192x1024xf32, #tpu.memory_space<hbm>> -> memref<64x1024xf32, #tpu.memory_space<hbm>>
      %dma_wait3A_20 = arith.constant 0 : i32
      %dma_wait3A_21 = tpu.memref_slice %arg2[%add3A_8, %dma_wait3A_20] : memref<8192x1024xf32, #tpu.memory_space<hbm>> -> memref<64x1024xf32, #tpu.memory_space<hbm>>
      tpu.wait_dma2 semaphore(%run_scoped3A : memref<!tpu.dma_semaphore, #tpu.memory_space<semaphore_mem>>) src(%dma_wait3A_21 : memref<64x1024xf32, #tpu.memory_space<hbm>>) dst(%arg5 : memref<64x1024xf32, #tpu.memory_space<vmem>>)
      tpu.yield
    }) : () -> ()
    %scan3A_9 = arith.constant 0 : i32
    %scan3A_10 = arith.constant 0 : i32
    %scan3A_11 = arith.constant 64 : i32
    %scan3A_12 = arith.addi %scan3A_10, %scan3A_11 : i32
    %scan3A_13 = arith.constant 4 : i32
    scf.for %scan3A_16 = %scan3A_10 to %scan3A_12 step %scan3A_13  : i32 {
      %broadcast_in_dim3A = vector.broadcast %scan3A_16 : i32 to vector<16xi32>
      %broadcast_in_dim3A_17 = arith.constant 0.000000e+00 : f32
      %broadcast_in_dim3A_18 = vector.broadcast %broadcast_in_dim3A_17 : f32 to vector<16xf32>
      %get3A = arith.constant 0 : index
      %get3A_19 = tpu.vector_load %arg6[%get3A] {strides = array<i32>} : memref<256xi32, #tpu.memory_space<vmem>>, vector<16xi32>,
      %get3A_20 = arith.constant 128 : index
      %get3A_21 = tpu.vector_load %arg6[%get3A_20] {strides = array<i32>} : memref<256xi32, #tpu.memory_space<vmem>>, vector<16xi32>,
      %gather3A = tpu.vector_load_idx %arg5[%broadcast_in_dim3A, %get3A_19] : memref<64x1024xf32, #tpu.memory_space<vmem>>[vector<16xi32>, vector<16xi32>], vector<16xf32>,
      %gather3A_22 = tpu.vector_load_idx %arg5[%broadcast_in_dim3A, %get3A_21] : memref<64x1024xf32, #tpu.memory_space<vmem>>[vector<16xi32>, vector<16xi32>], vector<16xf32>,
      %sub3A = arith.subf %gather3A, %gather3A_22 : vector<16xf32>
      %gt3A = arith.constant 0.000000e+00 : f32
      %gt3A_23 = vector.broadcast %gt3A : f32 to vector<16xf32>
      %gt3A_24 = arith.cmpf ogt, %sub3A, %gt3A_23 : vector<16xf32>
      %jit3A = arith.constant 1.000000e+00 : f32
      %jit3A_25 = arith.constant 0.000000e+00 : f32
      %broadcast_in_dim3A_26 = vector.broadcast %jit3A : f32 to vector<16xf32>
      %broadcast_in_dim3A_27 = vector.broadcast %jit3A_25 : f32 to vector<16xf32>
      %select_n3A = arith.select %gt3A_24, %broadcast_in_dim3A_26, %broadcast_in_dim3A_27 : vector<16xi1>, vector<16xf32>
      %add3A_28 = arith.addf %broadcast_in_dim3A_18, %select_n3A : vector<16xf32>
      %get3A_29 = arith.constant 16 : index
      %get3A_30 = tpu.vector_load %arg6[%get3A_29] {strides = array<i32>} : memref<256xi32, #tpu.memory_space<vmem>>, vector<16xi32>,
      %get3A_31 = arith.constant 144 : index
      %get3A_32 = tpu.vector_load %arg6[%get3A_31] {strides = array<i32>} : memref<256xi32, #tpu.memory_space<vmem>>, vector<16xi32>,
      %gather3A_33 = tpu.vector_load_idx %arg5[%broadcast_in_dim3A, %get3A_30] : memref<64x1024xf32, #tpu.memory_space<vmem>>[vector<16xi32>, vector<16xi32>], vector<16xf32>,
      %gather3A_34 = tpu.vector_load_idx %arg5[%broadcast_in_dim3A, %get3A_32] : memref<64x1024xf32, #tpu.memory_space<vmem>>[vector<16xi32>, vector<16xi32>], vector<16xf32>,
      %sub3A_35 = arith.subf %gather3A_33, %gather3A_34 : vector<16xf32>
      %gt3A_36 = arith.constant 0.000000e+00 : f32
      %gt3A_37 = vector.broadcast %gt3A_36 : f32 to vector<16xf32>
      %gt3A_38 = arith.cmpf ogt, %sub3A_35, %gt3A_37 : vector<16xf32>
      %jit3A_39 = arith.constant 2.000000e+00 : f32
      %jit3A_40 = arith.constant 0.000000e+00 : f32
      %broadcast_in_dim3A_41 = vector.broadcast %jit3A_39 : f32 to vector<16xf32>
      %broadcast_in_dim3A_42 = vector.broadcast %jit3A_40 : f32 to vector<16xf32>
      %select_n3A_43 = arith.select %gt3A_38, %broadcast_in_dim3A_41, %broadcast_in_dim3A_42 : vector<16xi1>, vector<16xf32>
      %add3A_44 = arith.addf %add3A_28, %select_n3A_43 : vector<16xf32>
      %get3A_45 = arith.constant 32 : index
      %get3A_46 = tpu.vector_load %arg6[%get3A_45] {strides = array<i32>} : memref<256xi32, #tpu.memory_space<vmem>>, vector<16xi32>,
      %get3A_47 = arith.constant 160 : index
      %get3A_48 = tpu.vector_load %arg6[%get3A_47] {strides = array<i32>} : memref<256xi32, #tpu.memory_space<vmem>>, vector<16xi32>,
      %gather3A_49 = tpu.vector_load_idx %arg5[%broadcast_in_dim3A, %get3A_46] : memref<64x1024xf32, #tpu.memory_space<vmem>>[vector<16xi32>, vector<16xi32>], vector<16xf32>,
      %gather3A_50 = tpu.vector_load_idx %arg5[%broadcast_in_dim3A, %get3A_48] : memref<64x1024xf32, #tpu.memory_space<vmem>>[vector<16xi32>, vector<16xi32>], vector<16xf32>,
      %sub3A_51 = arith.subf %gather3A_49, %gather3A_50 : vector<16xf32>
      %gt3A_52 = arith.constant 0.000000e+00 : f32
      %gt3A_53 = vector.broadcast %gt3A_52 : f32 to vector<16xf32>
      %gt3A_54 = arith.cmpf ogt, %sub3A_51, %gt3A_53 : vector<16xf32>
      %jit3A_55 = arith.constant 4.000000e+00 : f32
      %jit3A_56 = arith.constant 0.000000e+00 : f32
      %broadcast_in_dim3A_57 = vector.broadcast %jit3A_55 : f32 to vector<16xf32>
      %broadcast_in_dim3A_58 = vector.broadcast %jit3A_56 : f32 to vector<16xf32>
      %select_n3A_59 = arith.select %gt3A_54, %broadcast_in_dim3A_57, %broadcast_in_dim3A_58 : vector<16xi1>, vector<16xf32>
      %add3A_60 = arith.addf %add3A_44, %select_n3A_59 : vector<16xf32>
      %get3A_61 = arith.constant 48 : index
      %get3A_62 = tpu.vector_load %arg6[%get3A_61] {strides = array<i32>} : memref<256xi32, #tpu.memory_space<vmem>>, vector<16xi32>,
      %get3A_63 = arith.constant 176 : index
      %get3A_64 = tpu.vector_load %arg6[%get3A_63] {strides = array<i32>} : memref<256xi32, #tpu.memory_space<vmem>>, vector<16xi32>,
      %gather3A_65 = tpu.vector_load_idx %arg5[%broadcast_in_dim3A, %get3A_62] : memref<64x1024xf32, #tpu.memory_space<vmem>>[vector<16xi32>, vector<16xi32>], vector<16xf32>,
      %gather3A_66 = tpu.vector_load_idx %arg5[%broadcast_in_dim3A, %get3A_64] : memref<64x1024xf32, #tpu.memory_space<vmem>>[vector<16xi32>, vector<16xi32>], vector<16xf32>,
      %sub3A_67 = arith.subf %gather3A_65, %gather3A_66 : vector<16xf32>
      %gt3A_68 = arith.constant 0.000000e+00 : f32
      %gt3A_69 = vector.broadcast %gt3A_68 : f32 to vector<16xf32>
      %gt3A_70 = arith.cmpf ogt, %sub3A_67, %gt3A_69 : vector<16xf32>
      %jit3A_71 = arith.constant 8.000000e+00 : f32
      %jit3A_72 = arith.constant 0.000000e+00 : f32
      %broadcast_in_dim3A_73 = vector.broadcast %jit3A_71 : f32 to vector<16xf32>
      %broadcast_in_dim3A_74 = vector.broadcast %jit3A_72 : f32 to vector<16xf32>
      %select_n3A_75 = arith.select %gt3A_70, %broadcast_in_dim3A_73, %broadcast_in_dim3A_74 : vector<16xi1>, vector<16xf32>
      %add3A_76 = arith.addf %add3A_60, %select_n3A_75 : vector<16xf32>
      %get3A_77 = arith.constant 64 : index
      %get3A_78 = tpu.vector_load %arg6[%get3A_77] {strides = array<i32>} : memref<256xi32, #tpu.memory_space<vmem>>, vector<16xi32>,
      %get3A_79 = arith.constant 192 : index
      %get3A_80 = tpu.vector_load %arg6[%get3A_79] {strides = array<i32>} : memref<256xi32, #tpu.memory_space<vmem>>, vector<16xi32>,
      %gather3A_81 = tpu.vector_load_idx %arg5[%broadcast_in_dim3A, %get3A_78] : memref<64x1024xf32, #tpu.memory_space<vmem>>[vector<16xi32>, vector<16xi32>], vector<16xf32>,
      %gather3A_82 = tpu.vector_load_idx %arg5[%broadcast_in_dim3A, %get3A_80] : memref<64x1024xf32, #tpu.memory_space<vmem>>[vector<16xi32>, vector<16xi32>], vector<16xf32>,
      %sub3A_83 = arith.subf %gather3A_81, %gather3A_82 : vector<16xf32>
      %gt3A_84 = arith.constant 0.000000e+00 : f32
      %gt3A_85 = vector.broadcast %gt3A_84 : f32 to vector<16xf32>
      %gt3A_86 = arith.cmpf ogt, %sub3A_83, %gt3A_85 : vector<16xf32>
      %jit3A_87 = arith.constant 1.600000e+01 : f32
      %jit3A_88 = arith.constant 0.000000e+00 : f32
      %broadcast_in_dim3A_89 = vector.broadcast %jit3A_87 : f32 to vector<16xf32>
      %broadcast_in_dim3A_90 = vector.broadcast %jit3A_88 : f32 to vector<16xf32>
      %select_n3A_91 = arith.select %gt3A_86, %broadcast_in_dim3A_89, %broadcast_in_dim3A_90 : vector<16xi1>, vector<16xf32>
      %add3A_92 = arith.addf %add3A_76, %select_n3A_91 : vector<16xf32>
      %get3A_93 = arith.constant 80 : index
      %get3A_94 = tpu.vector_load %arg6[%get3A_93] {strides = array<i32>} : memref<256xi32, #tpu.memory_space<vmem>>, vector<16xi32>,
      %get3A_95 = arith.constant 208 : index
      %get3A_96 = tpu.vector_load %arg6[%get3A_95] {strides = array<i32>} : memref<256xi32, #tpu.memory_space<vmem>>, vector<16xi32>,
      %gather3A_97 = tpu.vector_load_idx %arg5[%broadcast_in_dim3A, %get3A_94] : memref<64x1024xf32, #tpu.memory_space<vmem>>[vector<16xi32>, vector<16xi32>], vector<16xf32>,
      %gather3A_98 = tpu.vector_load_idx %arg5[%broadcast_in_dim3A, %get3A_96] : memref<64x1024xf32, #tpu.memory_space<vmem>>[vector<16xi32>, vector<16xi32>], vector<16xf32>,
      %sub3A_99 = arith.subf %gather3A_97, %gather3A_98 : vector<16xf32>
      %gt3A_100 = arith.constant 0.000000e+00 : f32
      %gt3A_101 = vector.broadcast %gt3A_100 : f32 to vector<16xf32>
      %gt3A_102 = arith.cmpf ogt, %sub3A_99, %gt3A_101 : vector<16xf32>
      %jit3A_103 = arith.constant 3.200000e+01 : f32
      %jit3A_104 = arith.constant 0.000000e+00 : f32
      %broadcast_in_dim3A_105 = vector.broadcast %jit3A_103 : f32 to vector<16xf32>
      %broadcast_in_dim3A_106 = vector.broadcast %jit3A_104 : f32 to vector<16xf32>
      %select_n3A_107 = arith.select %gt3A_102, %broadcast_in_dim3A_105, %broadcast_in_dim3A_106 : vector<16xi1>, vector<16xf32>
      %add3A_108 = arith.addf %add3A_92, %select_n3A_107 : vector<16xf32>
      %get3A_109 = arith.constant 96 : index
      %get3A_110 = tpu.vector_load %arg6[%get3A_109] {strides = array<i32>} : memref<256xi32, #tpu.memory_space<vmem>>, vector<16xi32>,
      %get3A_111 = arith.constant 224 : index
      %get3A_112 = tpu.vector_load %arg6[%get3A_111] {strides = array<i32>} : memref<256xi32, #tpu.memory_space<vmem>>, vector<16xi32>,
      %gather3A_113 = tpu.vector_load_idx %arg5[%broadcast_in_dim3A, %get3A_110] : memref<64x1024xf32, #tpu.memory_space<vmem>>[vector<16xi32>, vector<16xi32>], vector<16xf32>,
      %gather3A_114 = tpu.vector_load_idx %arg5[%broadcast_in_dim3A, %get3A_112] : memref<64x1024xf32, #tpu.memory_space<vmem>>[vector<16xi32>, vector<16xi32>], vector<16xf32>,
      %sub3A_115 = arith.subf %gather3A_113, %gather3A_114 : vector<16xf32>
      %gt3A_116 = arith.constant 0.000000e+00 : f32
      %gt3A_117 = vector.broadcast %gt3A_116 : f32 to vector<16xf32>
      %gt3A_118 = arith.cmpf ogt, %sub3A_115, %gt3A_117 : vector<16xf32>
      %jit3A_119 = arith.constant 6.400000e+01 : f32
      %jit3A_120 = arith.constant 0.000000e+00 : f32
      %broadcast_in_dim3A_121 = vector.broadcast %jit3A_119 : f32 to vector<16xf32>
      %broadcast_in_dim3A_122 = vector.broadcast %jit3A_120 : f32 to vector<16xf32>
      %select_n3A_123 = arith.select %gt3A_118, %broadcast_in_dim3A_121, %broadcast_in_dim3A_122 : vector<16xi1>, vector<16xf32>
      %add3A_124 = arith.addf %add3A_108, %select_n3A_123 : vector<16xf32>
      %get3A_125 = arith.constant 112 : index
      %get3A_126 = tpu.vector_load %arg6[%get3A_125] {strides = array<i32>} : memref<256xi32, #tpu.memory_space<vmem>>, vector<16xi32>,
      %get3A_127 = arith.constant 240 : index
      %get3A_128 = tpu.vector_load %arg6[%get3A_127] {strides = array<i32>} : memref<256xi32, #tpu.memory_space<vmem>>, vector<16xi32>,
      %gather3A_129 = tpu.vector_load_idx %arg5[%broadcast_in_dim3A, %get3A_126] : memref<64x1024xf32, #tpu.memory_space<vmem>>[vector<16xi32>, vector<16xi32>], vector<16xf32>,
      %gather3A_130 = tpu.vector_load_idx %arg5[%broadcast_in_dim3A, %get3A_128] : memref<64x1024xf32, #tpu.memory_space<vmem>>[vector<16xi32>, vector<16xi32>], vector<16xf32>,
      %sub3A_131 = arith.subf %gather3A_129, %gather3A_130 : vector<16xf32>
      %gt3A_132 = arith.constant 0.000000e+00 : f32
      %gt3A_133 = vector.broadcast %gt3A_132 : f32 to vector<16xf32>
      %gt3A_134 = arith.cmpf ogt, %sub3A_131, %gt3A_133 : vector<16xf32>
      %jit3A_135 = arith.constant 1.280000e+02 : f32
      %jit3A_136 = arith.constant 0.000000e+00 : f32
      %broadcast_in_dim3A_137 = vector.broadcast %jit3A_135 : f32 to vector<16xf32>
      %broadcast_in_dim3A_138 = vector.broadcast %jit3A_136 : f32 to vector<16xf32>
      %select_n3A_139 = arith.select %gt3A_134, %broadcast_in_dim3A_137, %broadcast_in_dim3A_138 : vector<16xi1>, vector<16xf32>
      %add3A_140 = arith.addf %add3A_124, %select_n3A_139 : vector<16xf32>
      %swap3A = arith.index_cast %scan3A_16 : i32 to index
      %swap3A_141 = arith.constant 0 : index
      %swap3A_142 = tpu.vector_load %arg7[%swap3A, %swap3A_141] {strides = array<i32>} : memref<64x16xf32, #tpu.memory_space<vmem>>, vector<16xf32>,
      tpu.vector_store %arg7[%swap3A, %swap3A_141], %add3A_140 {strides = array<i32>} : memref<64x16xf32, #tpu.memory_space<vmem>>, vector<16xf32>,
      %scan3A_143 = arith.constant 1 : i32
      %scan3A_144 = arith.addi %scan3A_16, %scan3A_143 : i32
      %broadcast_in_dim3A_145 = vector.broadcast %scan3A_144 : i32 to vector<16xi32>
      %broadcast_in_dim3A_146 = arith.constant 0.000000e+00 : f32
      %broadcast_in_dim3A_147 = vector.broadcast %broadcast_in_dim3A_146 : f32 to vector<16xf32>
      %get3A_148 = arith.constant 0 : index
      %get3A_149 = tpu.vector_load %arg6[%get3A_148] {strides = array<i32>} : memref<256xi32, #tpu.memory_space<vmem>>, vector<16xi32>,
      %get3A_150 = arith.constant 128 : index
      %get3A_151 = tpu.vector_load %arg6[%get3A_150] {strides = array<i32>} : memref<256xi32, #tpu.memory_space<vmem>>, vector<16xi32>,
      %gather3A_152 = tpu.vector_load_idx %arg5[%broadcast_in_dim3A_145, %get3A_149] : memref<64x1024xf32, #tpu.memory_space<vmem>>[vector<16xi32>, vector<16xi32>], vector<16xf32>,
      %gather3A_153 = tpu.vector_load_idx %arg5[%broadcast_in_dim3A_145, %get3A_151] : memref<64x1024xf32, #tpu.memory_space<vmem>>[vector<16xi32>, vector<16xi32>], vector<16xf32>,
      %sub3A_154 = arith.subf %gather3A_152, %gather3A_153 : vector<16xf32>
      %gt3A_155 = arith.constant 0.000000e+00 : f32
      %gt3A_156 = vector.broadcast %gt3A_155 : f32 to vector<16xf32>
      %gt3A_157 = arith.cmpf ogt, %sub3A_154, %gt3A_156 : vector<16xf32>
      %jit3A_158 = arith.constant 1.000000e+00 : f32
      %jit3A_159 = arith.constant 0.000000e+00 : f32
      %broadcast_in_dim3A_160 = vector.broadcast %jit3A_158 : f32 to vector<16xf32>
      %broadcast_in_dim3A_161 = vector.broadcast %jit3A_159 : f32 to vector<16xf32>
      %select_n3A_162 = arith.select %gt3A_157, %broadcast_in_dim3A_160, %broadcast_in_dim3A_161 : vector<16xi1>, vector<16xf32>
      %add3A_163 = arith.addf %broadcast_in_dim3A_147, %select_n3A_162 : vector<16xf32>
      %get3A_164 = arith.constant 16 : index
      %get3A_165 = tpu.vector_load %arg6[%get3A_164] {strides = array<i32>} : memref<256xi32, #tpu.memory_space<vmem>>, vector<16xi32>,
      %get3A_166 = arith.constant 144 : index
      %get3A_167 = tpu.vector_load %arg6[%get3A_166] {strides = array<i32>} : memref<256xi32, #tpu.memory_space<vmem>>, vector<16xi32>,
      %gather3A_168 = tpu.vector_load_idx %arg5[%broadcast_in_dim3A_145, %get3A_165] : memref<64x1024xf32, #tpu.memory_space<vmem>>[vector<16xi32>, vector<16xi32>], vector<16xf32>,
      %gather3A_169 = tpu.vector_load_idx %arg5[%broadcast_in_dim3A_145, %get3A_167] : memref<64x1024xf32, #tpu.memory_space<vmem>>[vector<16xi32>, vector<16xi32>], vector<16xf32>,
      %sub3A_170 = arith.subf %gather3A_168, %gather3A_169 : vector<16xf32>
      %gt3A_171 = arith.constant 0.000000e+00 : f32
      %gt3A_172 = vector.broadcast %gt3A_171 : f32 to vector<16xf32>
      %gt3A_173 = arith.cmpf ogt, %sub3A_170, %gt3A_172 : vector<16xf32>
      %jit3A_174 = arith.constant 2.000000e+00 : f32
      %jit3A_175 = arith.constant 0.000000e+00 : f32
      %broadcast_in_dim3A_176 = vector.broadcast %jit3A_174 : f32 to vector<16xf32>
      %broadcast_in_dim3A_177 = vector.broadcast %jit3A_175 : f32 to vector<16xf32>
      %select_n3A_178 = arith.select %gt3A_173, %broadcast_in_dim3A_176, %broadcast_in_dim3A_177 : vector<16xi1>, vector<16xf32>
      %add3A_179 = arith.addf %add3A_163, %select_n3A_178 : vector<16xf32>
      %get3A_180 = arith.constant 32 : index
      %get3A_181 = tpu.vector_load %arg6[%get3A_180] {strides = array<i32>} : memref<256xi32, #tpu.memory_space<vmem>>, vector<16xi32>,
      %get3A_182 = arith.constant 160 : index
      %get3A_183 = tpu.vector_load %arg6[%get3A_182] {strides = array<i32>} : memref<256xi32, #tpu.memory_space<vmem>>, vector<16xi32>,
      %gather3A_184 = tpu.vector_load_idx %arg5[%broadcast_in_dim3A_145, %get3A_181] : memref<64x1024xf32, #tpu.memory_space<vmem>>[vector<16xi32>, vector<16xi32>], vector<16xf32>,
      %gather3A_185 = tpu.vector_load_idx %arg5[%broadcast_in_dim3A_145, %get3A_183] : memref<64x1024xf32, #tpu.memory_space<vmem>>[vector<16xi32>, vector<16xi32>], vector<16xf32>,
      %sub3A_186 = arith.subf %gather3A_184, %gather3A_185 : vector<16xf32>
      %gt3A_187 = arith.constant 0.000000e+00 : f32
      %gt3A_188 = vector.broadcast %gt3A_187 : f32 to vector<16xf32>
      %gt3A_189 = arith.cmpf ogt, %sub3A_186, %gt3A_188 : vector<16xf32>
      %jit3A_190 = arith.constant 4.000000e+00 : f32
      %jit3A_191 = arith.constant 0.000000e+00 : f32
      %broadcast_in_dim3A_192 = vector.broadcast %jit3A_190 : f32 to vector<16xf32>
      %broadcast_in_dim3A_193 = vector.broadcast %jit3A_191 : f32 to vector<16xf32>
      %select_n3A_194 = arith.select %gt3A_189, %broadcast_in_dim3A_192, %broadcast_in_dim3A_193 : vector<16xi1>, vector<16xf32>
      %add3A_195 = arith.addf %add3A_179, %select_n3A_194 : vector<16xf32>
      %get3A_196 = arith.constant 48 : index
      %get3A_197 = tpu.vector_load %arg6[%get3A_196] {strides = array<i32>} : memref<256xi32, #tpu.memory_space<vmem>>, vector<16xi32>,
      %get3A_198 = arith.constant 176 : index
      %get3A_199 = tpu.vector_load %arg6[%get3A_198] {strides = array<i32>} : memref<256xi32, #tpu.memory_space<vmem>>, vector<16xi32>,
      %gather3A_200 = tpu.vector_load_idx %arg5[%broadcast_in_dim3A_145, %get3A_197] : memref<64x1024xf32, #tpu.memory_space<vmem>>[vector<16xi32>, vector<16xi32>], vector<16xf32>,
      %gather3A_201 = tpu.vector_load_idx %arg5[%broadcast_in_dim3A_145, %get3A_199] : memref<64x1024xf32, #tpu.memory_space<vmem>>[vector<16xi32>, vector<16xi32>], vector<16xf32>,
      %sub3A_202 = arith.subf %gather3A_200, %gather3A_201 : vector<16xf32>
      %gt3A_203 = arith.constant 0.000000e+00 : f32
      %gt3A_204 = vector.broadcast %gt3A_203 : f32 to vector<16xf32>
      %gt3A_205 = arith.cmpf ogt, %sub3A_202, %gt3A_204 : vector<16xf32>
      %jit3A_206 = arith.constant 8.000000e+00 : f32
      %jit3A_207 = arith.constant 0.000000e+00 : f32
      %broadcast_in_dim3A_208 = vector.broadcast %jit3A_206 : f32 to vector<16xf32>
      %broadcast_in_dim3A_209 = vector.broadcast %jit3A_207 : f32 to vector<16xf32>
      %select_n3A_210 = arith.select %gt3A_205, %broadcast_in_dim3A_208, %broadcast_in_dim3A_209 : vector<16xi1>, vector<16xf32>
      %add3A_211 = arith.addf %add3A_195, %select_n3A_210 : vector<16xf32>
      %get3A_212 = arith.constant 64 : index
      %get3A_213 = tpu.vector_load %arg6[%get3A_212] {strides = array<i32>} : memref<256xi32, #tpu.memory_space<vmem>>, vector<16xi32>,
      %get3A_214 = arith.constant 192 : index
      %get3A_215 = tpu.vector_load %arg6[%get3A_214] {strides = array<i32>} : memref<256xi32, #tpu.memory_space<vmem>>, vector<16xi32>,
      %gather3A_216 = tpu.vector_load_idx %arg5[%broadcast_in_dim3A_145, %get3A_213] : memref<64x1024xf32, #tpu.memory_space<vmem>>[vector<16xi32>, vector<16xi32>], vector<16xf32>,
      %gather3A_217 = tpu.vector_load_idx %arg5[%broadcast_in_dim3A_145, %get3A_215] : memref<64x1024xf32, #tpu.memory_space<vmem>>[vector<16xi32>, vector<16xi32>], vector<16xf32>,
      %sub3A_218 = arith.subf %gather3A_216, %gather3A_217 : vector<16xf32>
      %gt3A_219 = arith.constant 0.000000e+00 : f32
      %gt3A_220 = vector.broadcast %gt3A_219 : f32 to vector<16xf32>
      %gt3A_221 = arith.cmpf ogt, %sub3A_218, %gt3A_220 : vector<16xf32>
      %jit3A_222 = arith.constant 1.600000e+01 : f32
      %jit3A_223 = arith.constant 0.000000e+00 : f32
      %broadcast_in_dim3A_224 = vector.broadcast %jit3A_222 : f32 to vector<16xf32>
      %broadcast_in_dim3A_225 = vector.broadcast %jit3A_223 : f32 to vector<16xf32>
      %select_n3A_226 = arith.select %gt3A_221, %broadcast_in_dim3A_224, %broadcast_in_dim3A_225 : vector<16xi1>, vector<16xf32>
      %add3A_227 = arith.addf %add3A_211, %select_n3A_226 : vector<16xf32>
      %get3A_228 = arith.constant 80 : index
      %get3A_229 = tpu.vector_load %arg6[%get3A_228] {strides = array<i32>} : memref<256xi32, #tpu.memory_space<vmem>>, vector<16xi32>,
      %get3A_230 = arith.constant 208 : index
      %get3A_231 = tpu.vector_load %arg6[%get3A_230] {strides = array<i32>} : memref<256xi32, #tpu.memory_space<vmem>>, vector<16xi32>,
      %gather3A_232 = tpu.vector_load_idx %arg5[%broadcast_in_dim3A_145, %get3A_229] : memref<64x1024xf32, #tpu.memory_space<vmem>>[vector<16xi32>, vector<16xi32>], vector<16xf32>,
      %gather3A_233 = tpu.vector_load_idx %arg5[%broadcast_in_dim3A_145, %get3A_231] : memref<64x1024xf32, #tpu.memory_space<vmem>>[vector<16xi32>, vector<16xi32>], vector<16xf32>,
      %sub3A_234 = arith.subf %gather3A_232, %gather3A_233 : vector<16xf32>
      %gt3A_235 = arith.constant 0.000000e+00 : f32
      %gt3A_236 = vector.broadcast %gt3A_235 : f32 to vector<16xf32>
      %gt3A_237 = arith.cmpf ogt, %sub3A_234, %gt3A_236 : vector<16xf32>
      %jit3A_238 = arith.constant 3.200000e+01 : f32
      %jit3A_239 = arith.constant 0.000000e+00 : f32
      %broadcast_in_dim3A_240 = vector.broadcast %jit3A_238 : f32 to vector<16xf32>
      %broadcast_in_dim3A_241 = vector.broadcast %jit3A_239 : f32 to vector<16xf32>
      %select_n3A_242 = arith.select %gt3A_237, %broadcast_in_dim3A_240, %broadcast_in_dim3A_241 : vector<16xi1>, vector<16xf32>
      %add3A_243 = arith.addf %add3A_227, %select_n3A_242 : vector<16xf32>
      %get3A_244 = arith.constant 96 : index
      %get3A_245 = tpu.vector_load %arg6[%get3A_244] {strides = array<i32>} : memref<256xi32, #tpu.memory_space<vmem>>, vector<16xi32>,
      %get3A_246 = arith.constant 224 : index
      %get3A_247 = tpu.vector_load %arg6[%get3A_246] {strides = array<i32>} : memref<256xi32, #tpu.memory_space<vmem>>, vector<16xi32>,
      %gather3A_248 = tpu.vector_load_idx %arg5[%broadcast_in_dim3A_145, %get3A_245] : memref<64x1024xf32, #tpu.memory_space<vmem>>[vector<16xi32>, vector<16xi32>], vector<16xf32>,
      %gather3A_249 = tpu.vector_load_idx %arg5[%broadcast_in_dim3A_145, %get3A_247] : memref<64x1024xf32, #tpu.memory_space<vmem>>[vector<16xi32>, vector<16xi32>], vector<16xf32>,
      %sub3A_250 = arith.subf %gather3A_248, %gather3A_249 : vector<16xf32>
      %gt3A_251 = arith.constant 0.000000e+00 : f32
      %gt3A_252 = vector.broadcast %gt3A_251 : f32 to vector<16xf32>
      %gt3A_253 = arith.cmpf ogt, %sub3A_250, %gt3A_252 : vector<16xf32>
      %jit3A_254 = arith.constant 6.400000e+01 : f32
      %jit3A_255 = arith.constant 0.000000e+00 : f32
      %broadcast_in_dim3A_256 = vector.broadcast %jit3A_254 : f32 to vector<16xf32>
      %broadcast_in_dim3A_257 = vector.broadcast %jit3A_255 : f32 to vector<16xf32>
      %select_n3A_258 = arith.select %gt3A_253, %broadcast_in_dim3A_256, %broadcast_in_dim3A_257 : vector<16xi1>, vector<16xf32>
      %add3A_259 = arith.addf %add3A_243, %select_n3A_258 : vector<16xf32>
      %get3A_260 = arith.constant 112 : index
      %get3A_261 = tpu.vector_load %arg6[%get3A_260] {strides = array<i32>} : memref<256xi32, #tpu.memory_space<vmem>>, vector<16xi32>,
      %get3A_262 = arith.constant 240 : index
      %get3A_263 = tpu.vector_load %arg6[%get3A_262] {strides = array<i32>} : memref<256xi32, #tpu.memory_space<vmem>>, vector<16xi32>,
      %gather3A_264 = tpu.vector_load_idx %arg5[%broadcast_in_dim3A_145, %get3A_261] : memref<64x1024xf32, #tpu.memory_space<vmem>>[vector<16xi32>, vector<16xi32>], vector<16xf32>,
      %gather3A_265 = tpu.vector_load_idx %arg5[%broadcast_in_dim3A_145, %get3A_263] : memref<64x1024xf32, #tpu.memory_space<vmem>>[vector<16xi32>, vector<16xi32>], vector<16xf32>,
      %sub3A_266 = arith.subf %gather3A_264, %gather3A_265 : vector<16xf32>
      %gt3A_267 = arith.constant 0.000000e+00 : f32
      %gt3A_268 = vector.broadcast %gt3A_267 : f32 to vector<16xf32>
      %gt3A_269 = arith.cmpf ogt, %sub3A_266, %gt3A_268 : vector<16xf32>
      %jit3A_270 = arith.constant 1.280000e+02 : f32
      %jit3A_271 = arith.constant 0.000000e+00 : f32
      %broadcast_in_dim3A_272 = vector.broadcast %jit3A_270 : f32 to vector<16xf32>
      %broadcast_in_dim3A_273 = vector.broadcast %jit3A_271 : f32 to vector<16xf32>
      %select_n3A_274 = arith.select %gt3A_269, %broadcast_in_dim3A_272, %broadcast_in_dim3A_273 : vector<16xi1>, vector<16xf32>
      %add3A_275 = arith.addf %add3A_259, %select_n3A_274 : vector<16xf32>
      %swap3A_276 = arith.index_cast %scan3A_144 : i32 to index
      %swap3A_277 = arith.constant 0 : index
      %swap3A_278 = tpu.vector_load %arg7[%swap3A_276, %swap3A_277] {strides = array<i32>} : memref<64x16xf32, #tpu.memory_space<vmem>>, vector<16xf32>,
      tpu.vector_store %arg7[%swap3A_276, %swap3A_277], %add3A_275 {strides = array<i32>} : memref<64x16xf32, #tpu.memory_space<vmem>>, vector<16xf32>,
      %scan3A_279 = arith.constant 2 : i32
      %scan3A_280 = arith.addi %scan3A_16, %scan3A_279 : i32
      %broadcast_in_dim3A_281 = vector.broadcast %scan3A_280 : i32 to vector<16xi32>
      %broadcast_in_dim3A_282 = arith.constant 0.000000e+00 : f32
      %broadcast_in_dim3A_283 = vector.broadcast %broadcast_in_dim3A_282 : f32 to vector<16xf32>
      %get3A_284 = arith.constant 0 : index
      %get3A_285 = tpu.vector_load %arg6[%get3A_284] {strides = array<i32>} : memref<256xi32, #tpu.memory_space<vmem>>, vector<16xi32>,
      %get3A_286 = arith.constant 128 : index
      %get3A_287 = tpu.vector_load %arg6[%get3A_286] {strides = array<i32>} : memref<256xi32, #tpu.memory_space<vmem>>, vector<16xi32>,
      %gather3A_288 = tpu.vector_load_idx %arg5[%broadcast_in_dim3A_281, %get3A_285] : memref<64x1024xf32, #tpu.memory_space<vmem>>[vector<16xi32>, vector<16xi32>], vector<16xf32>,
      %gather3A_289 = tpu.vector_load_idx %arg5[%broadcast_in_dim3A_281, %get3A_287] : memref<64x1024xf32, #tpu.memory_space<vmem>>[vector<16xi32>, vector<16xi32>], vector<16xf32>,
      %sub3A_290 = arith.subf %gather3A_288, %gather3A_289 : vector<16xf32>
      %gt3A_291 = arith.constant 0.000000e+00 : f32
      %gt3A_292 = vector.broadcast %gt3A_291 : f32 to vector<16xf32>
      %gt3A_293 = arith.cmpf ogt, %sub3A_290, %gt3A_292 : vector<16xf32>
      %jit3A_294 = arith.constant 1.000000e+00 : f32
      %jit3A_295 = arith.constant 0.000000e+00 : f32
      %broadcast_in_dim3A_296 = vector.broadcast %jit3A_294 : f32 to vector<16xf32>
      %broadcast_in_dim3A_297 = vector.broadcast %jit3A_295 : f32 to vector<16xf32>
      %select_n3A_298 = arith.select %gt3A_293, %broadcast_in_dim3A_296, %broadcast_in_dim3A_297 : vector<16xi1>, vector<16xf32>
      %add3A_299 = arith.addf %broadcast_in_dim3A_283, %select_n3A_298 : vector<16xf32>
      %get3A_300 = arith.constant 16 : index
      %get3A_301 = tpu.vector_load %arg6[%get3A_300] {strides = array<i32>} : memref<256xi32, #tpu.memory_space<vmem>>, vector<16xi32>,
      %get3A_302 = arith.constant 144 : index
      %get3A_303 = tpu.vector_load %arg6[%get3A_302] {strides = array<i32>} : memref<256xi32, #tpu.memory_space<vmem>>, vector<16xi32>,
      %gather3A_304 = tpu.vector_load_idx %arg5[%broadcast_in_dim3A_281, %get3A_301] : memref<64x1024xf32, #tpu.memory_space<vmem>>[vector<16xi32>, vector<16xi32>], vector<16xf32>,
      %gather3A_305 = tpu.vector_load_idx %arg5[%broadcast_in_dim3A_281, %get3A_303] : memref<64x1024xf32, #tpu.memory_space<vmem>>[vector<16xi32>, vector<16xi32>], vector<16xf32>,
      %sub3A_306 = arith.subf %gather3A_304, %gather3A_305 : vector<16xf32>
      %gt3A_307 = arith.constant 0.000000e+00 : f32
      %gt3A_308 = vector.broadcast %gt3A_307 : f32 to vector<16xf32>
      %gt3A_309 = arith.cmpf ogt, %sub3A_306, %gt3A_308 : vector<16xf32>
      %jit3A_310 = arith.constant 2.000000e+00 : f32
      %jit3A_311 = arith.constant 0.000000e+00 : f32
      %broadcast_in_dim3A_312 = vector.broadcast %jit3A_310 : f32 to vector<16xf32>
      %broadcast_in_dim3A_313 = vector.broadcast %jit3A_311 : f32 to vector<16xf32>
      %select_n3A_314 = arith.select %gt3A_309, %broadcast_in_dim3A_312, %broadcast_in_dim3A_313 : vector<16xi1>, vector<16xf32>
      %add3A_315 = arith.addf %add3A_299, %select_n3A_314 : vector<16xf32>
      %get3A_316 = arith.constant 32 : index
      %get3A_317 = tpu.vector_load %arg6[%get3A_316] {strides = array<i32>} : memref<256xi32, #tpu.memory_space<vmem>>, vector<16xi32>,
      %get3A_318 = arith.constant 160 : index
      %get3A_319 = tpu.vector_load %arg6[%get3A_318] {strides = array<i32>} : memref<256xi32, #tpu.memory_space<vmem>>, vector<16xi32>,
      %gather3A_320 = tpu.vector_load_idx %arg5[%broadcast_in_dim3A_281, %get3A_317] : memref<64x1024xf32, #tpu.memory_space<vmem>>[vector<16xi32>, vector<16xi32>], vector<16xf32>,
      %gather3A_321 = tpu.vector_load_idx %arg5[%broadcast_in_dim3A_281, %get3A_319] : memref<64x1024xf32, #tpu.memory_space<vmem>>[vector<16xi32>, vector<16xi32>], vector<16xf32>,
      %sub3A_322 = arith.subf %gather3A_320, %gather3A_321 : vector<16xf32>
      %gt3A_323 = arith.constant 0.000000e+00 : f32
      %gt3A_324 = vector.broadcast %gt3A_323 : f32 to vector<16xf32>
      %gt3A_325 = arith.cmpf ogt, %sub3A_322, %gt3A_324 : vector<16xf32>
      %jit3A_326 = arith.constant 4.000000e+00 : f32
      %jit3A_327 = arith.constant 0.000000e+00 : f32
      %broadcast_in_dim3A_328 = vector.broadcast %jit3A_326 : f32 to vector<16xf32>
      %broadcast_in_dim3A_329 = vector.broadcast %jit3A_327 : f32 to vector<16xf32>
      %select_n3A_330 = arith.select %gt3A_325, %broadcast_in_dim3A_328, %broadcast_in_dim3A_329 : vector<16xi1>, vector<16xf32>
      %add3A_331 = arith.addf %add3A_315, %select_n3A_330 : vector<16xf32>
      %get3A_332 = arith.constant 48 : index
      %get3A_333 = tpu.vector_load %arg6[%get3A_332] {strides = array<i32>} : memref<256xi32, #tpu.memory_space<vmem>>, vector<16xi32>,
      %get3A_334 = arith.constant 176 : index
      %get3A_335 = tpu.vector_load %arg6[%get3A_334] {strides = array<i32>} : memref<256xi32, #tpu.memory_space<vmem>>, vector<16xi32>,
      %gather3A_336 = tpu.vector_load_idx %arg5[%broadcast_in_dim3A_281, %get3A_333] : memref<64x1024xf32, #tpu.memory_space<vmem>>[vector<16xi32>, vector<16xi32>], vector<16xf32>,
      %gather3A_337 = tpu.vector_load_idx %arg5[%broadcast_in_dim3A_281, %get3A_335] : memref<64x1024xf32, #tpu.memory_space<vmem>>[vector<16xi32>, vector<16xi32>], vector<16xf32>,
      %sub3A_338 = arith.subf %gather3A_336, %gather3A_337 : vector<16xf32>
      %gt3A_339 = arith.constant 0.000000e+00 : f32
      %gt3A_340 = vector.broadcast %gt3A_339 : f32 to vector<16xf32>
      %gt3A_341 = arith.cmpf ogt, %sub3A_338, %gt3A_340 : vector<16xf32>
      %jit3A_342 = arith.constant 8.000000e+00 : f32
      %jit3A_343 = arith.constant 0.000000e+00 : f32
      %broadcast_in_dim3A_344 = vector.broadcast %jit3A_342 : f32 to vector<16xf32>
      %broadcast_in_dim3A_345 = vector.broadcast %jit3A_343 : f32 to vector<16xf32>
      %select_n3A_346 = arith.select %gt3A_341, %broadcast_in_dim3A_344, %broadcast_in_dim3A_345 : vector<16xi1>, vector<16xf32>
      %add3A_347 = arith.addf %add3A_331, %select_n3A_346 : vector<16xf32>
      %get3A_348 = arith.constant 64 : index
      %get3A_349 = tpu.vector_load %arg6[%get3A_348] {strides = array<i32>} : memref<256xi32, #tpu.memory_space<vmem>>, vector<16xi32>,
      %get3A_350 = arith.constant 192 : index
      %get3A_351 = tpu.vector_load %arg6[%get3A_350] {strides = array<i32>} : memref<256xi32, #tpu.memory_space<vmem>>, vector<16xi32>,
      %gather3A_352 = tpu.vector_load_idx %arg5[%broadcast_in_dim3A_281, %get3A_349] : memref<64x1024xf32, #tpu.memory_space<vmem>>[vector<16xi32>, vector<16xi32>], vector<16xf32>,
      %gather3A_353 = tpu.vector_load_idx %arg5[%broadcast_in_dim3A_281, %get3A_351] : memref<64x1024xf32, #tpu.memory_space<vmem>>[vector<16xi32>, vector<16xi32>], vector<16xf32>,
      %sub3A_354 = arith.subf %gather3A_352, %gather3A_353 : vector<16xf32>
      %gt3A_355 = arith.constant 0.000000e+00 : f32
      %gt3A_356 = vector.broadcast %gt3A_355 : f32 to vector<16xf32>
      %gt3A_357 = arith.cmpf ogt, %sub3A_354, %gt3A_356 : vector<16xf32>
      %jit3A_358 = arith.constant 1.600000e+01 : f32
      %jit3A_359 = arith.constant 0.000000e+00 : f32
      %broadcast_in_dim3A_360 = vector.broadcast %jit3A_358 : f32 to vector<16xf32>
      %broadcast_in_dim3A_361 = vector.broadcast %jit3A_359 : f32 to vector<16xf32>
      %select_n3A_362 = arith.select %gt3A_357, %broadcast_in_dim3A_360, %broadcast_in_dim3A_361 : vector<16xi1>, vector<16xf32>
      %add3A_363 = arith.addf %add3A_347, %select_n3A_362 : vector<16xf32>
      %get3A_364 = arith.constant 80 : index
      %get3A_365 = tpu.vector_load %arg6[%get3A_364] {strides = array<i32>} : memref<256xi32, #tpu.memory_space<vmem>>, vector<16xi32>,
      %get3A_366 = arith.constant 208 : index
      %get3A_367 = tpu.vector_load %arg6[%get3A_366] {strides = array<i32>} : memref<256xi32, #tpu.memory_space<vmem>>, vector<16xi32>,
      %gather3A_368 = tpu.vector_load_idx %arg5[%broadcast_in_dim3A_281, %get3A_365] : memref<64x1024xf32, #tpu.memory_space<vmem>>[vector<16xi32>, vector<16xi32>], vector<16xf32>,
      %gather3A_369 = tpu.vector_load_idx %arg5[%broadcast_in_dim3A_281, %get3A_367] : memref<64x1024xf32, #tpu.memory_space<vmem>>[vector<16xi32>, vector<16xi32>], vector<16xf32>,
      %sub3A_370 = arith.subf %gather3A_368, %gather3A_369 : vector<16xf32>
      %gt3A_371 = arith.constant 0.000000e+00 : f32
      %gt3A_372 = vector.broadcast %gt3A_371 : f32 to vector<16xf32>
      %gt3A_373 = arith.cmpf ogt, %sub3A_370, %gt3A_372 : vector<16xf32>
      %jit3A_374 = arith.constant 3.200000e+01 : f32
      %jit3A_375 = arith.constant 0.000000e+00 : f32
      %broadcast_in_dim3A_376 = vector.broadcast %jit3A_374 : f32 to vector<16xf32>
      %broadcast_in_dim3A_377 = vector.broadcast %jit3A_375 : f32 to vector<16xf32>
      %select_n3A_378 = arith.select %gt3A_373, %broadcast_in_dim3A_376, %broadcast_in_dim3A_377 : vector<16xi1>, vector<16xf32>
      %add3A_379 = arith.addf %add3A_363, %select_n3A_378 : vector<16xf32>
      %get3A_380 = arith.constant 96 : index
      %get3A_381 = tpu.vector_load %arg6[%get3A_380] {strides = array<i32>} : memref<256xi32, #tpu.memory_space<vmem>>, vector<16xi32>,
      %get3A_382 = arith.constant 224 : index
      %get3A_383 = tpu.vector_load %arg6[%get3A_382] {strides = array<i32>} : memref<256xi32, #tpu.memory_space<vmem>>, vector<16xi32>,
      %gather3A_384 = tpu.vector_load_idx %arg5[%broadcast_in_dim3A_281, %get3A_381] : memref<64x1024xf32, #tpu.memory_space<vmem>>[vector<16xi32>, vector<16xi32>], vector<16xf32>,
      %gather3A_385 = tpu.vector_load_idx %arg5[%broadcast_in_dim3A_281, %get3A_383] : memref<64x1024xf32, #tpu.memory_space<vmem>>[vector<16xi32>, vector<16xi32>], vector<16xf32>,
      %sub3A_386 = arith.subf %gather3A_384, %gather3A_385 : vector<16xf32>
      %gt3A_387 = arith.constant 0.000000e+00 : f32
      %gt3A_388 = vector.broadcast %gt3A_387 : f32 to vector<16xf32>
      %gt3A_389 = arith.cmpf ogt, %sub3A_386, %gt3A_388 : vector<16xf32>
      %jit3A_390 = arith.constant 6.400000e+01 : f32
      %jit3A_391 = arith.constant 0.000000e+00 : f32
      %broadcast_in_dim3A_392 = vector.broadcast %jit3A_390 : f32 to vector<16xf32>
      %broadcast_in_dim3A_393 = vector.broadcast %jit3A_391 : f32 to vector<16xf32>
      %select_n3A_394 = arith.select %gt3A_389, %broadcast_in_dim3A_392, %broadcast_in_dim3A_393 : vector<16xi1>, vector<16xf32>
      %add3A_395 = arith.addf %add3A_379, %select_n3A_394 : vector<16xf32>
      %get3A_396 = arith.constant 112 : index
      %get3A_397 = tpu.vector_load %arg6[%get3A_396] {strides = array<i32>} : memref<256xi32, #tpu.memory_space<vmem>>, vector<16xi32>,
      %get3A_398 = arith.constant 240 : index
      %get3A_399 = tpu.vector_load %arg6[%get3A_398] {strides = array<i32>} : memref<256xi32, #tpu.memory_space<vmem>>, vector<16xi32>,
      %gather3A_400 = tpu.vector_load_idx %arg5[%broadcast_in_dim3A_281, %get3A_397] : memref<64x1024xf32, #tpu.memory_space<vmem>>[vector<16xi32>, vector<16xi32>], vector<16xf32>,
      %gather3A_401 = tpu.vector_load_idx %arg5[%broadcast_in_dim3A_281, %get3A_399] : memref<64x1024xf32, #tpu.memory_space<vmem>>[vector<16xi32>, vector<16xi32>], vector<16xf32>,
      %sub3A_402 = arith.subf %gather3A_400, %gather3A_401 : vector<16xf32>
      %gt3A_403 = arith.constant 0.000000e+00 : f32
      %gt3A_404 = vector.broadcast %gt3A_403 : f32 to vector<16xf32>
      %gt3A_405 = arith.cmpf ogt, %sub3A_402, %gt3A_404 : vector<16xf32>
      %jit3A_406 = arith.constant 1.280000e+02 : f32
      %jit3A_407 = arith.constant 0.000000e+00 : f32
      %broadcast_in_dim3A_408 = vector.broadcast %jit3A_406 : f32 to vector<16xf32>
      %broadcast_in_dim3A_409 = vector.broadcast %jit3A_407 : f32 to vector<16xf32>
      %select_n3A_410 = arith.select %gt3A_405, %broadcast_in_dim3A_408, %broadcast_in_dim3A_409 : vector<16xi1>, vector<16xf32>
      %add3A_411 = arith.addf %add3A_395, %select_n3A_410 : vector<16xf32>
      %swap3A_412 = arith.index_cast %scan3A_280 : i32 to index
      %swap3A_413 = arith.constant 0 : index
      %swap3A_414 = tpu.vector_load %arg7[%swap3A_412, %swap3A_413] {strides = array<i32>} : memref<64x16xf32, #tpu.memory_space<vmem>>, vector<16xf32>,
      tpu.vector_store %arg7[%swap3A_412, %swap3A_413], %add3A_411 {strides = array<i32>} : memref<64x16xf32, #tpu.memory_space<vmem>>, vector<16xf32>,
      %scan3A_415 = arith.constant 3 : i32
      %scan3A_416 = arith.addi %scan3A_16, %scan3A_415 : i32
      %broadcast_in_dim3A_417 = vector.broadcast %scan3A_416 : i32 to vector<16xi32>
      %broadcast_in_dim3A_418 = arith.constant 0.000000e+00 : f32
      %broadcast_in_dim3A_419 = vector.broadcast %broadcast_in_dim3A_418 : f32 to vector<16xf32>
      %get3A_420 = arith.constant 0 : index
      %get3A_421 = tpu.vector_load %arg6[%get3A_420] {strides = array<i32>} : memref<256xi32, #tpu.memory_space<vmem>>, vector<16xi32>,
      %get3A_422 = arith.constant 128 : index
      %get3A_423 = tpu.vector_load %arg6[%get3A_422] {strides = array<i32>} : memref<256xi32, #tpu.memory_space<vmem>>, vector<16xi32>,
      %gather3A_424 = tpu.vector_load_idx %arg5[%broadcast_in_dim3A_417, %get3A_421] : memref<64x1024xf32, #tpu.memory_space<vmem>>[vector<16xi32>, vector<16xi32>], vector<16xf32>,
      %gather3A_425 = tpu.vector_load_idx %arg5[%broadcast_in_dim3A_417, %get3A_423] : memref<64x1024xf32, #tpu.memory_space<vmem>>[vector<16xi32>, vector<16xi32>], vector<16xf32>,
      %sub3A_426 = arith.subf %gather3A_424, %gather3A_425 : vector<16xf32>
      %gt3A_427 = arith.constant 0.000000e+00 : f32
      %gt3A_428 = vector.broadcast %gt3A_427 : f32 to vector<16xf32>
      %gt3A_429 = arith.cmpf ogt, %sub3A_426, %gt3A_428 : vector<16xf32>
      %jit3A_430 = arith.constant 1.000000e+00 : f32
      %jit3A_431 = arith.constant 0.000000e+00 : f32
      %broadcast_in_dim3A_432 = vector.broadcast %jit3A_430 : f32 to vector<16xf32>
      %broadcast_in_dim3A_433 = vector.broadcast %jit3A_431 : f32 to vector<16xf32>
      %select_n3A_434 = arith.select %gt3A_429, %broadcast_in_dim3A_432, %broadcast_in_dim3A_433 : vector<16xi1>, vector<16xf32>
      %add3A_435 = arith.addf %broadcast_in_dim3A_419, %select_n3A_434 : vector<16xf32>
      %get3A_436 = arith.constant 16 : index
      %get3A_437 = tpu.vector_load %arg6[%get3A_436] {strides = array<i32>} : memref<256xi32, #tpu.memory_space<vmem>>, vector<16xi32>,
      %get3A_438 = arith.constant 144 : index
      %get3A_439 = tpu.vector_load %arg6[%get3A_438] {strides = array<i32>} : memref<256xi32, #tpu.memory_space<vmem>>, vector<16xi32>,
      %gather3A_440 = tpu.vector_load_idx %arg5[%broadcast_in_dim3A_417, %get3A_437] : memref<64x1024xf32, #tpu.memory_space<vmem>>[vector<16xi32>, vector<16xi32>], vector<16xf32>,
      %gather3A_441 = tpu.vector_load_idx %arg5[%broadcast_in_dim3A_417, %get3A_439] : memref<64x1024xf32, #tpu.memory_space<vmem>>[vector<16xi32>, vector<16xi32>], vector<16xf32>,
      %sub3A_442 = arith.subf %gather3A_440, %gather3A_441 : vector<16xf32>
      %gt3A_443 = arith.constant 0.000000e+00 : f32
      %gt3A_444 = vector.broadcast %gt3A_443 : f32 to vector<16xf32>
      %gt3A_445 = arith.cmpf ogt, %sub3A_442, %gt3A_444 : vector<16xf32>
      %jit3A_446 = arith.constant 2.000000e+00 : f32
      %jit3A_447 = arith.constant 0.000000e+00 : f32
      %broadcast_in_dim3A_448 = vector.broadcast %jit3A_446 : f32 to vector<16xf32>
      %broadcast_in_dim3A_449 = vector.broadcast %jit3A_447 : f32 to vector<16xf32>
      %select_n3A_450 = arith.select %gt3A_445, %broadcast_in_dim3A_448, %broadcast_in_dim3A_449 : vector<16xi1>, vector<16xf32>
      %add3A_451 = arith.addf %add3A_435, %select_n3A_450 : vector<16xf32>
      %get3A_452 = arith.constant 32 : index
      %get3A_453 = tpu.vector_load %arg6[%get3A_452] {strides = array<i32>} : memref<256xi32, #tpu.memory_space<vmem>>, vector<16xi32>,
      %get3A_454 = arith.constant 160 : index
      %get3A_455 = tpu.vector_load %arg6[%get3A_454] {strides = array<i32>} : memref<256xi32, #tpu.memory_space<vmem>>, vector<16xi32>,
      %gather3A_456 = tpu.vector_load_idx %arg5[%broadcast_in_dim3A_417, %get3A_453] : memref<64x1024xf32, #tpu.memory_space<vmem>>[vector<16xi32>, vector<16xi32>], vector<16xf32>,
      %gather3A_457 = tpu.vector_load_idx %arg5[%broadcast_in_dim3A_417, %get3A_455] : memref<64x1024xf32, #tpu.memory_space<vmem>>[vector<16xi32>, vector<16xi32>], vector<16xf32>,
      %sub3A_458 = arith.subf %gather3A_456, %gather3A_457 : vector<16xf32>
      %gt3A_459 = arith.constant 0.000000e+00 : f32
      %gt3A_460 = vector.broadcast %gt3A_459 : f32 to vector<16xf32>
      %gt3A_461 = arith.cmpf ogt, %sub3A_458, %gt3A_460 : vector<16xf32>
      %jit3A_462 = arith.constant 4.000000e+00 : f32
      %jit3A_463 = arith.constant 0.000000e+00 : f32
      %broadcast_in_dim3A_464 = vector.broadcast %jit3A_462 : f32 to vector<16xf32>
      %broadcast_in_dim3A_465 = vector.broadcast %jit3A_463 : f32 to vector<16xf32>
      %select_n3A_466 = arith.select %gt3A_461, %broadcast_in_dim3A_464, %broadcast_in_dim3A_465 : vector<16xi1>, vector<16xf32>
      %add3A_467 = arith.addf %add3A_451, %select_n3A_466 : vector<16xf32>
      %get3A_468 = arith.constant 48 : index
      %get3A_469 = tpu.vector_load %arg6[%get3A_468] {strides = array<i32>} : memref<256xi32, #tpu.memory_space<vmem>>, vector<16xi32>,
      %get3A_470 = arith.constant 176 : index
      %get3A_471 = tpu.vector_load %arg6[%get3A_470] {strides = array<i32>} : memref<256xi32, #tpu.memory_space<vmem>>, vector<16xi32>,
      %gather3A_472 = tpu.vector_load_idx %arg5[%broadcast_in_dim3A_417, %get3A_469] : memref<64x1024xf32, #tpu.memory_space<vmem>>[vector<16xi32>, vector<16xi32>], vector<16xf32>,
      %gather3A_473 = tpu.vector_load_idx %arg5[%broadcast_in_dim3A_417, %get3A_471] : memref<64x1024xf32, #tpu.memory_space<vmem>>[vector<16xi32>, vector<16xi32>], vector<16xf32>,
      %sub3A_474 = arith.subf %gather3A_472, %gather3A_473 : vector<16xf32>
      %gt3A_475 = arith.constant 0.000000e+00 : f32
      %gt3A_476 = vector.broadcast %gt3A_475 : f32 to vector<16xf32>
      %gt3A_477 = arith.cmpf ogt, %sub3A_474, %gt3A_476 : vector<16xf32>
      %jit3A_478 = arith.constant 8.000000e+00 : f32
      %jit3A_479 = arith.constant 0.000000e+00 : f32
      %broadcast_in_dim3A_480 = vector.broadcast %jit3A_478 : f32 to vector<16xf32>
      %broadcast_in_dim3A_481 = vector.broadcast %jit3A_479 : f32 to vector<16xf32>
      %select_n3A_482 = arith.select %gt3A_477, %broadcast_in_dim3A_480, %broadcast_in_dim3A_481 : vector<16xi1>, vector<16xf32>
      %add3A_483 = arith.addf %add3A_467, %select_n3A_482 : vector<16xf32>
      %get3A_484 = arith.constant 64 : index
      %get3A_485 = tpu.vector_load %arg6[%get3A_484] {strides = array<i32>} : memref<256xi32, #tpu.memory_space<vmem>>, vector<16xi32>,
      %get3A_486 = arith.constant 192 : index
      %get3A_487 = tpu.vector_load %arg6[%get3A_486] {strides = array<i32>} : memref<256xi32, #tpu.memory_space<vmem>>, vector<16xi32>,
      %gather3A_488 = tpu.vector_load_idx %arg5[%broadcast_in_dim3A_417, %get3A_485] : memref<64x1024xf32, #tpu.memory_space<vmem>>[vector<16xi32>, vector<16xi32>], vector<16xf32>,
      %gather3A_489 = tpu.vector_load_idx %arg5[%broadcast_in_dim3A_417, %get3A_487] : memref<64x1024xf32, #tpu.memory_space<vmem>>[vector<16xi32>, vector<16xi32>], vector<16xf32>,
      %sub3A_490 = arith.subf %gather3A_488, %gather3A_489 : vector<16xf32>
      %gt3A_491 = arith.constant 0.000000e+00 : f32
      %gt3A_492 = vector.broadcast %gt3A_491 : f32 to vector<16xf32>
      %gt3A_493 = arith.cmpf ogt, %sub3A_490, %gt3A_492 : vector<16xf32>
      %jit3A_494 = arith.constant 1.600000e+01 : f32
      %jit3A_495 = arith.constant 0.000000e+00 : f32
      %broadcast_in_dim3A_496 = vector.broadcast %jit3A_494 : f32 to vector<16xf32>
      %broadcast_in_dim3A_497 = vector.broadcast %jit3A_495 : f32 to vector<16xf32>
      %select_n3A_498 = arith.select %gt3A_493, %broadcast_in_dim3A_496, %broadcast_in_dim3A_497 : vector<16xi1>, vector<16xf32>
      %add3A_499 = arith.addf %add3A_483, %select_n3A_498 : vector<16xf32>
      %get3A_500 = arith.constant 80 : index
      %get3A_501 = tpu.vector_load %arg6[%get3A_500] {strides = array<i32>} : memref<256xi32, #tpu.memory_space<vmem>>, vector<16xi32>,
      %get3A_502 = arith.constant 208 : index
      %get3A_503 = tpu.vector_load %arg6[%get3A_502] {strides = array<i32>} : memref<256xi32, #tpu.memory_space<vmem>>, vector<16xi32>,
      %gather3A_504 = tpu.vector_load_idx %arg5[%broadcast_in_dim3A_417, %get3A_501] : memref<64x1024xf32, #tpu.memory_space<vmem>>[vector<16xi32>, vector<16xi32>], vector<16xf32>,
      %gather3A_505 = tpu.vector_load_idx %arg5[%broadcast_in_dim3A_417, %get3A_503] : memref<64x1024xf32, #tpu.memory_space<vmem>>[vector<16xi32>, vector<16xi32>], vector<16xf32>,
      %sub3A_506 = arith.subf %gather3A_504, %gather3A_505 : vector<16xf32>
      %gt3A_507 = arith.constant 0.000000e+00 : f32
      %gt3A_508 = vector.broadcast %gt3A_507 : f32 to vector<16xf32>
      %gt3A_509 = arith.cmpf ogt, %sub3A_506, %gt3A_508 : vector<16xf32>
      %jit3A_510 = arith.constant 3.200000e+01 : f32
      %jit3A_511 = arith.constant 0.000000e+00 : f32
      %broadcast_in_dim3A_512 = vector.broadcast %jit3A_510 : f32 to vector<16xf32>
      %broadcast_in_dim3A_513 = vector.broadcast %jit3A_511 : f32 to vector<16xf32>
      %select_n3A_514 = arith.select %gt3A_509, %broadcast_in_dim3A_512, %broadcast_in_dim3A_513 : vector<16xi1>, vector<16xf32>
      %add3A_515 = arith.addf %add3A_499, %select_n3A_514 : vector<16xf32>
      %get3A_516 = arith.constant 96 : index
      %get3A_517 = tpu.vector_load %arg6[%get3A_516] {strides = array<i32>} : memref<256xi32, #tpu.memory_space<vmem>>, vector<16xi32>,
      %get3A_518 = arith.constant 224 : index
      %get3A_519 = tpu.vector_load %arg6[%get3A_518] {strides = array<i32>} : memref<256xi32, #tpu.memory_space<vmem>>, vector<16xi32>,
      %gather3A_520 = tpu.vector_load_idx %arg5[%broadcast_in_dim3A_417, %get3A_517] : memref<64x1024xf32, #tpu.memory_space<vmem>>[vector<16xi32>, vector<16xi32>], vector<16xf32>,
      %gather3A_521 = tpu.vector_load_idx %arg5[%broadcast_in_dim3A_417, %get3A_519] : memref<64x1024xf32, #tpu.memory_space<vmem>>[vector<16xi32>, vector<16xi32>], vector<16xf32>,
      %sub3A_522 = arith.subf %gather3A_520, %gather3A_521 : vector<16xf32>
      %gt3A_523 = arith.constant 0.000000e+00 : f32
      %gt3A_524 = vector.broadcast %gt3A_523 : f32 to vector<16xf32>
      %gt3A_525 = arith.cmpf ogt, %sub3A_522, %gt3A_524 : vector<16xf32>
      %jit3A_526 = arith.constant 6.400000e+01 : f32
      %jit3A_527 = arith.constant 0.000000e+00 : f32
      %broadcast_in_dim3A_528 = vector.broadcast %jit3A_526 : f32 to vector<16xf32>
      %broadcast_in_dim3A_529 = vector.broadcast %jit3A_527 : f32 to vector<16xf32>
      %select_n3A_530 = arith.select %gt3A_525, %broadcast_in_dim3A_528, %broadcast_in_dim3A_529 : vector<16xi1>, vector<16xf32>
      %add3A_531 = arith.addf %add3A_515, %select_n3A_530 : vector<16xf32>
      %get3A_532 = arith.constant 112 : index
      %get3A_533 = tpu.vector_load %arg6[%get3A_532] {strides = array<i32>} : memref<256xi32, #tpu.memory_space<vmem>>, vector<16xi32>,
      %get3A_534 = arith.constant 240 : index
      %get3A_535 = tpu.vector_load %arg6[%get3A_534] {strides = array<i32>} : memref<256xi32, #tpu.memory_space<vmem>>, vector<16xi32>,
      %gather3A_536 = tpu.vector_load_idx %arg5[%broadcast_in_dim3A_417, %get3A_533] : memref<64x1024xf32, #tpu.memory_space<vmem>>[vector<16xi32>, vector<16xi32>], vector<16xf32>,
      %gather3A_537 = tpu.vector_load_idx %arg5[%broadcast_in_dim3A_417, %get3A_535] : memref<64x1024xf32, #tpu.memory_space<vmem>>[vector<16xi32>, vector<16xi32>], vector<16xf32>,
      %sub3A_538 = arith.subf %gather3A_536, %gather3A_537 : vector<16xf32>
      %gt3A_539 = arith.constant 0.000000e+00 : f32
      %gt3A_540 = vector.broadcast %gt3A_539 : f32 to vector<16xf32>
      %gt3A_541 = arith.cmpf ogt, %sub3A_538, %gt3A_540 : vector<16xf32>
      %jit3A_542 = arith.constant 1.280000e+02 : f32
      %jit3A_543 = arith.constant 0.000000e+00 : f32
      %broadcast_in_dim3A_544 = vector.broadcast %jit3A_542 : f32 to vector<16xf32>
      %broadcast_in_dim3A_545 = vector.broadcast %jit3A_543 : f32 to vector<16xf32>
      %select_n3A_546 = arith.select %gt3A_541, %broadcast_in_dim3A_544, %broadcast_in_dim3A_545 : vector<16xi1>, vector<16xf32>
      %add3A_547 = arith.addf %add3A_531, %select_n3A_546 : vector<16xf32>
      %swap3A_548 = arith.index_cast %scan3A_416 : i32 to index
      %swap3A_549 = arith.constant 0 : index
      %swap3A_550 = tpu.vector_load %arg7[%swap3A_548, %swap3A_549] {strides = array<i32>} : memref<64x16xf32, #tpu.memory_space<vmem>>, vector<16xf32>,
      tpu.vector_store %arg7[%swap3A_548, %swap3A_549], %add3A_547 {strides = array<i32>} : memref<64x16xf32, #tpu.memory_space<vmem>>, vector<16xf32>,
    }
    %scan3A_14 = arith.constant 64 : i32
    "tpu.region"() ({
      %run_scoped3A = tpu.sem_alloc : memref<!tpu.dma_semaphore, #tpu.memory_space<semaphore_mem>>
      %dma_start3A = arith.constant 0 : i32
      %dma_start3A_16 = tpu.memref_slice %arg4[%add3A_6, %dma_start3A] : memref<2048x16xf32, #tpu.memory_space<hbm>> -> memref<64x16xf32, #tpu.memory_space<hbm>>
      %dma_start3A_17 = arith.constant 0 : i32
      %dma_start3A_18 = tpu.memref_slice %arg4[%add3A_6, %dma_start3A_17] : memref<2048x16xf32, #tpu.memory_space<hbm>> -> memref<64x16xf32, #tpu.memory_space<hbm>>
      tpu.enqueue_dma source(%arg7 : memref<64x16xf32, #tpu.memory_space<vmem>>) target(%dma_start3A_18 : memref<64x16xf32, #tpu.memory_space<hbm>>) target_semaphore(%run_scoped3A : memref<!tpu.dma_semaphore, #tpu.memory_space<semaphore_mem>>)
      %dma_wait3A = arith.constant 0 : i32
      %dma_wait3A_19 = tpu.memref_slice %arg4[%add3A_6, %dma_wait3A] : memref<2048x16xf32, #tpu.memory_space<hbm>> -> memref<64x16xf32, #tpu.memory_space<hbm>>
      %dma_wait3A_20 = arith.constant 0 : i32
      %dma_wait3A_21 = tpu.memref_slice %arg4[%add3A_6, %dma_wait3A_20] : memref<2048x16xf32, #tpu.memory_space<hbm>> -> memref<64x16xf32, #tpu.memory_space<hbm>>
      tpu.wait_dma2 semaphore(%run_scoped3A : memref<!tpu.dma_semaphore, #tpu.memory_space<semaphore_mem>>) src(%arg7 : memref<64x16xf32, #tpu.memory_space<vmem>>) dst(%dma_wait3A_21 : memref<64x16xf32, #tpu.memory_space<hbm>>)
      tpu.yield
    }) : () -> ()
    %scan3A_15 = arith.constant 1 : i32
    return
  }
}

module attributes {stable_mosaic.version = 14 : i64} {
  func.func @_tc_body(%arg0: i32, %arg1: memref<1024x16xf32, #tpu.memory_space<vmem>>, %arg2: memref<16x4096xbf16, #tpu.memory_space<vmem>>, %arg3: memref<1x4096xf32, #tpu.memory_space<vmem>>, %arg4: memref<4096x1024xbf16, #tpu.memory_space<vmem>>, %arg5: memref<1024x1024xf32, #tpu.memory_space<vmem>>) attributes {dimension_semantics = [#tpu.dimension_semantics<arbitrary>], iteration_bounds = array<i64: 2>, scalar_prefetch = 0 : i64, scratch_operands = 0 : i64, tpu.core_type = #tpu.core_type<tc>, window_params = [{transform_indices = @transform_0, window_bounds = array<i64: 1024, 16>}, {pipeline_mode = #tpu.pipeline_mode<synchronous>, transform_indices = @transform_1, window_bounds = array<i64: 16, 4096>}, {pipeline_mode = #tpu.pipeline_mode<synchronous>, transform_indices = @transform_2, window_bounds = array<i64: 1, 4096>}, {pipeline_mode = #tpu.pipeline_mode<synchronous>, transform_indices = @transform_3, window_bounds = array<i64: 4096, 1024>}, {transform_indices = @transform_4, window_bounds = array<i64: 1024, 1024>}]} {
    %get3A = arith.constant 0 : index
    %get3A_0 = arith.constant 0 : index
    %get3A_1 = vector.load %arg2[%get3A, %get3A_0] : memref<16x4096xbf16, #tpu.memory_space<vmem>>, vector<16x4096xbf16>
    %get3A_2 = arith.constant 0 : index
    %get3A_3 = arith.constant 0 : index
    %get3A_4 = vector.load %arg3[%get3A_2, %get3A_3] : memref<1x4096xf32, #tpu.memory_space<vmem>>, vector<1x4096xf32>
    %get3A_5 = arith.constant 0 : index
    %get3A_6 = arith.constant 0 : index
    %get3A_7 = vector.load %arg4[%get3A_5, %get3A_6] : memref<4096x1024xbf16, #tpu.memory_space<vmem>>, vector<4096x1024xbf16>
    %get3A_8 = arith.constant 0 : index
    %get3A_9 = arith.constant 0 : index
    %get3A_10 = vector.load %arg1[%get3A_8, %get3A_9] : memref<1024x16xf32, #tpu.memory_space<vmem>>, vector<512x16xf32>
    %convert_element_type3A = arith.truncf %get3A_10 : vector<512x16xf32> to vector<512x16xbf16>
    %dot_general3A = arith.constant dense<0.000000e+00> : vector<512x4096xf32>
    %dot_general3A_11 = tpu.matmul %convert_element_type3A, %get3A_1, %dot_general3A {dimension_numbers = #tpu.dot_dimension_numbers<[1], [0], [0], [1], [0, 0, 1, 1], [], []>, transpose_lhs_hint = false} : vector<512x16xbf16>, vector<16x4096xbf16>, vector<512x4096xf32> -> vector<512x4096xf32>
    %eq3A = vector.broadcast %get3A_4 : vector<1x4096xf32> to vector<512x4096xf32>
    %eq3A_12 = arith.cmpf oeq, %dot_general3A_11, %eq3A : vector<512x4096xf32>
    %convert_element_type3A_13 = arith.extui %eq3A_12 : vector<512x4096xi1> to vector<512x4096xi32>
    %convert_element_type3A_14 = arith.sitofp %convert_element_type3A_13 : vector<512x4096xi32> to vector<512x4096xf32>
    %convert_element_type3A_15 = arith.truncf %convert_element_type3A_14 : vector<512x4096xf32> to vector<512x4096xbf16>
    %dot_general3A_16 = arith.constant dense<0.000000e+00> : vector<512x1024xf32>
    %dot_general3A_17 = tpu.matmul %convert_element_type3A_15, %get3A_7, %dot_general3A_16 {dimension_numbers = #tpu.dot_dimension_numbers<[1], [0], [0], [1], [0, 0, 1, 1], [], []>, transpose_lhs_hint = false} : vector<512x4096xbf16>, vector<4096x1024xbf16>, vector<512x1024xf32> -> vector<512x1024xf32>
    %swap3A = arith.constant 0 : index
    %swap3A_18 = arith.constant 0 : index
    %swap3A_19 = vector.load %arg5[%swap3A, %swap3A_18] : memref<1024x1024xf32, #tpu.memory_space<vmem>>, vector<512x1024xf32>
    tpu.vector_store %arg5[%swap3A, %swap3A_18], %dot_general3A_17 {strides = array<i32>} : memref<1024x1024xf32, #tpu.memory_space<vmem>>, vector<512x1024xf32>,
    %get3A_20 = arith.constant 512 : index
    %get3A_21 = arith.constant 0 : index
    %get3A_22 = vector.load %arg1[%get3A_20, %get3A_21] : memref<1024x16xf32, #tpu.memory_space<vmem>>, vector<512x16xf32>
    %convert_element_type3A_23 = arith.truncf %get3A_22 : vector<512x16xf32> to vector<512x16xbf16>
    %dot_general3A_24 = arith.constant dense<0.000000e+00> : vector<512x4096xf32>
    %dot_general3A_25 = tpu.matmul %convert_element_type3A_23, %get3A_1, %dot_general3A_24 {dimension_numbers = #tpu.dot_dimension_numbers<[1], [0], [0], [1], [0, 0, 1, 1], [], []>, transpose_lhs_hint = false} : vector<512x16xbf16>, vector<16x4096xbf16>, vector<512x4096xf32> -> vector<512x4096xf32>
    %eq3A_26 = vector.broadcast %get3A_4 : vector<1x4096xf32> to vector<512x4096xf32>
    %eq3A_27 = arith.cmpf oeq, %dot_general3A_25, %eq3A_26 : vector<512x4096xf32>
    %convert_element_type3A_28 = arith.extui %eq3A_27 : vector<512x4096xi1> to vector<512x4096xi32>
    %convert_element_type3A_29 = arith.sitofp %convert_element_type3A_28 : vector<512x4096xi32> to vector<512x4096xf32>
    %convert_element_type3A_30 = arith.truncf %convert_element_type3A_29 : vector<512x4096xf32> to vector<512x4096xbf16>
    %dot_general3A_31 = arith.constant dense<0.000000e+00> : vector<512x1024xf32>
    %dot_general3A_32 = tpu.matmul %convert_element_type3A_30, %get3A_7, %dot_general3A_31 {dimension_numbers = #tpu.dot_dimension_numbers<[1], [0], [0], [1], [0, 0, 1, 1], [], []>, transpose_lhs_hint = false} : vector<512x4096xbf16>, vector<4096x1024xbf16>, vector<512x1024xf32> -> vector<512x1024xf32>
    %swap3A_33 = arith.constant 512 : index
    %swap3A_34 = arith.constant 0 : index
    %swap3A_35 = vector.load %arg5[%swap3A_33, %swap3A_34] : memref<1024x1024xf32, #tpu.memory_space<vmem>>, vector<512x1024xf32>
    tpu.vector_store %arg5[%swap3A_33, %swap3A_34], %dot_general3A_32 {strides = array<i32>} : memref<1024x1024xf32, #tpu.memory_space<vmem>>, vector<512x1024xf32>,
    return
  }
  func.func @transform_0(%arg0: i32) -> (i32, i32) {
    %c0_i32 = arith.constant 0 : i32
    %c0_i32_0 = arith.constant 0 : i32
    return %arg0, %c0_i32 : i32, i32
  }
  func.func @transform_1(%arg0: i32) -> (i32, i32) {
    %c0_i32 = arith.constant 0 : i32
    %c0_i32_0 = arith.constant 0 : i32
    %c0_i32_1 = arith.constant 0 : i32
    return %c0_i32, %c0_i32_0 : i32, i32
  }
  func.func @transform_2(%arg0: i32) -> (i32, i32) {
    %c0_i32 = arith.constant 0 : i32
    %c0_i32_0 = arith.constant 0 : i32
    %c0_i32_1 = arith.constant 0 : i32
    return %c0_i32, %c0_i32_0 : i32, i32
  }
  func.func @transform_3(%arg0: i32) -> (i32, i32) {
    %c0_i32 = arith.constant 0 : i32
    %c0_i32_0 = arith.constant 0 : i32
    %c0_i32_1 = arith.constant 0 : i32
    return %c0_i32, %c0_i32_0 : i32, i32
  }
  func.func @transform_4(%arg0: i32) -> (i32, i32) {
    %add3A = arith.constant 0 : i32
    %add3A_0 = arith.addi %add3A, %arg0 : i32
    %c0_i32 = arith.constant 0 : i32
    %c0_i32_1 = arith.constant 0 : i32
    return %add3A_0, %c0_i32 : i32, i32
  }
}

module attributes {stable_mosaic.version = 14 : i64} {
  func.func @_tc_body(%arg0: i32, %arg1: memref<1024x16xf32, #tpu.memory_space<vmem>>, %arg2: memref<16x4096xbf16, #tpu.memory_space<vmem>>, %arg3: memref<1x4096xf32, #tpu.memory_space<vmem>>, %arg4: memref<4096x1024xbf16, #tpu.memory_space<vmem>>, %arg5: memref<8192x1024xf32, #tpu.memory_space<any>>, %arg6: memref<1024x1024xf32, #tpu.memory_space<vmem>>) attributes {dimension_semantics = [#tpu.dimension_semantics<arbitrary>], iteration_bounds = array<i64: 6>, scalar_prefetch = 0 : i64, scratch_operands = 0 : i64, tpu.core_type = #tpu.core_type<tc>, window_params = [{transform_indices = @transform_0, window_bounds = array<i64: 1024, 16>}, {pipeline_mode = #tpu.pipeline_mode<synchronous>, transform_indices = @transform_1, window_bounds = array<i64: 16, 4096>}, {pipeline_mode = #tpu.pipeline_mode<synchronous>, transform_indices = @transform_2, window_bounds = array<i64: 1, 4096>}, {pipeline_mode = #tpu.pipeline_mode<synchronous>, transform_indices = @transform_3, window_bounds = array<i64: 4096, 1024>}, {}, {transform_indices = @transform_5, window_bounds = array<i64: 1024, 1024>}]} {
    %get3A = arith.constant 0 : index
    %get3A_0 = arith.constant 0 : index
    %get3A_1 = vector.load %arg2[%get3A, %get3A_0] : memref<16x4096xbf16, #tpu.memory_space<vmem>>, vector<16x4096xbf16>
    %get3A_2 = arith.constant 0 : index
    %get3A_3 = arith.constant 0 : index
    %get3A_4 = vector.load %arg3[%get3A_2, %get3A_3] : memref<1x4096xf32, #tpu.memory_space<vmem>>, vector<1x4096xf32>
    %get3A_5 = arith.constant 0 : index
    %get3A_6 = arith.constant 0 : index
    %get3A_7 = vector.load %arg4[%get3A_5, %get3A_6] : memref<4096x1024xbf16, #tpu.memory_space<vmem>>, vector<4096x1024xbf16>
    %get3A_8 = arith.constant 0 : index
    %get3A_9 = arith.constant 0 : index
    %get3A_10 = vector.load %arg1[%get3A_8, %get3A_9] : memref<1024x16xf32, #tpu.memory_space<vmem>>, vector<512x16xf32>
    %convert_element_type3A = arith.truncf %get3A_10 : vector<512x16xf32> to vector<512x16xbf16>
    %dot_general3A = arith.constant dense<0.000000e+00> : vector<512x4096xf32>
    %dot_general3A_11 = tpu.matmul %convert_element_type3A, %get3A_1, %dot_general3A {dimension_numbers = #tpu.dot_dimension_numbers<[1], [0], [0], [1], [0, 0, 1, 1], [], []>, transpose_lhs_hint = false} : vector<512x16xbf16>, vector<16x4096xbf16>, vector<512x4096xf32> -> vector<512x4096xf32>
    %eq3A = vector.broadcast %get3A_4 : vector<1x4096xf32> to vector<512x4096xf32>
    %eq3A_12 = arith.cmpf oeq, %dot_general3A_11, %eq3A : vector<512x4096xf32>
    %convert_element_type3A_13 = arith.extui %eq3A_12 : vector<512x4096xi1> to vector<512x4096xi32>
    %convert_element_type3A_14 = arith.sitofp %convert_element_type3A_13 : vector<512x4096xi32> to vector<512x4096xf32>
    %convert_element_type3A_15 = arith.truncf %convert_element_type3A_14 : vector<512x4096xf32> to vector<512x4096xbf16>
    %dot_general3A_16 = arith.constant dense<0.000000e+00> : vector<512x1024xf32>
    %dot_general3A_17 = tpu.matmul %convert_element_type3A_15, %get3A_7, %dot_general3A_16 {dimension_numbers = #tpu.dot_dimension_numbers<[1], [0], [0], [1], [0, 0, 1, 1], [], []>, transpose_lhs_hint = false} : vector<512x4096xbf16>, vector<4096x1024xbf16>, vector<512x1024xf32> -> vector<512x1024xf32>
    %swap3A = arith.constant 0 : index
    %swap3A_18 = arith.constant 0 : index
    %swap3A_19 = vector.load %arg6[%swap3A, %swap3A_18] : memref<1024x1024xf32, #tpu.memory_space<vmem>>, vector<512x1024xf32>
    tpu.vector_store %arg6[%swap3A, %swap3A_18], %dot_general3A_17 {strides = array<i32>} : memref<1024x1024xf32, #tpu.memory_space<vmem>>, vector<512x1024xf32>,
    %get3A_20 = arith.constant 512 : index
    %get3A_21 = arith.constant 0 : index
    %get3A_22 = vector.load %arg1[%get3A_20, %get3A_21] : memref<1024x16xf32, #tpu.memory_space<vmem>>, vector<512x16xf32>
    %convert_element_type3A_23 = arith.truncf %get3A_22 : vector<512x16xf32> to vector<512x16xbf16>
    %dot_general3A_24 = arith.constant dense<0.000000e+00> : vector<512x4096xf32>
    %dot_general3A_25 = tpu.matmul %convert_element_type3A_23, %get3A_1, %dot_general3A_24 {dimension_numbers = #tpu.dot_dimension_numbers<[1], [0], [0], [1], [0, 0, 1, 1], [], []>, transpose_lhs_hint = false} : vector<512x16xbf16>, vector<16x4096xbf16>, vector<512x4096xf32> -> vector<512x4096xf32>
    %eq3A_26 = vector.broadcast %get3A_4 : vector<1x4096xf32> to vector<512x4096xf32>
    %eq3A_27 = arith.cmpf oeq, %dot_general3A_25, %eq3A_26 : vector<512x4096xf32>
    %convert_element_type3A_28 = arith.extui %eq3A_27 : vector<512x4096xi1> to vector<512x4096xi32>
    %convert_element_type3A_29 = arith.sitofp %convert_element_type3A_28 : vector<512x4096xi32> to vector<512x4096xf32>
    %convert_element_type3A_30 = arith.truncf %convert_element_type3A_29 : vector<512x4096xf32> to vector<512x4096xbf16>
    %dot_general3A_31 = arith.constant dense<0.000000e+00> : vector<512x1024xf32>
    %dot_general3A_32 = tpu.matmul %convert_element_type3A_30, %get3A_7, %dot_general3A_31 {dimension_numbers = #tpu.dot_dimension_numbers<[1], [0], [0], [1], [0, 0, 1, 1], [], []>, transpose_lhs_hint = false} : vector<512x4096xbf16>, vector<4096x1024xbf16>, vector<512x1024xf32> -> vector<512x1024xf32>
    %swap3A_33 = arith.constant 512 : index
    %swap3A_34 = arith.constant 0 : index
    %swap3A_35 = vector.load %arg6[%swap3A_33, %swap3A_34] : memref<1024x1024xf32, #tpu.memory_space<vmem>>, vector<512x1024xf32>
    tpu.vector_store %arg6[%swap3A_33, %swap3A_34], %dot_general3A_32 {strides = array<i32>} : memref<1024x1024xf32, #tpu.memory_space<vmem>>, vector<512x1024xf32>,
    return
  }
  func.func @transform_0(%arg0: i32) -> (i32, i32) {
    %c0_i32 = arith.constant 0 : i32
    %c0_i32_0 = arith.constant 0 : i32
    return %arg0, %c0_i32 : i32, i32
  }
  func.func @transform_1(%arg0: i32) -> (i32, i32) {
    %c0_i32 = arith.constant 0 : i32
    %c0_i32_0 = arith.constant 0 : i32
    %c0_i32_1 = arith.constant 0 : i32
    return %c0_i32, %c0_i32_0 : i32, i32
  }
  func.func @transform_2(%arg0: i32) -> (i32, i32) {
    %c0_i32 = arith.constant 0 : i32
    %c0_i32_0 = arith.constant 0 : i32
    %c0_i32_1 = arith.constant 0 : i32
    return %c0_i32, %c0_i32_0 : i32, i32
  }
  func.func @transform_3(%arg0: i32) -> (i32, i32) {
    %c0_i32 = arith.constant 0 : i32
    %c0_i32_0 = arith.constant 0 : i32
    %c0_i32_1 = arith.constant 0 : i32
    return %c0_i32, %c0_i32_0 : i32, i32
  }
  func.func @transform_5(%arg0: i32) -> (i32, i32) {
    %add3A = arith.constant 2 : i32
    %add3A_0 = arith.addi %add3A, %arg0 : i32
    %c0_i32 = arith.constant 0 : i32
    %c0_i32_1 = arith.constant 0 : i32
    return %add3A_0, %c0_i32 : i32, i32
  }
}

</mosaic_0001>

<sc_bundles>
// kernel: kernel.6.cloned.1.call-start
scs
__scs_entry_jumppad:
0x0: {  	(pc) =	sbr.rel $0x88, $3  }
0x1: {  	(tag) =	ssettag $0x0;
	lr =	simm.s32 $0x1  }
0x2: {  	[smem:$0x3F9D] =	sst lr;
	_ =	strace $0xD0000000  }
0x3: {  	_ = 	snop  }
0x4: {  	_ = 	snop  }
0x5: {  	_ = 	snop  }
0x6: {  	_ = 	snop  }
0x7: {  	_ = 	snop  }
__scs_overlays_trampoline_lowered:
0x8: {  	[smem:$0x3FAC] =	sst s0  }
0x9: {  	[smem:$0x3FAD] =	sst s1  }
0xa: {  	[smem:$0x3FAE] =	sst s2  }
0xb: {  	[smem:$0x3FAF] =	sst s3  }
0xc: {  	[smem:$0x3FB0] =	sst s4  }
0xd: {  	[smem:$0x3FB1] =	sst s5  }
0xe: {  	[smem:$0x3FB2] =	sst s6  }
0xf: {  	[smem:$0x3FB3] =	sst s7  }
0x10: {  	[smem:$0x3FB4] =	sst s8  }
0x11: {  	[smem:$0x3FB5] =	sst s9;
	s0 =	simm.s32 @!p0 $0x0  }
0x12: {  	s1 =	sld [smem:$0x3F9B];
	s0 =	simm.s32 @p0 $0x1  }
0x13: {  	[smem:$0x3FB6] =	sst s0;
	s0 =	simm.s32 @!p1 $0x0  }
0x14: {  	s2 =	sld [smem:$0x3F9A];
	s0 =	simm.s32 @p1 $0x1  }
0x15: {  	[smem:$0x3FB7] =	sst s0;
	s0 =	simm.s32 @!p2 $0x0  }
0x16: {  	s3 =	sld [smem:$0x3FDB];
	s0 =	simm.s32 @p2 $0x1  }
0x17: {  	s4 =	simm.s32 $0x1BF5;
	[smem:$0x3FB9] =	sst s0  }
0x18: {  	s0 =	sld [smem:$0x3F9C];
	_ =	swait.ge [sflag:s4], $0x0  }
0x19: {  	s7 =	sld [smem:$0x3F9D]  }
0x1a: {  	s8 =	sadd.s32 $0xFFFFE003, lr  }
0x1b: {  	s9 =	sadd.s32 $0xFFFFFEF7, lr;
	s5 =	simm.s32 $0xFFFFFFFF;
	p2 =	slt.u32 s8, $0xFFFFF086  }
0x1c: {  	p1 =	slt.u32 s9, $0xF7A;
	s5 =	simm.s32 @!p2 $0x0  }
0x1d: {  	s5 =	simm.s32 @p1 $0x1;
	p0 =	seq.s32 s7, s2  }
0x1e: {  	s7 =	smul.u32 @!p0 $0xF7A, s2;
	p2 =	seq.s32 @!p0 s5, $0x0  }
0x1f: {  	s9 =	smul.u32 $0xF7A, s1;
	s8 =	simm.s32 @!p0 $0x1BF5;
	p2 =	por !p2, p0  }
0x20: {  	[sflag:s8] =	ssyncset.s32 @!p0 $0xFFFFF086;
	s6 =	sadd.s32 @!p0 s3, s7;
	s7 =	simm.s32 @!p0 $0x108  }
0x21: {  	s3 =	sadd.s32 s3, s9;
	s6 =	sadd.s32 @!p0 $0x88, s6;
	s7 =	simm.s32 @p2 $0x1082  }
0x22: {  	[simem:s7], [sflag:s8] =	dma.local @!p0 [hbm:s6], $0xF7A  }
0x23: {  	s9 =	sor.u32 $0xD0000000, s2;
	s6 =	simm.s32 $0x108;
	_ =	swait.ge @!p0 [sflag:s8], $0x0  }
0x24: {  	s3 =	sadd.s32 $0x88, s3;
	s6 =	simm.s32 @!p1 $0x1082;
	[sflag:s4] =	ssyncset.s32 $0xFFFFF086  }
0x25: {  	[simem:s6], [sflag:s4] =	dma.local [hbm:s3], $0xF7A  }
0x26: {  	[smem:$0x3F9D] =	sst s1;
	(tag) =	ssettag s2;
	_ =	strace s9  }
0x27: {  	s1 =	sld [smem:$0x3FAD]  }
0x28: {  	s2 =	sld [smem:$0x3FAE]  }
0x29: {  	s4 =	sld [smem:$0x3FB0]  }
0x2a: {  	p0 =	seq.s32 s5, $0x0;
	s5 =	sld [smem:$0x3FB1]  }
0x2b: {  	s6 =	sld [smem:$0x3FB2]  }
0x2c: {  	s7 =	sld [smem:$0x3FB3]  }
0x2d: {  	s3 =	simm.s32 $0x108;
	s8 =	sld [smem:$0x3FB4]  }
0x2e: {  	s3 =	simm.s32 @!p0 $0x1082;
	s9 =	sld [smem:$0x3FB5]  }
0x2f: {  	lr =	sadd.s32 s0, s3;
	s0 =	sld [smem:$0x3FAC]  }
0x30: {  	s3 =	sld [smem:$0x3FAF]  }
0x31: {  	[smem:$0x3FB8] =	sst s10  }
0x32: {  	s10 =	sld [smem:$0x3FB6];
	_ =	sdelay $0x3  }
0x33: {  	p0 =	seq.s32 s10, $0x1;
	s10 =	sld [smem:$0x3FB8];
	_ =	sdelay $0x3  }
0x34: {  	[smem:$0x3FB8] =	sst s10  }
0x35: {  	s10 =	sld [smem:$0x3FB7];
	_ =	sdelay $0x3  }
0x36: {  	p1 =	seq.s32 s10, $0x1;
	s10 =	sld [smem:$0x3FB8];
	_ =	sdelay $0x3  }
0x37: {  	[smem:$0x3FB8] =	sst s10  }
0x38: {  	s10 =	sld [smem:$0x3FB9]  }
0x39: {  	_ = 	snop;
	(pc) =	sbr.ind lr, $3  }
0x3a: {  	_ = 	snop  }
0x3b: {  	_ = 	snop  }
0x3c: {  	p2 =	seq.s32 s10, $0x1;
	s10 =	sld [smem:$0x3FB8]  }
0x3d: {  	_ =	shalt  }
0x3e: {  	_ =	shalt  }
0x3f: {  	_ =	shalt  }
0x40: {  	_ =	shalt  }
0x41: {  	_ =	shalt  }
0x42: {  	_ =	shalt  }
0x43: {  	_ =	shalt  }
0x44: {  	_ =	shalt  }
0x45: {  	_ =	shalt  }
0x46: {  	_ =	shalt  }
0x47: {  	_ =	shalt  }
0x48: {  	_ =	shalt  }
0x49: {  	_ =	shalt  }
0x4a: {  	_ =	shalt  }
0x4b: {  	_ =	shalt  }
0x4c: {  	_ =	shalt  }
0x4d: {  	_ =	shalt  }
0x4e: {  	_ =	shalt  }
0x4f: {  	_ =	shalt  }
0x50: {  	_ =	shalt  }
0x51: {  	_ =	shalt  }
0x52: {  	_ =	shalt  }
0x53: {  	_ =	shalt  }
0x54: {  	_ =	shalt  }
0x55: {  	_ =	shalt  }
0x56: {  	_ =	shalt  }
0x57: {  	_ =	shalt  }
0x58: {  	_ =	shalt  }
0x59: {  	_ =	shalt  }
0x5a: {  	_ =	shalt  }
0x5b: {  	_ =	shalt  }
0x5c: {  	_ =	shalt  }
0x5d: {  	_ =	shalt  }
0x5e: {  	_ =	shalt  }
0x5f: {  	_ =	shalt  }
0x60: {  	_ =	shalt  }
0x61: {  	_ =	shalt  }
0x62: {  	_ =	shalt  }
0x63: {  	_ =	shalt  }
0x64: {  	_ =	shalt  }
0x65: {  	_ =	shalt  }
0x66: {  	_ =	shalt  }
0x67: {  	_ =	shalt  }
0x68: {  	_ =	shalt  }
0x69: {  	_ =	shalt  }
0x6a: {  	_ =	shalt  }
0x6b: {  	_ =	shalt  }
0x6c: {  	_ =	shalt  }
0x6d: {  	_ =	shalt  }
0x6e: {  	_ =	shalt  }
0x6f: {  	_ =	shalt  }
0x70: {  	_ =	shalt  }
0x71: {  	_ =	shalt  }
0x72: {  	_ =	shalt  }
0x73: {  	_ =	shalt  }
0x74: {  	_ =	shalt  }
0x75: {  	_ =	shalt  }
0x76: {  	_ =	shalt  }
0x77: {  	_ =	shalt  }
0x78: {  	_ =	shalt  }
0x79: {  	_ =	shalt  }
0x7a: {  	_ =	shalt  }
0x7b: {  	_ =	shalt  }
0x7c: {  	_ =	shalt  }
0x7d: {  	_ =	shalt  }
0x7e: {  	_ =	shalt  }
0x7f: {  	_ =	shalt  }
0x80: {  	_ =	shalt  }
0x81: {  	_ =	shalt  }
0x82: {  	_ =	shalt  }
0x83: {  	_ =	shalt  }
0x84: {  	_ =	shalt  }
0x85: {  	_ =	shalt  }
0x86: {  	_ =	shalt  }
0x87: {  	_ =	shalt  }
.Lfunc_end0:
.L_simem_size_0:
called_computation_lowered:
.L_overlay_start_0:
0x88: {  	s2 =	sld [smem:$0x3FD9]  }
0x89: {  	s3 =	sld [smem:$0x3FFE];
	_ =	sdelay $0x1  }
0x8a: {  	s1 =	srdreg.scid  }
0x8b: {  	s0 =	sand.u32 $0x1, s1  }
0x8c: {  	s17 =	sshll.u32 s0, $0xA;
	s2 =	sadd.s32 s3, s2  }
0x8d: {  	s2 =	sadd.s32 s2, s17  }
0x8e: {  	[smem:$0x3FC4] =	sst s2  }
0x8f: {  	_ = 	snop  }
0x90: {  	s2 =	sld [smem:$0x3FC9]  }
0x91: {  	s18 =	sld [smem:$0x3FD0];
	(tm) =	ssettm $0x1  }
0x92: {  	s4 =	sld [smem:$0x3FFB];
	_ =	sdelay $0x3  }
0x93: {  	_ =	strace s4  }
0x94: {  	s4 =	sld [smem:$0x3FFC];
	_ =	sdelay $0x3  }
0x95: {  	_ =	strace s4  }
0x96: {  	s4 =	sld [smem:$0x3FFD];
	_ =	sdelay $0x3  }
0x97: {  	_ =	strace s4  }
0x98: {  	_ =	strace $0x8FFFFFFF  }
0x99: {  	s19 =	sld [smem:$0x3FDB];
	_ =	sdelay $0x1  }
0x9a: {  	s5 =	simm.s32 $_scs_section_size  }
0x9b: {  	s6 =	simm.s32 $_size__tile_overlayer_lowered;
	s7 =	simm.s32 $_tile_overlayer_lowered  }
0x9c: {  	s22 =	simm.s32 $0x1BFF;
	s21 =	sshll.u32 s7, $0x1;
	s4 =	sadd.s32 s5, s19  }
0x9d: {  	s8 =	simm.s32 $0x0;
	s20 =	sshll.u32 s6, $0x1;
	s6 =	sadd.s32 s21, s4  }
0x9e: {  	[timem:s8], [sflag:s22] =	dma.local [hbm:s6], s20  }
0x9f: {  	_ =	swait.ge [sflag:s22], s20  }
0xa0: {  	s5 =	ssub.s32 $0x0, s20;
	[sflag:s22] =	ssyncset.done $0x0  }
0xa1: {  	[sflag:s22] =	ssyncadd.s32 s5;
	_ =	sdelay $0x1  }
0xa2: {  	s23 =	simm.s32 $0x1B8B  }
0xa3: {  	_ =	swait.ge [sflag:s23], $0x1  }
0xa4: {  	[sflag:s23] =	ssyncset.done $0x0  }
0xa5: {  	s25 =	simm.s32 $0x1B8E;
	s24 =	sld [smem:$0x3FFE];
	[sflag:s23] =	ssyncadd.s32 $0xFFFFFFFF  }
0xa6: {  	s26 =	simm.s32 $execute0_lowered;
	[smem:$0x3FD2] =	sst s25  }
0xa7: {  	s6 =	sshll.u32 s26, $0x1;
	_ =	strace $0x80000046;
	[dreg:$0x1] =	wrdreg $0xFFFFFFFF  }
0xa8: {  	s28 =	simm.s32 $_size_execute0_lowered;
	s4 =	sadd.s32 s4, s6;
	[dreg:$0x0] =	wrdreg $0x0  }
0xa9: {  	s6 =	sshll.u32 s28, $0x1;
	[dreg:$0x2] =	wrdreg s4  }
0xaa: {  	[dreg:$0x3] =	wrdreg s6  }
0xab: {  	[dreg:$0x4] =	wrdreg $0xC0  }
0xac: {  	_ =	task [dreg:s8], $0x5FFFF  }
0xad: {  	[dreg:$0x1] =	wrdreg $0xFFFFFFFF  }
0xae: {  	[dreg:$0x0] =	wrdreg $0x60  }
0xaf: {  	[dreg:$0x2] =	wrdreg s2  }
0xb0: {  	[dreg:$0x3] =	wrdreg s24  }
0xb1: {  	[dreg:$0x4] =	wrdreg s18  }
0xb2: {  	[dreg:$0x5] =	wrdreg $0x9  }
0xb3: {  	_ =	task.clear_ibuf [dreg:s8], $0x6FFFF;
	_ =	strace $0x90000046  }
0xb4: {  	s29 =	simm.s32 $0x9;
	_ =	strace $0x80000048  }
0xb5: {  	_ =	swait.ge [sflag:s29], $0x1  }
0xb6: {  	[sflag:s29] =	ssyncadd.s32 $0xFFFFFFFF  }
0xb7: {  	_ =	strace $0x90000048  }
0xb8: {  	_ =	sfence  }
0xb9: {  	s30 =	sld [smem:$0x0];
	_ =	sdelay $0x2  }
0xba: {  	s31 =	sshll.u32 s1, $0xD;
	s1 =	sshrl.u32 s1, $0x2  }
0xbb: {  	s3 =	sand.u32 $0x4000, s31;
	s1 =	sadd.s32 s1, s30  }
0xbc: {  	s0 =	sor.u32 s3, s0;
	s1 =	sshll.u32 s1, $0x11  }
0xbd: {  	s0 =	sor.u32 s1, s0  }
0xbe: {  	s0 =	sadd.s32 $0x8F2B, s0  }
0xbf: {  	[sflag:s0] =	ssyncadd.remote.s32 $0x1  }
0xc0: {  	_ =	sfence.sel $0xFFFF  }
0xc1: {  	[dreg:$0x0] =	wrdreg $0xFFFFFFFF;
	(pc) =	sbr.abs _section_cstart, $3  }
0xc2: {  	[dreg:$0x1] =	wrdreg $0xFFFFFFFF  }
0xc3: {  	_ =	task.clear_ibuf [dreg:s8], $0x2FFFF;
	_ =	strace $0x9FFFFFFF  }
0xc4: {  	(tm) =	ssettm $0x7FFFFFFF  }
0xc5: {  	_ =	shalt  }
tec
execute0_lowered:
.L_overlay_start_1:
0x0: {  	(tag) =	ssettag $0x1  }
0x1: {  	s4 =	rddreg [dreg:$0x0]  }
0x2: {  	s3 =	rddreg [dreg:$0x1]  }
0x3: {  	s5 =	rddreg [dreg:$0x2]  }
0x4: {  	s0 =	rddreg [dreg:$0x3];
	s6 =	srdreg.scid  }
0x5: {  	s2 =	simm.s32 $0x0;
	s1 =	stileid.u32;
	s10 =	simm.s32 $0x0  }
0x6: {  	s6 =	sand.u32 $0x1, s6;
	[smem:$0x7FF] =	sst s2;
	s7 =	sshll.u32 s1, $0x7  }
0x7: {  	s3 =	sadd.s32 $0x1E00, s3;
	s8 =	sshll.u32 s6, $0x6;
	s6 =	ssub.s32 $0x2, s6  }
0x8: {  	_ =	strace $0x80000047;
	s7 =	sor.u32 s8, s7;
	s31 =	sshrl.u32 s6, $0x1  }
0x9: {  	s8 =	simm.s32 $0x1;
	s9 =	sshll.u32 s7, $0x7;
	s7 =	sshll.u32 s7, $0x4  }
0xa: {  	s6 =	ssub.s32 s6, s31;
	s4 =	sadd.s32 s4, s9;
	s5 =	sadd.s32 s5, s7  }
0xb: {  	v0 =	vimm.f32 $0.0e+00;
	s6 =	smax.u32 s6, $0x1;
	s7 =	simm.s32 $0x10000;
	s9 =	simm.s32 $0x10100  }
.LBB2_1:
0xc: {  	[tilespmem:s7], [sflag:$0x1] =	stream.linear.gather [hbm4b:s3+s2], $0x100, $0x38;
	[tilespmem:$0x12100] =	vst v63  }
0xd: {  	_ =	swait.ge [sflag:s8], $0x100  }
0xe: {  	[sflag:s8] =	ssyncset.done $0x0  }
0xf: {  	[sflag:s8] =	ssyncadd.s32 $0xFFFFFF00  }
0x10: {  	[tilespmem:s2], [sflag:$0x1] =	stream.linear.gather [hbm4b:s4+s2], $0x10000, $0x38;
	[tilespmem:$0x12100] =	vst v63  }
0x11: {  	_ =	swait.ge [sflag:s8], $0x10000  }
0x12: {  	[sflag:s8] =	ssyncset.done $0x0  }
0x13: {  	s11 =	simm.s32 $0x10200;
	s12 =	simm.s32 $0x0;
	[sflag:s8] =	ssyncadd.s32 $0xFFFF0000  }
.LBB2_2:
0x14: {  	v1 =	vld [tilespmem:$0x10000]  }
0x15: {  	v2 =	vld [tilespmem:$0x10080]  }
0x16: {  	v5 =	vld [tilespmem:$0x10010]  }
0x17: {  	v3 =	vmov s12;
	v7 =	vld [tilespmem:$0x10090]  }
0x18: {  	v36 =	vld [tilespmem:$0x10020];
	v4 =	vshll.u32 v3, $0xA;
	v3 =	vshll.u32 v3, $0x7  }
0x19: {  	v37 =	vld [tilespmem:$0x100A0];
	v4 =	vand.u32 $0xE000, v4;
	v3 =	vand.u32 $0x200, v3  }
0x1a: {  	v10 =	vld [tilespmem:$0x100B0];
	v6 =	vand.u32 $0x7F, v1;
	v1 =	vshll.u32 v1, $0x3;
	v8 =	vshll.u32 v2, $0x3  }
0x1b: {  	v41 =	vld [tilespmem:$0x10040];
	v2 =	vand.u32 $0x7F, v2;
	v32 =	vshll.u32 v5, $0x3;
	v1 =	vand.u32 $0xFFFFFC00, v1  }
0x1c: {  	v43 =	vld [tilespmem:$0x100C0];
	v33 =	vshll.u32 v7, $0x3;
	v8 =	vand.u32 $0xFFFFFC00, v8;
	v1 =	vadd.s32 v4, v1  }
0x1d: {  	v46 =	vld [tilespmem:$0x10050];
	v5 =	vand.u32 $0x7F, v5;
	v31 =	vadd.s32 v4, v8;
	v1 =	vor.u32 v6, v1  }
0x1e: {  	v12 =	vld [tilespmem:$0x100D0];
	v34 =	vand.u32 $0x7F, v7;
	v2 =	vor.u32 v2, v31;
	v1 =	vor.u32 v3, v1  }
0x1f: {  	v49 =	vld [tilespmem:$0x10060];
	v9 =	vshll.u32 v36, $0x3;
	v6 =	vand.u32 $0xFFFFFC00, v32;
	v2 =	vor.u32 v3, v2  }
0x20: {  	v14 =	vld [tilespmem:$0x100E0];
	v39 =	vshll.u32 v37, $0x3;
	v8 =	vand.u32 $0xFFFFFC00, v33;
	v6 =	vadd.s32 v4, v6  }
0x21: {  	v53 =	vld [tilespmem:$0x10070];
	v7 =	vand.u32 $0x7F, v36;
	v35 =	vadd.s32 v4, v8;
	v5 =	vor.u32 v5, v6  }
0x22: {  	v16 =	vld [tilespmem:$0x100F0];
	v40 =	vand.u32 $0x7F, v37;
	v6 =	vor.u32 v34, v35;
	v5 =	vor.u32 v3, v5  }
0x23: {  	v11 =	vshll.u32 v10, $0x3;
	v44 =	vand.u32 $0x7F, v10;
	v6 =	vor.u32 v3, v6;
	v1 =	vld.idx.msk [tilespmem:v1+s2+$0x0], $0xffff  }
0x24: {  	v47 =	vshll.u32 v41, $0x3;
	v13 =	vshll.u32 v43, $0x3;
	v50 =	vshll.u32 v46, $0x3;
	v2 =	vld.idx.msk [tilespmem:v2+s2+$0x0], $0xffff  }
0x25: {  	v15 =	vshll.u32 v12, $0x3;
	v51 =	vand.u32 $0x7F, v12;
	v54 =	vshll.u32 v49, $0x3  }
0x26: {  	v17 =	vshll.u32 v14, $0x3;
	v55 =	vand.u32 $0x7F, v14;
	v57 =	vshll.u32 v53, $0x3  }
0x27: {  	v58 =	vshll.u32 v16, $0x3;
	v59 =	vand.u32 $0x7F, v16;
	v38 =	vand.u32 $0xFFFFFC00, v9;
	v5 =	vld.idx.msk [tilespmem:v5+s2+$0x0], $0xffff  }
0x28: {  	v11 =	vand.u32 $0xFFFFFC00, v11;
	v10 =	vand.u32 $0xFFFFFC00, v47;
	v13 =	vand.u32 $0xFFFFFC00, v13;
	v6 =	vld.idx.msk [tilespmem:v6+s2+$0x0], $0xffff  }
0x29: {  	v9 =	vand.u32 $0x7F, v43;
	v15 =	vand.u32 $0xFFFFFC00, v15;
	vm0 =	vgt.f32 v1, v2;
	v1 =	vld [tilespmem:$0x10030]  }
0x2a: {  	v12 =	vand.u32 $0xFFFFFC00, v54;
	v17 =	vand.u32 $0xFFFFFC00, v17;
	v14 =	vand.u32 $0xFFFFFC00, v57  }
0x2b: {  	v45 =	vadd.s32 v4, v11;
	v10 =	vadd.s32 v4, v10;
	v48 =	vadd.s32 v4, v13  }
0x2c: {  	v11 =	vand.u32 $0x7F, v46;
	v52 =	vadd.s32 v4, v15;
	v13 =	vand.u32 $0x7F, v49  }
0x2d: {  	v12 =	vadd.s32 v4, v12;
	vm9 =	vgt.f32 v5, v6;
	v5 =	vadd.s32 v4, v38  }
0x2e: {  	v6 =	vand.u32 $0xFFFFFC00, v39;
	v5 =	vor.u32 v7, v5;
	v42 =	vshll.u32 v1, $0x3  }
0x2f: {  	v6 =	vadd.s32 v4, v6;
	v5 =	vor.u32 v3, v5;
	v7 =	vand.u32 $0xFFFFFC00, v42  }
0x30: {  	v6 =	vor.u32 v40, v6;
	v1 =	vand.u32 $0x7F, v1;
	v7 =	vadd.s32 v4, v7  }
0x31: {  	v8 =	vand.u32 $0x7F, v41;
	v6 =	vor.u32 v3, v6;
	v1 =	vor.u32 v1, v7  }
0x32: {  	v9 =	vor.u32 v9, v48;
	v7 =	vor.u32 v44, v45;
	v1 =	vor.u32 v3, v1  }
0x33: {  	v8 =	vor.u32 v8, v10;
	v10 =	vand.u32 $0xFFFFFC00, v50;
	v7 =	vor.u32 v3, v7  }
0x34: {  	v56 =	vadd.s32 v4, v17;
	v9 =	vor.u32 v3, v9;
	v10 =	vadd.s32 v4, v10  }
0x35: {  	v15 =	vand.u32 $0x7F, v53;
	v8 =	vor.u32 v3, v8;
	v10 =	vor.u32 v11, v10;
	v5 =	vld.idx.msk [tilespmem:v5+s2+$0x0], $0xffff  }
0x36: {  	v14 =	vadd.s32 v4, v14;
	v11 =	vor.u32 v51, v52;
	v10 =	vor.u32 v3, v10;
	v6 =	vld.idx.msk [tilespmem:v6+s2+$0x0], $0xffff  }
0x37: {  	v12 =	vor.u32 v13, v12;
	v13 =	vor.u32 v55, v56;
	v11 =	vor.u32 v3, v11;
	v1 =	vld.idx.msk [tilespmem:v1+s2+$0x0], $0xffff  }
0x38: {  	v17 =	vand.u32 $0xFFFFFC00, v58;
	v14 =	vor.u32 v15, v14;
	v13 =	vor.u32 v3, v13;
	v7 =	vld.idx.msk [tilespmem:v7+s2+$0x0], $0xffff  }
0x39: {  	v12 =	vor.u32 v3, v12;
	v14 =	vor.u32 v3, v14;
	v9 =	vld.idx.msk [tilespmem:v9+s2+$0x0], $0xffff;
	v4 =	vadd.s32 v4, v17  }
0x3a: {  	v8 =	vld.idx.msk [tilespmem:v8+s2+$0x0], $0xffff;
	v2 =	vsel vm0, $0x3F800000, v0;
	v60 =	vsel vm9, $0x40000000, v0;
	v4 =	vor.u32 v59, v4  }
0x3b: {  	v61 =	vld.idx.msk [tilespmem:v10+s2+$0x0], $0xffff;
	v2 =	vadd.f32 v60, v2;
	v3 =	vor.u32 v3, v4;
	vm10 =	vgt.f32 v5, v6  }
0x3c: {  	v63 =	vld.idx.msk [tilespmem:v11+s2+$0x0], $0xffff;
	v62 =	vsel vm10, $0x40800000, v0  }
0x3d: {  	v15 =	vld.idx.msk [tilespmem:v13+s2+$0x0], $0xffff;
	v2 =	vadd.f32 v62, v2;
	vm11 =	vgt.f32 v1, v7  }
0x3e: {  	v1 =	vld.idx.msk [tilespmem:v12+s2+$0x0], $0xffff;
	v12 =	vsel vm11, $0x41000000, v0  }
0x3f: {  	v16 =	vld.idx.msk [tilespmem:v14+s2+$0x0], $0xffff;
	vm12 =	vgt.f32 v8, v9;
	v2 =	vadd.f32 v12, v2  }
0x40: {  	v8 =	vsel vm12, $0x41800000, v0;
	v3 =	vld.idx.msk [tilespmem:v3+s2+$0x0], $0xffff  }
0x41: {  	vm13 =	vgt.f32 v61, v63;
	v2 =	vadd.f32 v8, v2  }
0x42: {  	v5 =	vsel vm13, $0x42000000, v0  }
0x43: {  	vm14 =	vgt.f32 v1, v15;
	v2 =	vadd.f32 v5, v2  }
0x44: {  	v1 =	vsel vm14, $0x42800000, v0  }
0x45: {  	vm15 =	vgt.f32 v16, v3;
	v1 =	vadd.f32 v1, v2  }
0x46: {  	v2 =	vsel vm15, $0x43000000, v0  }
0x47: {  	v1 =	vadd.f32 v2, v1;
	_ =	sdelay $0x1  }
0x48: {  	[tilespmem:s11+$0xFFFFFF00] =	vst v1  }
0x49: {  	v1 =	vld [tilespmem:$0x10000]  }
0x4a: {  	v2 =	vld [tilespmem:$0x10080]  }
0x4b: {  	s13 =	sadd.s32 $0x1, s12;
	v18 =	vld [tilespmem:$0x10010]  }
0x4c: {  	v3 =	vmov s13;
	v20 =	vld [tilespmem:$0x10090]  }
0x4d: {  	v17 =	vshll.u32 v3, $0xA;
	v3 =	vshll.u32 v3, $0x7;
	v27 =	vld [tilespmem:$0x10020]  }
0x4e: {  	v4 =	vand.u32 $0xE000, v17;
	v3 =	vand.u32 $0x280, v3;
	v28 =	vld [tilespmem:$0x100A0]  }
0x4f: {  	v30 =	vld [tilespmem:$0x100B0];
	v19 =	vand.u32 $0x7F, v1;
	v1 =	vshll.u32 v1, $0x3;
	v21 =	vshll.u32 v2, $0x3  }
0x50: {  	v34 =	vld [tilespmem:$0x10040];
	v2 =	vand.u32 $0x7F, v2;
	v23 =	vshll.u32 v18, $0x3;
	v1 =	vand.u32 $0xFFFFFC00, v1  }
0x51: {  	v36 =	vld [tilespmem:$0x100C0];
	v24 =	vshll.u32 v20, $0x3;
	v8 =	vand.u32 $0xFFFFFC00, v21;
	v1 =	vadd.s32 v4, v1  }
0x52: {  	v40 =	vld [tilespmem:$0x10050];
	v5 =	vand.u32 $0x7F, v18;
	v22 =	vadd.s32 v4, v8;
	v1 =	vor.u32 v19, v1  }
0x53: {  	v42 =	vld [tilespmem:$0x100D0];
	v25 =	vand.u32 $0x7F, v20;
	v2 =	vor.u32 v2, v22;
	v1 =	vor.u32 v3, v1  }
0x54: {  	v45 =	vld [tilespmem:$0x10060];
	v29 =	vshll.u32 v27, $0x3;
	v6 =	vand.u32 $0xFFFFFC00, v23;
	v2 =	vor.u32 v3, v2  }
0x55: {  	v47 =	vld [tilespmem:$0x100E0];
	v32 =	vshll.u32 v28, $0x3;
	v6 =	vadd.s32 v4, v6;
	v8 =	vand.u32 $0xFFFFFC00, v24  }
0x56: {  	v51 =	vld [tilespmem:$0x10070];
	v7 =	vand.u32 $0x7F, v27;
	v5 =	vor.u32 v5, v6;
	v26 =	vadd.s32 v4, v8  }
0x57: {  	v53 =	vld [tilespmem:$0x100F0];
	v33 =	vand.u32 $0x7F, v28;
	v5 =	vor.u32 v3, v5;
	v6 =	vor.u32 v25, v26  }
0x58: {  	v37 =	vshll.u32 v30, $0x3;
	v38 =	vand.u32 $0x7F, v30;
	v6 =	vor.u32 v3, v6;
	v1 =	vld.idx.msk [tilespmem:v1+s2+$0x0], $0xffff  }
0x59: {  	v41 =	vshll.u32 v34, $0x3;
	v43 =	vshll.u32 v36, $0x3;
	v9 =	vand.u32 $0x7F, v36;
	v2 =	vld.idx.msk [tilespmem:v2+s2+$0x0], $0xffff  }
0x5a: {  	v46 =	vshll.u32 v40, $0x3;
	v48 =	vshll.u32 v42, $0x3;
	v49 =	vand.u32 $0x7F, v42  }
0x5b: {  	v52 =	vshll.u32 v45, $0x3;
	v54 =	vshll.u32 v47, $0x3;
	v55 =	vand.u32 $0x7F, v47  }
0x5c: {  	v57 =	vshll.u32 v51, $0x3;
	v58 =	vshll.u32 v53, $0x3;
	v59 =	vand.u32 $0x7F, v53;
	v5 =	vld.idx.msk [tilespmem:v5+s2+$0x0], $0xffff  }
0x5d: {  	v31 =	vand.u32 $0xFFFFFC00, v29;
	v11 =	vand.u32 $0xFFFFFC00, v37;
	v10 =	vand.u32 $0xFFFFFC00, v41;
	v6 =	vld.idx.msk [tilespmem:v6+s2+$0x0], $0xffff  }
0x5e: {  	v13 =	vand.u32 $0xFFFFFC00, v43;
	v15 =	vand.u32 $0xFFFFFC00, v48;
	vm4 =	vgt.f32 v1, v2;
	v1 =	vld [tilespmem:$0x10030]  }
0x5f: {  	v12 =	vand.u32 $0xFFFFFC00, v52;
	v17 =	vand.u32 $0xFFFFFC00, v54;
	v14 =	vand.u32 $0xFFFFFC00, v57  }
0x60: {  	v39 =	vadd.s32 v4, v11;
	v10 =	vadd.s32 v4, v10;
	v44 =	vadd.s32 v4, v13  }
0x61: {  	v11 =	vand.u32 $0x7F, v40;
	v50 =	vadd.s32 v4, v15;
	v13 =	vand.u32 $0x7F, v45  }
0x62: {  	v12 =	vadd.s32 v4, v12;
	vm5 =	vgt.f32 v5, v6;
	v5 =	vadd.s32 v4, v31  }
0x63: {  	v6 =	vand.u32 $0xFFFFFC00, v32;
	v5 =	vor.u32 v7, v5;
	v35 =	vshll.u32 v1, $0x3  }
0x64: {  	v6 =	vadd.s32 v4, v6;
	v5 =	vor.u32 v3, v5;
	v7 =	vand.u32 $0xFFFFFC00, v35  }
0x65: {  	v6 =	vor.u32 v33, v6;
	v1 =	vand.u32 $0x7F, v1;
	v7 =	vadd.s32 v4, v7  }
0x66: {  	v8 =	vand.u32 $0x7F, v34;
	v6 =	vor.u32 v3, v6;
	v1 =	vor.u32 v1, v7  }
0x67: {  	v9 =	vor.u32 v9, v44;
	v7 =	vor.u32 v38, v39;
	v1 =	vor.u32 v3, v1  }
0x68: {  	v8 =	vor.u32 v8, v10;
	v10 =	vand.u32 $0xFFFFFC00, v46;
	v7 =	vor.u32 v3, v7  }
0x69: {  	v56 =	vadd.s32 v4, v17;
	v9 =	vor.u32 v3, v9;
	v10 =	vadd.s32 v4, v10  }
0x6a: {  	v15 =	vand.u32 $0x7F, v51;
	v8 =	vor.u32 v3, v8;
	v10 =	vor.u32 v11, v10;
	v5 =	vld.idx.msk [tilespmem:v5+s2+$0x0], $0xffff  }
0x6b: {  	v14 =	vadd.s32 v4, v14;
	v11 =	vor.u32 v49, v50;
	v10 =	vor.u32 v3, v10;
	v6 =	vld.idx.msk [tilespmem:v6+s2+$0x0], $0xffff  }
0x6c: {  	v12 =	vor.u32 v13, v12;
	v13 =	vor.u32 v55, v56;
	v11 =	vor.u32 v3, v11;
	v1 =	vld.idx.msk [tilespmem:v1+s2+$0x0], $0xffff  }
0x6d: {  	v17 =	vand.u32 $0xFFFFFC00, v58;
	v14 =	vor.u32 v15, v14;
	v13 =	vor.u32 v3, v13;
	v7 =	vld.idx.msk [tilespmem:v7+s2+$0x0], $0xffff  }
0x6e: {  	v12 =	vor.u32 v3, v12;
	v14 =	vor.u32 v3, v14;
	v9 =	vld.idx.msk [tilespmem:v9+s2+$0x0], $0xffff;
	v4 =	vadd.s32 v4, v17  }
0x6f: {  	v8 =	vld.idx.msk [tilespmem:v8+s2+$0x0], $0xffff;
	v2 =	vsel vm4, $0x3F800000, v0;
	v60 =	vsel vm5, $0x40000000, v0;
	v4 =	vor.u32 v59, v4  }
0x70: {  	v61 =	vld.idx.msk [tilespmem:v10+s2+$0x0], $0xffff;
	v2 =	vadd.f32 v60, v2;
	v3 =	vor.u32 v3, v4;
	vm6 =	vgt.f32 v5, v6  }
0x71: {  	v63 =	vld.idx.msk [tilespmem:v11+s2+$0x0], $0xffff;
	v62 =	vsel vm6, $0x40800000, v0  }
0x72: {  	v15 =	vld.idx.msk [tilespmem:v13+s2+$0x0], $0xffff;
	v2 =	vadd.f32 v62, v2;
	vm7 =	vgt.f32 v1, v7  }
0x73: {  	v1 =	vld.idx.msk [tilespmem:v12+s2+$0x0], $0xffff;
	v12 =	vsel vm7, $0x41000000, v0  }
0x74: {  	v16 =	vld.idx.msk [tilespmem:v14+s2+$0x0], $0xffff;
	vm8 =	vgt.f32 v8, v9;
	v2 =	vadd.f32 v12, v2  }
0x75: {  	v8 =	vsel vm8, $0x41800000, v0;
	v3 =	vld.idx.msk [tilespmem:v3+s2+$0x0], $0xffff  }
0x76: {  	vm9 =	vgt.f32 v61, v63;
	v2 =	vadd.f32 v8, v2  }
0x77: {  	v5 =	vsel vm9, $0x42000000, v0  }
0x78: {  	vm10 =	vgt.f32 v1, v15;
	v2 =	vadd.f32 v5, v2  }
0x79: {  	v1 =	vsel vm10, $0x42800000, v0  }
0x7a: {  	vm11 =	vgt.f32 v16, v3;
	v1 =	vadd.f32 v1, v2  }
0x7b: {  	v2 =	vsel vm11, $0x43000000, v0  }
0x7c: {  	v1 =	vadd.f32 v2, v1;
	_ =	sdelay $0x1  }
0x7d: {  	[tilespmem:s11+$0xFFFFFF80] =	vst v1  }
0x7e: {  	v1 =	vld [tilespmem:$0x10000]  }
0x7f: {  	v2 =	vld [tilespmem:$0x10080]  }
0x80: {  	s30 =	sadd.s32 $0x2, s12;
	v18 =	vld [tilespmem:$0x10010]  }
0x81: {  	v3 =	vmov s30;
	v20 =	vld [tilespmem:$0x10090]  }
0x82: {  	v17 =	vshll.u32 v3, $0xA;
	v3 =	vshll.u32 v3, $0x7;
	v27 =	vld [tilespmem:$0x10020]  }
0x83: {  	v4 =	vand.u32 $0xE000, v17;
	v3 =	vand.u32 $0x300, v3;
	v28 =	vld [tilespmem:$0x100A0]  }
0x84: {  	v30 =	vld [tilespmem:$0x100B0];
	v19 =	vand.u32 $0x7F, v1;
	v1 =	vshll.u32 v1, $0x3;
	v21 =	vshll.u32 v2, $0x3  }
0x85: {  	v34 =	vld [tilespmem:$0x10040];
	v2 =	vand.u32 $0x7F, v2;
	v23 =	vshll.u32 v18, $0x3;
	v1 =	vand.u32 $0xFFFFFC00, v1  }
0x86: {  	v36 =	vld [tilespmem:$0x100C0];
	v24 =	vshll.u32 v20, $0x3;
	v8 =	vand.u32 $0xFFFFFC00, v21;
	v1 =	vadd.s32 v4, v1  }
0x87: {  	v40 =	vld [tilespmem:$0x10050];
	v5 =	vand.u32 $0x7F, v18;
	v22 =	vadd.s32 v4, v8;
	v1 =	vor.u32 v19, v1  }
0x88: {  	v42 =	vld [tilespmem:$0x100D0];
	v25 =	vand.u32 $0x7F, v20;
	v2 =	vor.u32 v2, v22;
	v1 =	vor.u32 v3, v1  }
0x89: {  	v45 =	vld [tilespmem:$0x10060];
	v29 =	vshll.u32 v27, $0x3;
	v6 =	vand.u32 $0xFFFFFC00, v23;
	v2 =	vor.u32 v3, v2  }
0x8a: {  	v47 =	vld [tilespmem:$0x100E0];
	v32 =	vshll.u32 v28, $0x3;
	v6 =	vadd.s32 v4, v6;
	v8 =	vand.u32 $0xFFFFFC00, v24  }
0x8b: {  	v51 =	vld [tilespmem:$0x10070];
	v7 =	vand.u32 $0x7F, v27;
	v5 =	vor.u32 v5, v6;
	v26 =	vadd.s32 v4, v8  }
0x8c: {  	v53 =	vld [tilespmem:$0x100F0];
	v33 =	vand.u32 $0x7F, v28;
	v5 =	vor.u32 v3, v5;
	v6 =	vor.u32 v25, v26  }
0x8d: {  	v37 =	vshll.u32 v30, $0x3;
	v38 =	vand.u32 $0x7F, v30;
	v6 =	vor.u32 v3, v6;
	v1 =	vld.idx.msk [tilespmem:v1+s2+$0x0], $0xffff  }
0x8e: {  	v41 =	vshll.u32 v34, $0x3;
	v43 =	vshll.u32 v36, $0x3;
	v9 =	vand.u32 $0x7F, v36;
	v2 =	vld.idx.msk [tilespmem:v2+s2+$0x0], $0xffff  }
0x8f: {  	v46 =	vshll.u32 v40, $0x3;
	v48 =	vshll.u32 v42, $0x3;
	v49 =	vand.u32 $0x7F, v42  }
0x90: {  	v52 =	vshll.u32 v45, $0x3;
	v54 =	vshll.u32 v47, $0x3;
	v55 =	vand.u32 $0x7F, v47  }
0x91: {  	v57 =	vshll.u32 v51, $0x3;
	v58 =	vshll.u32 v53, $0x3;
	v59 =	vand.u32 $0x7F, v53;
	v5 =	vld.idx.msk [tilespmem:v5+s2+$0x0], $0xffff  }
0x92: {  	v31 =	vand.u32 $0xFFFFFC00, v29;
	v11 =	vand.u32 $0xFFFFFC00, v37;
	v10 =	vand.u32 $0xFFFFFC00, v41;
	v6 =	vld.idx.msk [tilespmem:v6+s2+$0x0], $0xffff  }
0x93: {  	v13 =	vand.u32 $0xFFFFFC00, v43;
	v15 =	vand.u32 $0xFFFFFC00, v48;
	vm12 =	vgt.f32 v1, v2;
	v1 =	vld [tilespmem:$0x10030]  }
0x94: {  	v12 =	vand.u32 $0xFFFFFC00, v52;
	v17 =	vand.u32 $0xFFFFFC00, v54;
	v14 =	vand.u32 $0xFFFFFC00, v57  }
0x95: {  	v39 =	vadd.s32 v4, v11;
	v10 =	vadd.s32 v4, v10;
	v44 =	vadd.s32 v4, v13  }
0x96: {  	v11 =	vand.u32 $0x7F, v40;
	v50 =	vadd.s32 v4, v15;
	v13 =	vand.u32 $0x7F, v45  }
0x97: {  	v12 =	vadd.s32 v4, v12;
	vm13 =	vgt.f32 v5, v6;
	v5 =	vadd.s32 v4, v31  }
0x98: {  	v6 =	vand.u32 $0xFFFFFC00, v32;
	v5 =	vor.u32 v7, v5;
	v35 =	vshll.u32 v1, $0x3  }
0x99: {  	v6 =	vadd.s32 v4, v6;
	v5 =	vor.u32 v3, v5;
	v7 =	vand.u32 $0xFFFFFC00, v35  }
0x9a: {  	v6 =	vor.u32 v33, v6;
	v1 =	vand.u32 $0x7F, v1;
	v7 =	vadd.s32 v4, v7  }
0x9b: {  	v8 =	vand.u32 $0x7F, v34;
	v6 =	vor.u32 v3, v6;
	v1 =	vor.u32 v1, v7  }
0x9c: {  	v9 =	vor.u32 v9, v44;
	v7 =	vor.u32 v38, v39;
	v1 =	vor.u32 v3, v1  }
0x9d: {  	v8 =	vor.u32 v8, v10;
	v10 =	vand.u32 $0xFFFFFC00, v46;
	v7 =	vor.u32 v3, v7  }
0x9e: {  	v56 =	vadd.s32 v4, v17;
	v9 =	vor.u32 v3, v9;
	v10 =	vadd.s32 v4, v10  }
0x9f: {  	v15 =	vand.u32 $0x7F, v51;
	v8 =	vor.u32 v3, v8;
	v10 =	vor.u32 v11, v10;
	v5 =	vld.idx.msk [tilespmem:v5+s2+$0x0], $0xffff  }
0xa0: {  	v14 =	vadd.s32 v4, v14;
	v11 =	vor.u32 v49, v50;
	v10 =	vor.u32 v3, v10;
	v6 =	vld.idx.msk [tilespmem:v6+s2+$0x0], $0xffff  }
0xa1: {  	v12 =	vor.u32 v13, v12;
	v13 =	vor.u32 v55, v56;
	v11 =	vor.u32 v3, v11;
	v1 =	vld.idx.msk [tilespmem:v1+s2+$0x0], $0xffff  }
0xa2: {  	v17 =	vand.u32 $0xFFFFFC00, v58;
	v14 =	vor.u32 v15, v14;
	v13 =	vor.u32 v3, v13;
	v7 =	vld.idx.msk [tilespmem:v7+s2+$0x0], $0xffff  }
0xa3: {  	v12 =	vor.u32 v3, v12;
	v14 =	vor.u32 v3, v14;
	v9 =	vld.idx.msk [tilespmem:v9+s2+$0x0], $0xffff;
	v4 =	vadd.s32 v4, v17  }
0xa4: {  	v8 =	vld.idx.msk [tilespmem:v8+s2+$0x0], $0xffff;
	v2 =	vsel vm12, $0x3F800000, v0;
	v60 =	vsel vm13, $0x40000000, v0;
	v4 =	vor.u32 v59, v4  }
0xa5: {  	v61 =	vld.idx.msk [tilespmem:v10+s2+$0x0], $0xffff;
	v2 =	vadd.f32 v60, v2;
	v3 =	vor.u32 v3, v4;
	vm14 =	vgt.f32 v5, v6  }
0xa6: {  	v63 =	vld.idx.msk [tilespmem:v11+s2+$0x0], $0xffff;
	v62 =	vsel vm14, $0x40800000, v0  }
0xa7: {  	v13 =	vld.idx.msk [tilespmem:v13+s2+$0x0], $0xffff;
	v2 =	vadd.f32 v62, v2;
	vm15 =	vgt.f32 v1, v7  }
0xa8: {  	v1 =	vld.idx.msk [tilespmem:v12+s2+$0x0], $0xffff;
	v12 =	vsel vm15, $0x41000000, v0  }
0xa9: {  	v14 =	vld.idx.msk [tilespmem:v14+s2+$0x0], $0xffff;
	vm4 =	vgt.f32 v8, v9;
	v2 =	vadd.f32 v12, v2  }
0xaa: {  	v8 =	vsel vm4, $0x41800000, v0;
	v3 =	vld.idx.msk [tilespmem:v3+s2+$0x0], $0xffff  }
0xab: {  	vm5 =	vgt.f32 v61, v63;
	v2 =	vadd.f32 v8, v2  }
0xac: {  	v5 =	vsel vm5, $0x42000000, v0  }
0xad: {  	vm6 =	vgt.f32 v1, v13;
	v2 =	vadd.f32 v5, v2  }
0xae: {  	v1 =	vsel vm6, $0x42800000, v0  }
0xaf: {  	vm7 =	vgt.f32 v14, v3;
	v1 =	vadd.f32 v1, v2  }
0xb0: {  	v2 =	vsel vm7, $0x43000000, v0  }
0xb1: {  	v1 =	vadd.f32 v2, v1;
	_ =	sdelay $0x1  }
0xb2: {  	[tilespmem:s11+$0x0] =	vst v1  }
0xb3: {  	v1 =	vld [tilespmem:$0x10000]  }
0xb4: {  	v2 =	vld [tilespmem:$0x10080]  }
0xb5: {  	s31 =	sadd.s32 $0x3, s12;
	v16 =	vld [tilespmem:$0x10010]  }
0xb6: {  	v3 =	vmov s31;
	v18 =	vld [tilespmem:$0x10090]  }
0xb7: {  	v15 =	vshll.u32 v3, $0xA;
	v3 =	vshll.u32 v3, $0x7;
	v25 =	vld [tilespmem:$0x10020]  }
0xb8: {  	v4 =	vand.u32 $0xE000, v15;
	v3 =	vand.u32 $0x380, v3;
	v26 =	vld [tilespmem:$0x100A0]  }
0xb9: {  	v28 =	vld [tilespmem:$0x100B0];
	v17 =	vand.u32 $0x7F, v1;
	v1 =	vshll.u32 v1, $0x3;
	v19 =	vshll.u32 v2, $0x3  }
0xba: {  	v32 =	vld [tilespmem:$0x10040];
	v2 =	vand.u32 $0x7F, v2;
	v21 =	vshll.u32 v16, $0x3;
	v1 =	vand.u32 $0xFFFFFC00, v1  }
0xbb: {  	v34 =	vld [tilespmem:$0x100C0];
	v22 =	vshll.u32 v18, $0x3;
	v8 =	vand.u32 $0xFFFFFC00, v19;
	v1 =	vadd.s32 v4, v1  }
0xbc: {  	v38 =	vld [tilespmem:$0x10050];
	v5 =	vand.u32 $0x7F, v16;
	v20 =	vadd.s32 v4, v8;
	v1 =	vor.u32 v17, v1  }
0xbd: {  	v40 =	vld [tilespmem:$0x100D0];
	v23 =	vand.u32 $0x7F, v18;
	v2 =	vor.u32 v2, v20;
	v1 =	vor.u32 v3, v1  }
0xbe: {  	v42 =	vld [tilespmem:$0x10060];
	v27 =	vshll.u32 v25, $0x3;
	v6 =	vand.u32 $0xFFFFFC00, v21;
	v2 =	vor.u32 v3, v2  }
0xbf: {  	v45 =	vld [tilespmem:$0x100E0];
	v30 =	vshll.u32 v26, $0x3;
	v6 =	vadd.s32 v4, v6;
	v8 =	vand.u32 $0xFFFFFC00, v22  }
0xc0: {  	v47 =	vld [tilespmem:$0x10070];
	v7 =	vand.u32 $0x7F, v25;
	v5 =	vor.u32 v5, v6;
	v24 =	vadd.s32 v4, v8  }
0xc1: {  	v51 =	vld [tilespmem:$0x100F0];
	v31 =	vand.u32 $0x7F, v26;
	v5 =	vor.u32 v3, v5;
	v6 =	vor.u32 v23, v24  }
0xc2: {  	v35 =	vshll.u32 v28, $0x3;
	v36 =	vand.u32 $0x7F, v28;
	v6 =	vor.u32 v3, v6;
	v1 =	vld.idx.msk [tilespmem:v1+s2+$0x0], $0xffff  }
0xc3: {  	v39 =	vshll.u32 v32, $0x3;
	v41 =	vshll.u32 v34, $0x3;
	v9 =	vand.u32 $0x7F, v34;
	v2 =	vld.idx.msk [tilespmem:v2+s2+$0x0], $0xffff  }
0xc4: {  	v44 =	vshll.u32 v38, $0x3;
	v46 =	vshll.u32 v40, $0x3;
	v12 =	vand.u32 $0x7F, v40  }
0xc5: {  	v48 =	vshll.u32 v42, $0x3;
	v14 =	vand.u32 $0x7F, v42;
	v52 =	vshll.u32 v45, $0x3  }
0xc6: {  	v54 =	vshll.u32 v47, $0x3;
	v16 =	vand.u32 $0x7F, v47;
	v56 =	vshll.u32 v51, $0x3;
	v5 =	vld.idx.msk [tilespmem:v5+s2+$0x0], $0xffff  }
0xc7: {  	v29 =	vand.u32 $0xFFFFFC00, v27;
	v11 =	vand.u32 $0xFFFFFC00, v35;
	v10 =	vand.u32 $0xFFFFFC00, v39;
	v6 =	vld.idx.msk [tilespmem:v6+s2+$0x0], $0xffff  }
0xc8: {  	v13 =	vand.u32 $0xFFFFFC00, v41;
	v15 =	vand.u32 $0xFFFFFC00, v46;
	vm8 =	vgt.f32 v1, v2;
	v1 =	vld [tilespmem:$0x10030]  }
0xc9: {  	v50 =	vand.u32 $0xFFFFFC00, v48;
	v53 =	vand.u32 $0xFFFFFC00, v52;
	v55 =	vand.u32 $0xFFFFFC00, v54  }
0xca: {  	v57 =	vand.u32 $0xFFFFFC00, v56;
	v37 =	vadd.s32 v4, v11;
	v10 =	vadd.s32 v4, v10  }
0xcb: {  	v43 =	vadd.s32 v4, v13;
	v11 =	vand.u32 $0x7F, v38;
	v15 =	vadd.s32 v4, v15  }
0xcc: {  	v13 =	vand.u32 $0x7F, v45;
	vm9 =	vgt.f32 v5, v6;
	v5 =	vadd.s32 v4, v29  }
0xcd: {  	v6 =	vand.u32 $0xFFFFFC00, v30;
	v5 =	vor.u32 v7, v5;
	v33 =	vshll.u32 v1, $0x3  }
0xce: {  	v6 =	vadd.s32 v4, v6;
	v5 =	vor.u32 v3, v5;
	v7 =	vand.u32 $0xFFFFFC00, v33  }
0xcf: {  	v6 =	vor.u32 v31, v6;
	v1 =	vand.u32 $0x7F, v1;
	v7 =	vadd.s32 v4, v7  }
0xd0: {  	v8 =	vand.u32 $0x7F, v32;
	v6 =	vor.u32 v3, v6;
	v1 =	vor.u32 v1, v7  }
0xd1: {  	v9 =	vor.u32 v9, v43;
	v7 =	vor.u32 v36, v37;
	v1 =	vor.u32 v3, v1  }
0xd2: {  	v49 =	vor.u32 v12, v15;
	v12 =	vadd.s32 v4, v50;
	v7 =	vor.u32 v3, v7  }
0xd3: {  	v8 =	vor.u32 v8, v10;
	v9 =	vor.u32 v3, v9;
	v10 =	vand.u32 $0xFFFFFC00, v44  }
0xd4: {  	v12 =	vor.u32 v14, v12;
	v8 =	vor.u32 v3, v8;
	v10 =	vadd.s32 v4, v10;
	v5 =	vld.idx.msk [tilespmem:v5+s2+$0x0], $0xffff  }
0xd5: {  	v14 =	vadd.s32 v4, v53;
	v10 =	vor.u32 v11, v10;
	v11 =	vor.u32 v3, v49;
	v6 =	vld.idx.msk [tilespmem:v6+s2+$0x0], $0xffff  }
0xd6: {  	v13 =	vor.u32 v13, v14;
	v14 =	vadd.s32 v4, v55;
	v10 =	vor.u32 v3, v10;
	v1 =	vld.idx.msk [tilespmem:v1+s2+$0x0], $0xffff  }
0xd7: {  	v15 =	vand.u32 $0x7F, v51;
	v14 =	vor.u32 v16, v14;
	v13 =	vor.u32 v3, v13;
	v7 =	vld.idx.msk [tilespmem:v7+s2+$0x0], $0xffff  }
0xd8: {  	v12 =	vor.u32 v3, v12;
	v14 =	vor.u32 v3, v14;
	v9 =	vld.idx.msk [tilespmem:v9+s2+$0x0], $0xffff;
	v4 =	vadd.s32 v4, v57  }
0xd9: {  	v8 =	vld.idx.msk [tilespmem:v8+s2+$0x0], $0xffff;
	v2 =	vsel vm8, $0x3F800000, v0;
	v58 =	vsel vm9, $0x40000000, v0;
	v4 =	vor.u32 v15, v4  }
0xda: {  	v60 =	vld.idx.msk [tilespmem:v11+s2+$0x0], $0xffff;
	v2 =	vadd.f32 v58, v2;
	v3 =	vor.u32 v3, v4;
	vm10 =	vgt.f32 v5, v6  }
0xdb: {  	v59 =	vld.idx.msk [tilespmem:v10+s2+$0x0], $0xffff;
	v5 =	vsel vm10, $0x40800000, v0  }
0xdc: {  	v62 =	vld.idx.msk [tilespmem:v13+s2+$0x0], $0xffff;
	vm11 =	vgt.f32 v1, v7;
	v1 =	vadd.f32 v5, v2  }
0xdd: {  	v2 =	vld.idx.msk [tilespmem:v12+s2+$0x0], $0xffff;
	v61 =	vsel vm11, $0x41000000, v0  }
0xde: {  	v63 =	vld.idx.msk [tilespmem:v14+s2+$0x0], $0xffff;
	vm12 =	vgt.f32 v8, v9;
	v1 =	vadd.f32 v61, v1  }
0xdf: {  	v8 =	vsel vm12, $0x41800000, v0;
	v3 =	vld.idx.msk [tilespmem:v3+s2+$0x0], $0xffff  }
0xe0: {  	vm13 =	vgt.f32 v59, v60;
	v1 =	vadd.f32 v8, v1  }
0xe1: {  	v4 =	vsel vm13, $0x42000000, v0  }
0xe2: {  	vm14 =	vgt.f32 v2, v62;
	v1 =	vadd.f32 v4, v1  }
0xe3: {  	p0 =	slt.u32 s12, $0x3C;
	v2 =	vsel vm14, $0x42800000, v0  }
.Ltmp0:
0xe4: {  	vm15 =	vgt.f32 v63, v3;
	v1 =	vadd.f32 v2, v1;
	(pc) =	sbr.rel @p0 .LBB2_2-.Ltmp0, $3  }
0xe5: {  	v2 =	vsel vm15, $0x43000000, v0  }
0xe6: {  	v1 =	vadd.f32 v2, v1;
	_ =	sdelay $0x1  }
0xe7: {  	s12 =	sadd.s32 $0x4, s12;
	[tilespmem:s11+$0x80] =	vst v1;
	s11 =	sadd.s32 $0x200, s11  }
0xe8: {  	s10 =	sadd.s32 $0x1, s10  }
0xe9: {  	p0 =	sne.s32 s10, s6  }
.Ltmp1:
0xea: {  	_ = 	snop;
	(pc) =	sbr.rel @p0 .LBB2_1-.Ltmp1, $4  }
0xeb: {  	[hbm4b:s5+s2] =	stream.linear.scatter [tilespmem:s9], [sflag:$0x1], $0x2000, $0x38;
	[tilespmem:$0x12100] =	vst v63  }
0xec: {  	_ =	swait.ge [sflag:s8], $0x2000  }
0xed: {  	[sflag:s8] =	ssyncset.done $0x0  }
0xee: {  	[sflag:s8] =	ssyncadd.s32 $0xFFFFE000  }
0xef: {  	_ =	sfence.sel $0x180000  }
0xf0: {  	[bflag:$0x0] =	sbarrier.arrive $0xFFFF  }
0xf1: {  	p0 =	sne.s32 s1, $0x0;
	_ =	strace $0x90000047  }
0xf2: {  	s0 =	sadd.s32 @!p0 $0x100000, s0;
	[bflag:$0x2] =	sbarrier.arrive $0xFFFF  }
0xf3: {  	[sflag:s0] =	ssyncadd.tile.s32 @!p0 $0x1;
	_ =	shalt  }
.Lfunc_end2:
_tile_overlayer_lowered:
.L_overlay_start_2:
0xf4: {  	(tag) =	ssettag $0x2  }
0xf5: {  	s0 =	rddreg [dreg:$0x0];
	s2 =	stileid.u32  }
0xf6: {  	s1 =	rddreg [dreg:$0x1];
	p0 =	sne.s32 s2, $0x0  }
0xf7: {  	s3 =	rddreg [dreg:$0x2];
	[bflag:$0x3] =	sbarrier.arrive $0xFFFF;
	s2 =	simm.s32 @!p0 $0x1C01  }
0xf8: {  	[timem:s3], [sflag:s2] =	dma.local @!p0 [hbm:s0], s1  }
0xf9: {  	s0 =	simm.s32 @!p0 $0x1  }
0xfa: {  	_ =	swait.ge @!p0 [sflag:s0], s1  }
0xfb: {  	s1 =	ssub.s32 @!p0 $0x0, s1;
	[sflag:s0] =	ssyncset.done @!p0 $0x0  }
0xfc: {  	[sflag:s0] =	ssyncadd.s32 @!p0 s1  }
0xfd: {  	[bflag:$0x3] =	sbarrier.arrive $0xFFFF  }
0xfe: {  	_ =	shalt  }

// kernel: kernel.9.cloned.1.call-start
scs
__scs_entry_jumppad:
0x0: {  	(pc) =	sbr.rel $0x88, $3  }
0x1: {  	(tag) =	ssettag $0x0;
	lr =	simm.s32 $0x1  }
0x2: {  	[smem:$0x3F9D] =	sst lr;
	_ =	strace $0xD0000000  }
0x3: {  	_ = 	snop  }
0x4: {  	_ = 	snop  }
0x5: {  	_ = 	snop  }
0x6: {  	_ = 	snop  }
0x7: {  	_ = 	snop  }
__scs_overlays_trampoline_lowered:
0x8: {  	[smem:$0x3FAC] =	sst s0  }
0x9: {  	[smem:$0x3FAD] =	sst s1  }
0xa: {  	[smem:$0x3FAE] =	sst s2  }
0xb: {  	[smem:$0x3FAF] =	sst s3  }
0xc: {  	[smem:$0x3FB0] =	sst s4  }
0xd: {  	[smem:$0x3FB1] =	sst s5  }
0xe: {  	[smem:$0x3FB2] =	sst s6  }
0xf: {  	[smem:$0x3FB3] =	sst s7  }
0x10: {  	[smem:$0x3FB4] =	sst s8  }
0x11: {  	[smem:$0x3FB5] =	sst s9;
	s0 =	simm.s32 @!p0 $0x0  }
0x12: {  	s1 =	sld [smem:$0x3F9B];
	s0 =	simm.s32 @p0 $0x1  }
0x13: {  	[smem:$0x3FB6] =	sst s0;
	s0 =	simm.s32 @!p1 $0x0  }
0x14: {  	s2 =	sld [smem:$0x3F9A];
	s0 =	simm.s32 @p1 $0x1  }
0x15: {  	[smem:$0x3FB7] =	sst s0;
	s0 =	simm.s32 @!p2 $0x0  }
0x16: {  	s3 =	sld [smem:$0x3FDB];
	s0 =	simm.s32 @p2 $0x1  }
0x17: {  	s4 =	simm.s32 $0x1BF5;
	[smem:$0x3FB9] =	sst s0  }
0x18: {  	s0 =	sld [smem:$0x3F9C];
	_ =	swait.ge [sflag:s4], $0x0  }
0x19: {  	s7 =	sld [smem:$0x3F9D]  }
0x1a: {  	s8 =	sadd.s32 $0xFFFFE003, lr  }
0x1b: {  	s9 =	sadd.s32 $0xFFFFFEF7, lr;
	s5 =	simm.s32 $0xFFFFFFFF;
	p2 =	slt.u32 s8, $0xFFFFF086  }
0x1c: {  	p1 =	slt.u32 s9, $0xF7A;
	s5 =	simm.s32 @!p2 $0x0  }
0x1d: {  	s5 =	simm.s32 @p1 $0x1;
	p0 =	seq.s32 s7, s2  }
0x1e: {  	s7 =	smul.u32 @!p0 $0xF7A, s2;
	p2 =	seq.s32 @!p0 s5, $0x0  }
0x1f: {  	s9 =	smul.u32 $0xF7A, s1;
	s8 =	simm.s32 @!p0 $0x1BF5;
	p2 =	por !p2, p0  }
0x20: {  	[sflag:s8] =	ssyncset.s32 @!p0 $0xFFFFF086;
	s6 =	sadd.s32 @!p0 s3, s7;
	s7 =	simm.s32 @!p0 $0x108  }
0x21: {  	s3 =	sadd.s32 s3, s9;
	s6 =	sadd.s32 @!p0 $0x88, s6;
	s7 =	simm.s32 @p2 $0x1082  }
0x22: {  	[simem:s7], [sflag:s8] =	dma.local @!p0 [hbm:s6], $0xF7A  }
0x23: {  	s9 =	sor.u32 $0xD0000000, s2;
	s6 =	simm.s32 $0x108;
	_ =	swait.ge @!p0 [sflag:s8], $0x0  }
0x24: {  	s3 =	sadd.s32 $0x88, s3;
	s6 =	simm.s32 @!p1 $0x1082;
	[sflag:s4] =	ssyncset.s32 $0xFFFFF086  }
0x25: {  	[simem:s6], [sflag:s4] =	dma.local [hbm:s3], $0xF7A  }
0x26: {  	[smem:$0x3F9D] =	sst s1;
	(tag) =	ssettag s2;
	_ =	strace s9  }
0x27: {  	s1 =	sld [smem:$0x3FAD]  }
0x28: {  	s2 =	sld [smem:$0x3FAE]  }
0x29: {  	s4 =	sld [smem:$0x3FB0]  }
0x2a: {  	p0 =	seq.s32 s5, $0x0;
	s5 =	sld [smem:$0x3FB1]  }
0x2b: {  	s6 =	sld [smem:$0x3FB2]  }
0x2c: {  	s7 =	sld [smem:$0x3FB3]  }
0x2d: {  	s3 =	simm.s32 $0x108;
	s8 =	sld [smem:$0x3FB4]  }
0x2e: {  	s3 =	simm.s32 @!p0 $0x1082;
	s9 =	sld [smem:$0x3FB5]  }
0x2f: {  	lr =	sadd.s32 s0, s3;
	s0 =	sld [smem:$0x3FAC]  }
0x30: {  	s3 =	sld [smem:$0x3FAF]  }
0x31: {  	[smem:$0x3FB8] =	sst s10  }
0x32: {  	s10 =	sld [smem:$0x3FB6];
	_ =	sdelay $0x3  }
0x33: {  	p0 =	seq.s32 s10, $0x1;
	s10 =	sld [smem:$0x3FB8];
	_ =	sdelay $0x3  }
0x34: {  	[smem:$0x3FB8] =	sst s10  }
0x35: {  	s10 =	sld [smem:$0x3FB7];
	_ =	sdelay $0x3  }
0x36: {  	p1 =	seq.s32 s10, $0x1;
	s10 =	sld [smem:$0x3FB8];
	_ =	sdelay $0x3  }
0x37: {  	[smem:$0x3FB8] =	sst s10  }
0x38: {  	s10 =	sld [smem:$0x3FB9]  }
0x39: {  	_ = 	snop;
	(pc) =	sbr.ind lr, $3  }
0x3a: {  	_ = 	snop  }
0x3b: {  	_ = 	snop  }
0x3c: {  	p2 =	seq.s32 s10, $0x1;
	s10 =	sld [smem:$0x3FB8]  }
0x3d: {  	_ =	shalt  }
0x3e: {  	_ =	shalt  }
0x3f: {  	_ =	shalt  }
0x40: {  	_ =	shalt  }
0x41: {  	_ =	shalt  }
0x42: {  	_ =	shalt  }
0x43: {  	_ =	shalt  }
0x44: {  	_ =	shalt  }
0x45: {  	_ =	shalt  }
0x46: {  	_ =	shalt  }
0x47: {  	_ =	shalt  }
0x48: {  	_ =	shalt  }
0x49: {  	_ =	shalt  }
0x4a: {  	_ =	shalt  }
0x4b: {  	_ =	shalt  }
0x4c: {  	_ =	shalt  }
0x4d: {  	_ =	shalt  }
0x4e: {  	_ =	shalt  }
0x4f: {  	_ =	shalt  }
0x50: {  	_ =	shalt  }
0x51: {  	_ =	shalt  }
0x52: {  	_ =	shalt  }
0x53: {  	_ =	shalt  }
0x54: {  	_ =	shalt  }
0x55: {  	_ =	shalt  }
0x56: {  	_ =	shalt  }
0x57: {  	_ =	shalt  }
0x58: {  	_ =	shalt  }
0x59: {  	_ =	shalt  }
0x5a: {  	_ =	shalt  }
0x5b: {  	_ =	shalt  }
0x5c: {  	_ =	shalt  }
0x5d: {  	_ =	shalt  }
0x5e: {  	_ =	shalt  }
0x5f: {  	_ =	shalt  }
0x60: {  	_ =	shalt  }
0x61: {  	_ =	shalt  }
0x62: {  	_ =	shalt  }
0x63: {  	_ =	shalt  }
0x64: {  	_ =	shalt  }
0x65: {  	_ =	shalt  }
0x66: {  	_ =	shalt  }
0x67: {  	_ =	shalt  }
0x68: {  	_ =	shalt  }
0x69: {  	_ =	shalt  }
0x6a: {  	_ =	shalt  }
0x6b: {  	_ =	shalt  }
0x6c: {  	_ =	shalt  }
0x6d: {  	_ =	shalt  }
0x6e: {  	_ =	shalt  }
0x6f: {  	_ =	shalt  }
0x70: {  	_ =	shalt  }
0x71: {  	_ =	shalt  }
0x72: {  	_ =	shalt  }
0x73: {  	_ =	shalt  }
0x74: {  	_ =	shalt  }
0x75: {  	_ =	shalt  }
0x76: {  	_ =	shalt  }
0x77: {  	_ =	shalt  }
0x78: {  	_ =	shalt  }
0x79: {  	_ =	shalt  }
0x7a: {  	_ =	shalt  }
0x7b: {  	_ =	shalt  }
0x7c: {  	_ =	shalt  }
0x7d: {  	_ =	shalt  }
0x7e: {  	_ =	shalt  }
0x7f: {  	_ =	shalt  }
0x80: {  	_ =	shalt  }
0x81: {  	_ =	shalt  }
0x82: {  	_ =	shalt  }
0x83: {  	_ =	shalt  }
0x84: {  	_ =	shalt  }
0x85: {  	_ =	shalt  }
0x86: {  	_ =	shalt  }
0x87: {  	_ =	shalt  }
.Lfunc_end0:
.L_simem_size_0:
called_computation.1_lowered:
.L_overlay_start_0:
0x88: {  	s2 =	sld [smem:$0x3FD9]  }
0x89: {  	s3 =	sld [smem:$0x3FFE];
	_ =	sdelay $0x1  }
0x8a: {  	s1 =	srdreg.scid  }
0x8b: {  	s0 =	sand.u32 $0x1, s1  }
0x8c: {  	s17 =	sshll.u32 s0, $0xA;
	s2 =	sadd.s32 s3, s2  }
0x8d: {  	s2 =	sadd.s32 s2, s17  }
0x8e: {  	[smem:$0x3FC4] =	sst s2  }
0x8f: {  	_ = 	snop  }
0x90: {  	s18 =	sld [smem:$0x3FC9];
	(tm) =	ssettm $0x1  }
0x91: {  	s19 =	sld [smem:$0x3FFB];
	_ =	sdelay $0x3  }
0x92: {  	_ =	strace s19  }
0x93: {  	s2 =	sld [smem:$0x3FFC];
	_ =	sdelay $0x3  }
0x94: {  	_ =	strace s2  }
0x95: {  	s2 =	sld [smem:$0x3FFD];
	_ =	sdelay $0x3  }
0x96: {  	_ =	strace s2  }
0x97: {  	_ =	strace $0x8FFFFFFF  }
0x98: {  	s20 =	sld [smem:$0x3FDB];
	_ =	sdelay $0x1  }
0x99: {  	s4 =	simm.s32 $_scs_section_size  }
0x9a: {  	s5 =	simm.s32 $_size__tile_overlayer_lowered;
	s6 =	simm.s32 $_tile_overlayer_lowered  }
0x9b: {  	s7 =	simm.s32 $0x1BFF;
	s21 =	sshll.u32 s6, $0x1;
	s4 =	sadd.s32 s4, s20  }
0x9c: {  	s22 =	simm.s32 $0x0;
	s5 =	sshll.u32 s5, $0x1;
	s6 =	sadd.s32 s21, s4  }
0x9d: {  	[timem:s22], [sflag:s7] =	dma.local [hbm:s6], s5  }
0x9e: {  	_ =	swait.ge [sflag:s7], s5  }
0x9f: {  	s5 =	ssub.s32 $0x0, s5;
	[sflag:s7] =	ssyncset.done $0x0  }
0xa0: {  	[sflag:s7] =	ssyncadd.s32 s5;
	_ =	sdelay $0x1  }
0xa1: {  	s23 =	simm.s32 $0x1B8B  }
0xa2: {  	_ =	swait.ge [sflag:s23], $0x1  }
0xa3: {  	[sflag:s23] =	ssyncset.done $0x0  }
0xa4: {  	[sflag:s23] =	ssyncadd.s32 $0xFFFFFFFF  }
0xa5: {  	s5 =	sld [smem:$0x0]  }
0xa6: {  	s6 =	sand.u32 $0xFFFFFFFE, s1  }
0xa7: {  	p0 =	sne.s32 s1, s6  }
0xa8: {  	s6 =	sshll.u32 @p0 s6, $0xE  }
0xa9: {  	s6 =	sadd.s32 @p0 $0x11B8D, s6;
	s7 =	sshll.u32 @p0 s5, $0x11  }
0xaa: {  	s6 =	sor.u32 @p0 s7, s6  }
0xab: {  	[sflag:s6] =	ssyncadd.remote.s32 @p0 $0x1;
	_ =	sdelay $0x1  }
0xac: {  	s6 =	simm.s32 @p0 $0x1B8D  }
0xad: {  	_ =	swait.eq @p0 [sflag:s6], $0x1  }
0xae: {  	[sflag:s6] =	ssyncadd.s32 @p0 $0xFFFFFFFF  }
0xaf: {  	s7 =	sshll.u32 @!p0 s1, $0xE  }
0xb0: {  	s7 =	sor.u32 @!p0 $0x4000, s7;
	s6 =	simm.s32 @!p0 $0x1B8D  }
0xb1: {  	s5 =	sshll.u32 @!p0 s5, $0x11;
	s7 =	sadd.s32 @!p0 $0x11B8D, s7;
	_ =	swait.eq @!p0 [sflag:s6], $0x1  }
0xb2: {  	s5 =	sor.u32 @!p0 s5, s7;
	[sflag:s6] =	ssyncadd.s32 @!p0 $0xFFFFFFFF  }
0xb3: {  	s25 =	simm.s32 $0x1B8E;
	s24 =	sld [smem:$0x3FFE];
	[sflag:s5] =	ssyncadd.remote.s32 @!p0 $0x1  }
0xb4: {  	s26 =	simm.s32 $execute0_lowered;
	[smem:$0x3FD2] =	sst s25  }
0xb5: {  	s6 =	sshll.u32 s26, $0x1;
	_ =	strace $0x80000049;
	[dreg:$0x1] =	wrdreg $0xFFFFFFFF  }
0xb6: {  	s28 =	simm.s32 $_size_execute0_lowered;
	s4 =	sadd.s32 s4, s6;
	[dreg:$0x0] =	wrdreg $0x0  }
0xb7: {  	s6 =	sshll.u32 s28, $0x1;
	[dreg:$0x2] =	wrdreg s4  }
0xb8: {  	[dreg:$0x3] =	wrdreg s6  }
0xb9: {  	[dreg:$0x4] =	wrdreg $0xC0  }
0xba: {  	_ =	task [dreg:s22], $0x5FFFF  }
0xbb: {  	[dreg:$0x1] =	wrdreg $0xFFFFFFFF  }
0xbc: {  	[dreg:$0x0] =	wrdreg $0x60  }
0xbd: {  	[dreg:$0x2] =	wrdreg s18  }
0xbe: {  	[dreg:$0x3] =	wrdreg s24  }
0xbf: {  	[dreg:$0x4] =	wrdreg $0xA  }
0xc0: {  	_ =	task.clear_ibuf [dreg:s22], $0x5FFFF;
	_ =	strace $0x90000049  }
0xc1: {  	s29 =	simm.s32 $0xA;
	_ =	strace $0x8000004B  }
0xc2: {  	_ =	swait.ge [sflag:s29], $0x1  }
0xc3: {  	[sflag:s29] =	ssyncadd.s32 $0xFFFFFFFF  }
0xc4: {  	_ =	strace $0x9000004B  }
0xc5: {  	_ =	sfence  }
0xc6: {  	s30 =	sld [smem:$0x0];
	_ =	sdelay $0x2  }
0xc7: {  	s31 =	sshll.u32 s1, $0xD;
	s1 =	sshrl.u32 s1, $0x2  }
0xc8: {  	s4 =	sand.u32 $0x4000, s31;
	s1 =	sadd.s32 s1, s30  }
0xc9: {  	s0 =	sor.u32 s4, s0;
	s1 =	sshll.u32 s1, $0x11  }
0xca: {  	s0 =	sor.u32 s1, s0  }
0xcb: {  	s0 =	sadd.s32 $0x8F2B, s0  }
0xcc: {  	[sflag:s0] =	ssyncadd.remote.s32 $0x1  }
0xcd: {  	_ =	sfence.sel $0xFFFF  }
0xce: {  	[dreg:$0x0] =	wrdreg $0xFFFFFFFF;
	(pc) =	sbr.abs _section_cstart, $3  }
0xcf: {  	[dreg:$0x1] =	wrdreg $0xFFFFFFFF  }
0xd0: {  	_ =	task.clear_ibuf [dreg:s22], $0x2FFFF;
	_ =	strace $0x9FFFFFFF  }
0xd1: {  	(tm) =	ssettm $0x7FFFFFFF  }
tec
execute0_lowered:
.L_overlay_start_1:
0x0: {  	(tag) =	ssettag $0x1  }
0x1: {  	s6 =	rddreg [dreg:$0x0]  }
0x2: {  	s4 =	rddreg [dreg:$0x1]  }
0x3: {  	s0 =	rddreg [dreg:$0x2];
	s2 =	simm.s32 $0x0;
	s3 =	srdreg.scid  }
0x4: {  	s1 =	stileid.u32;
	s10 =	simm.s32 $0x10100;
	s11 =	simm.s32 $0x0  }
0x5: {  	[smem:$0x7FF] =	sst s2;
	s5 =	sand.u32 $0x1, s3;
	s8 =	sshll.u32 s1, $0x1  }
0x6: {  	s3 =	sadd.s32 $0x1E00, s4;
	s4 =	sadd.s32 $0x2000, s4;
	s7 =	ssub.s32 $0x2, s5  }
0x7: {  	s6 =	sadd.s32 $0x40000, s6;
	_ =	strace $0x8000004A;
	s9 =	sshrl.u32 s7, $0x1  }
0x8: {  	s5 =	sor.u32 s5, s8;
	s8 =	simm.s32 $0x10000;
	s7 =	ssub.s32 s7, s9  }
0x9: {  	v0 =	vimm.f32 $0.0e+00;
	s5 =	smul.u32 $0xC0, s5;
	s9 =	simm.s32 $0x1;
	s7 =	smax.u32 s7, $0x1  }
.LBB2_1:
0xa: {  	[tilespmem:s8], [sflag:$0x1] =	stream.linear.gather [hbm4b:s3+s2], $0x100, $0x38;
	[tilespmem:$0x12100] =	vst v63  }
0xb: {  	_ =	swait.ge [sflag:s9], $0x100  }
0xc: {  	[sflag:s9] =	ssyncset.done $0x0  }
0xd: {  	s12 =	simm.s32 $0x0;
	[sflag:s9] =	ssyncadd.s32 $0xFFFFFF00  }
.LBB2_2:
0xe: {  	s13 =	sshll.u32 s12, $0x6  }
0xf: {  	s13 =	sadd.s32 s5, s13  }
0x10: {  	s14 =	sshll.u32 s13, $0x7  }
0x11: {  	s15 =	sadd.s32 s14, s6;
	s14 =	simm.s32 $0x0  }
0x12: {  	[tilespmem:s14], [sflag:$0x1] =	stream.linear.gather [hbm4b:s15+s14], $0x10000, $0x38;
	[tilespmem:$0x12100] =	vst v63  }
0x13: {  	_ =	swait.ge [sflag:s9], $0x10000  }
0x14: {  	[sflag:s9] =	ssyncset.done $0x0  }
0x15: {  	s15 =	simm.s32 $0x10200;
	[sflag:s9] =	ssyncadd.s32 $0xFFFF0000  }
.LBB2_3:
0x16: {  	v1 =	vld [tilespmem:$0x10000]  }
0x17: {  	v2 =	vld [tilespmem:$0x10080]  }
0x18: {  	v5 =	vld [tilespmem:$0x10010]  }
0x19: {  	v3 =	vmov s14;
	v7 =	vld [tilespmem:$0x10090]  }
0x1a: {  	v36 =	vld [tilespmem:$0x10020];
	v4 =	vshll.u32 v3, $0xA;
	v3 =	vshll.u32 v3, $0x7  }
0x1b: {  	v37 =	vld [tilespmem:$0x100A0];
	v4 =	vand.u32 $0xE000, v4;
	v3 =	vand.u32 $0x200, v3  }
0x1c: {  	v10 =	vld [tilespmem:$0x100B0];
	v6 =	vand.u32 $0x7F, v1;
	v1 =	vshll.u32 v1, $0x3;
	v8 =	vshll.u32 v2, $0x3  }
0x1d: {  	v41 =	vld [tilespmem:$0x10040];
	v2 =	vand.u32 $0x7F, v2;
	v32 =	vshll.u32 v5, $0x3;
	v1 =	vand.u32 $0xFFFFFC00, v1  }
0x1e: {  	v43 =	vld [tilespmem:$0x100C0];
	v33 =	vshll.u32 v7, $0x3;
	v8 =	vand.u32 $0xFFFFFC00, v8;
	v1 =	vadd.s32 v4, v1  }
0x1f: {  	v46 =	vld [tilespmem:$0x10050];
	v5 =	vand.u32 $0x7F, v5;
	v31 =	vadd.s32 v4, v8;
	v1 =	vor.u32 v6, v1  }
0x20: {  	v12 =	vld [tilespmem:$0x100D0];
	v34 =	vand.u32 $0x7F, v7;
	v2 =	vor.u32 v2, v31;
	v1 =	vor.u32 v3, v1  }
0x21: {  	v49 =	vld [tilespmem:$0x10060];
	v9 =	vshll.u32 v36, $0x3;
	v6 =	vand.u32 $0xFFFFFC00, v32;
	v2 =	vor.u32 v3, v2  }
0x22: {  	v14 =	vld [tilespmem:$0x100E0];
	v39 =	vshll.u32 v37, $0x3;
	v8 =	vand.u32 $0xFFFFFC00, v33;
	v6 =	vadd.s32 v4, v6  }
0x23: {  	v53 =	vld [tilespmem:$0x10070];
	v7 =	vand.u32 $0x7F, v36;
	v35 =	vadd.s32 v4, v8;
	v5 =	vor.u32 v5, v6  }
0x24: {  	v16 =	vld [tilespmem:$0x100F0];
	v40 =	vand.u32 $0x7F, v37;
	v6 =	vor.u32 v34, v35;
	v5 =	vor.u32 v3, v5  }
0x25: {  	v11 =	vshll.u32 v10, $0x3;
	v44 =	vand.u32 $0x7F, v10;
	v6 =	vor.u32 v3, v6;
	v1 =	vld.idx.msk [tilespmem:v1+s2+$0x0], $0xffff  }
0x26: {  	v47 =	vshll.u32 v41, $0x3;
	v13 =	vshll.u32 v43, $0x3;
	v50 =	vshll.u32 v46, $0x3;
	v2 =	vld.idx.msk [tilespmem:v2+s2+$0x0], $0xffff  }
0x27: {  	v15 =	vshll.u32 v12, $0x3;
	v51 =	vand.u32 $0x7F, v12;
	v54 =	vshll.u32 v49, $0x3  }
0x28: {  	v17 =	vshll.u32 v14, $0x3;
	v55 =	vand.u32 $0x7F, v14;
	v57 =	vshll.u32 v53, $0x3  }
0x29: {  	v58 =	vshll.u32 v16, $0x3;
	v59 =	vand.u32 $0x7F, v16;
	v38 =	vand.u32 $0xFFFFFC00, v9;
	v5 =	vld.idx.msk [tilespmem:v5+s2+$0x0], $0xffff  }
0x2a: {  	v11 =	vand.u32 $0xFFFFFC00, v11;
	v10 =	vand.u32 $0xFFFFFC00, v47;
	v13 =	vand.u32 $0xFFFFFC00, v13;
	v6 =	vld.idx.msk [tilespmem:v6+s2+$0x0], $0xffff  }
0x2b: {  	v9 =	vand.u32 $0x7F, v43;
	v15 =	vand.u32 $0xFFFFFC00, v15;
	vm0 =	vgt.f32 v1, v2;
	v1 =	vld [tilespmem:$0x10030]  }
0x2c: {  	v12 =	vand.u32 $0xFFFFFC00, v54;
	v17 =	vand.u32 $0xFFFFFC00, v17;
	v14 =	vand.u32 $0xFFFFFC00, v57  }
0x2d: {  	v45 =	vadd.s32 v4, v11;
	v10 =	vadd.s32 v4, v10;
	v48 =	vadd.s32 v4, v13  }
0x2e: {  	v11 =	vand.u32 $0x7F, v46;
	v52 =	vadd.s32 v4, v15;
	v13 =	vand.u32 $0x7F, v49  }
0x2f: {  	v12 =	vadd.s32 v4, v12;
	vm9 =	vgt.f32 v5, v6;
	v5 =	vadd.s32 v4, v38  }
0x30: {  	v6 =	vand.u32 $0xFFFFFC00, v39;
	v5 =	vor.u32 v7, v5;
	v42 =	vshll.u32 v1, $0x3  }
0x31: {  	v6 =	vadd.s32 v4, v6;
	v5 =	vor.u32 v3, v5;
	v7 =	vand.u32 $0xFFFFFC00, v42  }
0x32: {  	v6 =	vor.u32 v40, v6;
	v1 =	vand.u32 $0x7F, v1;
	v7 =	vadd.s32 v4, v7  }
0x33: {  	v8 =	vand.u32 $0x7F, v41;
	v6 =	vor.u32 v3, v6;
	v1 =	vor.u32 v1, v7  }
0x34: {  	v9 =	vor.u32 v9, v48;
	v7 =	vor.u32 v44, v45;
	v1 =	vor.u32 v3, v1  }
0x35: {  	v8 =	vor.u32 v8, v10;
	v10 =	vand.u32 $0xFFFFFC00, v50;
	v7 =	vor.u32 v3, v7  }
0x36: {  	v56 =	vadd.s32 v4, v17;
	v9 =	vor.u32 v3, v9;
	v10 =	vadd.s32 v4, v10  }
0x37: {  	v15 =	vand.u32 $0x7F, v53;
	v8 =	vor.u32 v3, v8;
	v10 =	vor.u32 v11, v10;
	v5 =	vld.idx.msk [tilespmem:v5+s2+$0x0], $0xffff  }
0x38: {  	v14 =	vadd.s32 v4, v14;
	v11 =	vor.u32 v51, v52;
	v10 =	vor.u32 v3, v10;
	v6 =	vld.idx.msk [tilespmem:v6+s2+$0x0], $0xffff  }
0x39: {  	v12 =	vor.u32 v13, v12;
	v13 =	vor.u32 v55, v56;
	v11 =	vor.u32 v3, v11;
	v1 =	vld.idx.msk [tilespmem:v1+s2+$0x0], $0xffff  }
0x3a: {  	v17 =	vand.u32 $0xFFFFFC00, v58;
	v14 =	vor.u32 v15, v14;
	v13 =	vor.u32 v3, v13;
	v7 =	vld.idx.msk [tilespmem:v7+s2+$0x0], $0xffff  }
0x3b: {  	v12 =	vor.u32 v3, v12;
	v14 =	vor.u32 v3, v14;
	v9 =	vld.idx.msk [tilespmem:v9+s2+$0x0], $0xffff;
	v4 =	vadd.s32 v4, v17  }
0x3c: {  	v8 =	vld.idx.msk [tilespmem:v8+s2+$0x0], $0xffff;
	v2 =	vsel vm0, $0x3F800000, v0;
	v60 =	vsel vm9, $0x40000000, v0;
	v4 =	vor.u32 v59, v4  }
0x3d: {  	v61 =	vld.idx.msk [tilespmem:v10+s2+$0x0], $0xffff;
	v2 =	vadd.f32 v60, v2;
	v3 =	vor.u32 v3, v4;
	vm10 =	vgt.f32 v5, v6  }
0x3e: {  	v63 =	vld.idx.msk [tilespmem:v11+s2+$0x0], $0xffff;
	v62 =	vsel vm10, $0x40800000, v0  }
0x3f: {  	v15 =	vld.idx.msk [tilespmem:v13+s2+$0x0], $0xffff;
	v2 =	vadd.f32 v62, v2;
	vm11 =	vgt.f32 v1, v7  }
0x40: {  	v1 =	vld.idx.msk [tilespmem:v12+s2+$0x0], $0xffff;
	v12 =	vsel vm11, $0x41000000, v0  }
0x41: {  	v16 =	vld.idx.msk [tilespmem:v14+s2+$0x0], $0xffff;
	vm12 =	vgt.f32 v8, v9;
	v2 =	vadd.f32 v12, v2  }
0x42: {  	v8 =	vsel vm12, $0x41800000, v0;
	v3 =	vld.idx.msk [tilespmem:v3+s2+$0x0], $0xffff  }
0x43: {  	vm13 =	vgt.f32 v61, v63;
	v2 =	vadd.f32 v8, v2  }
0x44: {  	v5 =	vsel vm13, $0x42000000, v0  }
0x45: {  	vm14 =	vgt.f32 v1, v15;
	v2 =	vadd.f32 v5, v2  }
0x46: {  	v1 =	vsel vm14, $0x42800000, v0  }
0x47: {  	vm15 =	vgt.f32 v16, v3;
	v1 =	vadd.f32 v1, v2  }
0x48: {  	v2 =	vsel vm15, $0x43000000, v0  }
0x49: {  	v1 =	vadd.f32 v2, v1;
	_ =	sdelay $0x1  }
0x4a: {  	[tilespmem:s15+$0xFFFFFF00] =	vst v1  }
0x4b: {  	v1 =	vld [tilespmem:$0x10000]  }
0x4c: {  	v2 =	vld [tilespmem:$0x10080]  }
0x4d: {  	s16 =	sadd.s32 $0x1, s14;
	v18 =	vld [tilespmem:$0x10010]  }
0x4e: {  	v3 =	vmov s16;
	v20 =	vld [tilespmem:$0x10090]  }
0x4f: {  	v17 =	vshll.u32 v3, $0xA;
	v3 =	vshll.u32 v3, $0x7;
	v27 =	vld [tilespmem:$0x10020]  }
0x50: {  	v4 =	vand.u32 $0xE000, v17;
	v3 =	vand.u32 $0x280, v3;
	v28 =	vld [tilespmem:$0x100A0]  }
0x51: {  	v30 =	vld [tilespmem:$0x100B0];
	v19 =	vand.u32 $0x7F, v1;
	v1 =	vshll.u32 v1, $0x3;
	v21 =	vshll.u32 v2, $0x3  }
0x52: {  	v34 =	vld [tilespmem:$0x10040];
	v2 =	vand.u32 $0x7F, v2;
	v23 =	vshll.u32 v18, $0x3;
	v1 =	vand.u32 $0xFFFFFC00, v1  }
0x53: {  	v36 =	vld [tilespmem:$0x100C0];
	v24 =	vshll.u32 v20, $0x3;
	v8 =	vand.u32 $0xFFFFFC00, v21;
	v1 =	vadd.s32 v4, v1  }
0x54: {  	v40 =	vld [tilespmem:$0x10050];
	v5 =	vand.u32 $0x7F, v18;
	v22 =	vadd.s32 v4, v8;
	v1 =	vor.u32 v19, v1  }
0x55: {  	v42 =	vld [tilespmem:$0x100D0];
	v25 =	vand.u32 $0x7F, v20;
	v2 =	vor.u32 v2, v22;
	v1 =	vor.u32 v3, v1  }
0x56: {  	v45 =	vld [tilespmem:$0x10060];
	v29 =	vshll.u32 v27, $0x3;
	v6 =	vand.u32 $0xFFFFFC00, v23;
	v2 =	vor.u32 v3, v2  }
0x57: {  	v47 =	vld [tilespmem:$0x100E0];
	v32 =	vshll.u32 v28, $0x3;
	v6 =	vadd.s32 v4, v6;
	v8 =	vand.u32 $0xFFFFFC00, v24  }
0x58: {  	v51 =	vld [tilespmem:$0x10070];
	v7 =	vand.u32 $0x7F, v27;
	v5 =	vor.u32 v5, v6;
	v26 =	vadd.s32 v4, v8  }
0x59: {  	v53 =	vld [tilespmem:$0x100F0];
	v33 =	vand.u32 $0x7F, v28;
	v5 =	vor.u32 v3, v5;
	v6 =	vor.u32 v25, v26  }
0x5a: {  	v37 =	vshll.u32 v30, $0x3;
	v38 =	vand.u32 $0x7F, v30;
	v6 =	vor.u32 v3, v6;
	v1 =	vld.idx.msk [tilespmem:v1+s2+$0x0], $0xffff  }
0x5b: {  	v41 =	vshll.u32 v34, $0x3;
	v43 =	vshll.u32 v36, $0x3;
	v9 =	vand.u32 $0x7F, v36;
	v2 =	vld.idx.msk [tilespmem:v2+s2+$0x0], $0xffff  }
0x5c: {  	v46 =	vshll.u32 v40, $0x3;
	v48 =	vshll.u32 v42, $0x3;
	v49 =	vand.u32 $0x7F, v42  }
0x5d: {  	v52 =	vshll.u32 v45, $0x3;
	v54 =	vshll.u32 v47, $0x3;
	v55 =	vand.u32 $0x7F, v47  }
0x5e: {  	v57 =	vshll.u32 v51, $0x3;
	v58 =	vshll.u32 v53, $0x3;
	v59 =	vand.u32 $0x7F, v53;
	v5 =	vld.idx.msk [tilespmem:v5+s2+$0x0], $0xffff  }
0x5f: {  	v31 =	vand.u32 $0xFFFFFC00, v29;
	v11 =	vand.u32 $0xFFFFFC00, v37;
	v10 =	vand.u32 $0xFFFFFC00, v41;
	v6 =	vld.idx.msk [tilespmem:v6+s2+$0x0], $0xffff  }
0x60: {  	v13 =	vand.u32 $0xFFFFFC00, v43;
	v15 =	vand.u32 $0xFFFFFC00, v48;
	vm4 =	vgt.f32 v1, v2;
	v1 =	vld [tilespmem:$0x10030]  }
0x61: {  	v12 =	vand.u32 $0xFFFFFC00, v52;
	v17 =	vand.u32 $0xFFFFFC00, v54;
	v14 =	vand.u32 $0xFFFFFC00, v57  }
0x62: {  	v39 =	vadd.s32 v4, v11;
	v10 =	vadd.s32 v4, v10;
	v44 =	vadd.s32 v4, v13  }
0x63: {  	v11 =	vand.u32 $0x7F, v40;
	v50 =	vadd.s32 v4, v15;
	v13 =	vand.u32 $0x7F, v45  }
0x64: {  	v12 =	vadd.s32 v4, v12;
	vm5 =	vgt.f32 v5, v6;
	v5 =	vadd.s32 v4, v31  }
0x65: {  	v6 =	vand.u32 $0xFFFFFC00, v32;
	v5 =	vor.u32 v7, v5;
	v35 =	vshll.u32 v1, $0x3  }
0x66: {  	v6 =	vadd.s32 v4, v6;
	v5 =	vor.u32 v3, v5;
	v7 =	vand.u32 $0xFFFFFC00, v35  }
0x67: {  	v6 =	vor.u32 v33, v6;
	v1 =	vand.u32 $0x7F, v1;
	v7 =	vadd.s32 v4, v7  }
0x68: {  	v8 =	vand.u32 $0x7F, v34;
	v6 =	vor.u32 v3, v6;
	v1 =	vor.u32 v1, v7  }
0x69: {  	v9 =	vor.u32 v9, v44;
	v7 =	vor.u32 v38, v39;
	v1 =	vor.u32 v3, v1  }
0x6a: {  	v8 =	vor.u32 v8, v10;
	v10 =	vand.u32 $0xFFFFFC00, v46;
	v7 =	vor.u32 v3, v7  }
0x6b: {  	v56 =	vadd.s32 v4, v17;
	v9 =	vor.u32 v3, v9;
	v10 =	vadd.s32 v4, v10  }
0x6c: {  	v15 =	vand.u32 $0x7F, v51;
	v8 =	vor.u32 v3, v8;
	v10 =	vor.u32 v11, v10;
	v5 =	vld.idx.msk [tilespmem:v5+s2+$0x0], $0xffff  }
0x6d: {  	v14 =	vadd.s32 v4, v14;
	v11 =	vor.u32 v49, v50;
	v10 =	vor.u32 v3, v10;
	v6 =	vld.idx.msk [tilespmem:v6+s2+$0x0], $0xffff  }
0x6e: {  	v12 =	vor.u32 v13, v12;
	v13 =	vor.u32 v55, v56;
	v11 =	vor.u32 v3, v11;
	v1 =	vld.idx.msk [tilespmem:v1+s2+$0x0], $0xffff  }
0x6f: {  	v17 =	vand.u32 $0xFFFFFC00, v58;
	v14 =	vor.u32 v15, v14;
	v13 =	vor.u32 v3, v13;
	v7 =	vld.idx.msk [tilespmem:v7+s2+$0x0], $0xffff  }
0x70: {  	v12 =	vor.u32 v3, v12;
	v14 =	vor.u32 v3, v14;
	v9 =	vld.idx.msk [tilespmem:v9+s2+$0x0], $0xffff;
	v4 =	vadd.s32 v4, v17  }
0x71: {  	v8 =	vld.idx.msk [tilespmem:v8+s2+$0x0], $0xffff;
	v2 =	vsel vm4, $0x3F800000, v0;
	v60 =	vsel vm5, $0x40000000, v0;
	v4 =	vor.u32 v59, v4  }
0x72: {  	v61 =	vld.idx.msk [tilespmem:v10+s2+$0x0], $0xffff;
	v2 =	vadd.f32 v60, v2;
	v3 =	vor.u32 v3, v4;
	vm6 =	vgt.f32 v5, v6  }
0x73: {  	v63 =	vld.idx.msk [tilespmem:v11+s2+$0x0], $0xffff;
	v62 =	vsel vm6, $0x40800000, v0  }
0x74: {  	v15 =	vld.idx.msk [tilespmem:v13+s2+$0x0], $0xffff;
	v2 =	vadd.f32 v62, v2;
	vm7 =	vgt.f32 v1, v7  }
0x75: {  	v1 =	vld.idx.msk [tilespmem:v12+s2+$0x0], $0xffff;
	v12 =	vsel vm7, $0x41000000, v0  }
0x76: {  	v16 =	vld.idx.msk [tilespmem:v14+s2+$0x0], $0xffff;
	vm8 =	vgt.f32 v8, v9;
	v2 =	vadd.f32 v12, v2  }
0x77: {  	v8 =	vsel vm8, $0x41800000, v0;
	v3 =	vld.idx.msk [tilespmem:v3+s2+$0x0], $0xffff  }
0x78: {  	vm9 =	vgt.f32 v61, v63;
	v2 =	vadd.f32 v8, v2  }
0x79: {  	v5 =	vsel vm9, $0x42000000, v0  }
0x7a: {  	vm10 =	vgt.f32 v1, v15;
	v2 =	vadd.f32 v5, v2  }
0x7b: {  	v1 =	vsel vm10, $0x42800000, v0  }
0x7c: {  	vm11 =	vgt.f32 v16, v3;
	v1 =	vadd.f32 v1, v2  }
0x7d: {  	v2 =	vsel vm11, $0x43000000, v0  }
0x7e: {  	v1 =	vadd.f32 v2, v1;
	_ =	sdelay $0x1  }
0x7f: {  	[tilespmem:s15+$0xFFFFFF80] =	vst v1  }
0x80: {  	v1 =	vld [tilespmem:$0x10000]  }
0x81: {  	v2 =	vld [tilespmem:$0x10080]  }
0x82: {  	s30 =	sadd.s32 $0x2, s14;
	v18 =	vld [tilespmem:$0x10010]  }
0x83: {  	v3 =	vmov s30;
	v20 =	vld [tilespmem:$0x10090]  }
0x84: {  	v17 =	vshll.u32 v3, $0xA;
	v3 =	vshll.u32 v3, $0x7;
	v27 =	vld [tilespmem:$0x10020]  }
0x85: {  	v4 =	vand.u32 $0xE000, v17;
	v3 =	vand.u32 $0x300, v3;
	v28 =	vld [tilespmem:$0x100A0]  }
0x86: {  	v30 =	vld [tilespmem:$0x100B0];
	v19 =	vand.u32 $0x7F, v1;
	v1 =	vshll.u32 v1, $0x3;
	v21 =	vshll.u32 v2, $0x3  }
0x87: {  	v34 =	vld [tilespmem:$0x10040];
	v2 =	vand.u32 $0x7F, v2;
	v23 =	vshll.u32 v18, $0x3;
	v1 =	vand.u32 $0xFFFFFC00, v1  }
0x88: {  	v36 =	vld [tilespmem:$0x100C0];
	v24 =	vshll.u32 v20, $0x3;
	v8 =	vand.u32 $0xFFFFFC00, v21;
	v1 =	vadd.s32 v4, v1  }
0x89: {  	v40 =	vld [tilespmem:$0x10050];
	v5 =	vand.u32 $0x7F, v18;
	v22 =	vadd.s32 v4, v8;
	v1 =	vor.u32 v19, v1  }
0x8a: {  	v42 =	vld [tilespmem:$0x100D0];
	v25 =	vand.u32 $0x7F, v20;
	v2 =	vor.u32 v2, v22;
	v1 =	vor.u32 v3, v1  }
0x8b: {  	v45 =	vld [tilespmem:$0x10060];
	v29 =	vshll.u32 v27, $0x3;
	v6 =	vand.u32 $0xFFFFFC00, v23;
	v2 =	vor.u32 v3, v2  }
0x8c: {  	v47 =	vld [tilespmem:$0x100E0];
	v32 =	vshll.u32 v28, $0x3;
	v6 =	vadd.s32 v4, v6;
	v8 =	vand.u32 $0xFFFFFC00, v24  }
0x8d: {  	v51 =	vld [tilespmem:$0x10070];
	v7 =	vand.u32 $0x7F, v27;
	v5 =	vor.u32 v5, v6;
	v26 =	vadd.s32 v4, v8  }
0x8e: {  	v53 =	vld [tilespmem:$0x100F0];
	v33 =	vand.u32 $0x7F, v28;
	v5 =	vor.u32 v3, v5;
	v6 =	vor.u32 v25, v26  }
0x8f: {  	v37 =	vshll.u32 v30, $0x3;
	v38 =	vand.u32 $0x7F, v30;
	v6 =	vor.u32 v3, v6;
	v1 =	vld.idx.msk [tilespmem:v1+s2+$0x0], $0xffff  }
0x90: {  	v41 =	vshll.u32 v34, $0x3;
	v43 =	vshll.u32 v36, $0x3;
	v9 =	vand.u32 $0x7F, v36;
	v2 =	vld.idx.msk [tilespmem:v2+s2+$0x0], $0xffff  }
0x91: {  	v46 =	vshll.u32 v40, $0x3;
	v48 =	vshll.u32 v42, $0x3;
	v49 =	vand.u32 $0x7F, v42  }
0x92: {  	v52 =	vshll.u32 v45, $0x3;
	v54 =	vshll.u32 v47, $0x3;
	v55 =	vand.u32 $0x7F, v47  }
0x93: {  	v57 =	vshll.u32 v51, $0x3;
	v58 =	vshll.u32 v53, $0x3;
	v59 =	vand.u32 $0x7F, v53;
	v5 =	vld.idx.msk [tilespmem:v5+s2+$0x0], $0xffff  }
0x94: {  	v31 =	vand.u32 $0xFFFFFC00, v29;
	v11 =	vand.u32 $0xFFFFFC00, v37;
	v10 =	vand.u32 $0xFFFFFC00, v41;
	v6 =	vld.idx.msk [tilespmem:v6+s2+$0x0], $0xffff  }
0x95: {  	v13 =	vand.u32 $0xFFFFFC00, v43;
	v15 =	vand.u32 $0xFFFFFC00, v48;
	vm12 =	vgt.f32 v1, v2;
	v1 =	vld [tilespmem:$0x10030]  }
0x96: {  	v12 =	vand.u32 $0xFFFFFC00, v52;
	v17 =	vand.u32 $0xFFFFFC00, v54;
	v14 =	vand.u32 $0xFFFFFC00, v57  }
0x97: {  	v39 =	vadd.s32 v4, v11;
	v10 =	vadd.s32 v4, v10;
	v44 =	vadd.s32 v4, v13  }
0x98: {  	v11 =	vand.u32 $0x7F, v40;
	v50 =	vadd.s32 v4, v15;
	v13 =	vand.u32 $0x7F, v45  }
0x99: {  	v12 =	vadd.s32 v4, v12;
	vm13 =	vgt.f32 v5, v6;
	v5 =	vadd.s32 v4, v31  }
0x9a: {  	v6 =	vand.u32 $0xFFFFFC00, v32;
	v5 =	vor.u32 v7, v5;
	v35 =	vshll.u32 v1, $0x3  }
0x9b: {  	v6 =	vadd.s32 v4, v6;
	v5 =	vor.u32 v3, v5;
	v7 =	vand.u32 $0xFFFFFC00, v35  }
0x9c: {  	v6 =	vor.u32 v33, v6;
	v1 =	vand.u32 $0x7F, v1;
	v7 =	vadd.s32 v4, v7  }
0x9d: {  	v8 =	vand.u32 $0x7F, v34;
	v6 =	vor.u32 v3, v6;
	v1 =	vor.u32 v1, v7  }
0x9e: {  	v9 =	vor.u32 v9, v44;
	v7 =	vor.u32 v38, v39;
	v1 =	vor.u32 v3, v1  }
0x9f: {  	v8 =	vor.u32 v8, v10;
	v10 =	vand.u32 $0xFFFFFC00, v46;
	v7 =	vor.u32 v3, v7  }
0xa0: {  	v56 =	vadd.s32 v4, v17;
	v9 =	vor.u32 v3, v9;
	v10 =	vadd.s32 v4, v10  }
0xa1: {  	v15 =	vand.u32 $0x7F, v51;
	v8 =	vor.u32 v3, v8;
	v10 =	vor.u32 v11, v10;
	v5 =	vld.idx.msk [tilespmem:v5+s2+$0x0], $0xffff  }
0xa2: {  	v14 =	vadd.s32 v4, v14;
	v11 =	vor.u32 v49, v50;
	v10 =	vor.u32 v3, v10;
	v6 =	vld.idx.msk [tilespmem:v6+s2+$0x0], $0xffff  }
0xa3: {  	v12 =	vor.u32 v13, v12;
	v13 =	vor.u32 v55, v56;
	v11 =	vor.u32 v3, v11;
	v1 =	vld.idx.msk [tilespmem:v1+s2+$0x0], $0xffff  }
0xa4: {  	v17 =	vand.u32 $0xFFFFFC00, v58;
	v14 =	vor.u32 v15, v14;
	v13 =	vor.u32 v3, v13;
	v7 =	vld.idx.msk [tilespmem:v7+s2+$0x0], $0xffff  }
0xa5: {  	v12 =	vor.u32 v3, v12;
	v14 =	vor.u32 v3, v14;
	v9 =	vld.idx.msk [tilespmem:v9+s2+$0x0], $0xffff;
	v4 =	vadd.s32 v4, v17  }
0xa6: {  	v8 =	vld.idx.msk [tilespmem:v8+s2+$0x0], $0xffff;
	v2 =	vsel vm12, $0x3F800000, v0;
	v60 =	vsel vm13, $0x40000000, v0;
	v4 =	vor.u32 v59, v4  }
0xa7: {  	v61 =	vld.idx.msk [tilespmem:v10+s2+$0x0], $0xffff;
	v2 =	vadd.f32 v60, v2;
	v3 =	vor.u32 v3, v4;
	vm14 =	vgt.f32 v5, v6  }
0xa8: {  	v63 =	vld.idx.msk [tilespmem:v11+s2+$0x0], $0xffff;
	v62 =	vsel vm14, $0x40800000, v0  }
0xa9: {  	v13 =	vld.idx.msk [tilespmem:v13+s2+$0x0], $0xffff;
	v2 =	vadd.f32 v62, v2;
	vm15 =	vgt.f32 v1, v7  }
0xaa: {  	v1 =	vld.idx.msk [tilespmem:v12+s2+$0x0], $0xffff;
	v12 =	vsel vm15, $0x41000000, v0  }
0xab: {  	v14 =	vld.idx.msk [tilespmem:v14+s2+$0x0], $0xffff;
	vm4 =	vgt.f32 v8, v9;
	v2 =	vadd.f32 v12, v2  }
0xac: {  	v8 =	vsel vm4, $0x41800000, v0;
	v3 =	vld.idx.msk [tilespmem:v3+s2+$0x0], $0xffff  }
0xad: {  	vm5 =	vgt.f32 v61, v63;
	v2 =	vadd.f32 v8, v2  }
0xae: {  	v5 =	vsel vm5, $0x42000000, v0  }
0xaf: {  	vm6 =	vgt.f32 v1, v13;
	v2 =	vadd.f32 v5, v2  }
0xb0: {  	v1 =	vsel vm6, $0x42800000, v0  }
0xb1: {  	vm7 =	vgt.f32 v14, v3;
	v1 =	vadd.f32 v1, v2  }
0xb2: {  	v2 =	vsel vm7, $0x43000000, v0  }
0xb3: {  	v1 =	vadd.f32 v2, v1;
	_ =	sdelay $0x1  }
0xb4: {  	[tilespmem:s15+$0x0] =	vst v1  }
0xb5: {  	v1 =	vld [tilespmem:$0x10000]  }
0xb6: {  	v2 =	vld [tilespmem:$0x10080]  }
0xb7: {  	s31 =	sadd.s32 $0x3, s14;
	v16 =	vld [tilespmem:$0x10010]  }
0xb8: {  	v3 =	vmov s31;
	v18 =	vld [tilespmem:$0x10090]  }
0xb9: {  	v15 =	vshll.u32 v3, $0xA;
	v3 =	vshll.u32 v3, $0x7;
	v25 =	vld [tilespmem:$0x10020]  }
0xba: {  	v4 =	vand.u32 $0xE000, v15;
	v3 =	vand.u32 $0x380, v3;
	v26 =	vld [tilespmem:$0x100A0]  }
0xbb: {  	v28 =	vld [tilespmem:$0x100B0];
	v17 =	vand.u32 $0x7F, v1;
	v1 =	vshll.u32 v1, $0x3;
	v19 =	vshll.u32 v2, $0x3  }
0xbc: {  	v32 =	vld [tilespmem:$0x10040];
	v2 =	vand.u32 $0x7F, v2;
	v21 =	vshll.u32 v16, $0x3;
	v1 =	vand.u32 $0xFFFFFC00, v1  }
0xbd: {  	v34 =	vld [tilespmem:$0x100C0];
	v22 =	vshll.u32 v18, $0x3;
	v8 =	vand.u32 $0xFFFFFC00, v19;
	v1 =	vadd.s32 v4, v1  }
0xbe: {  	v38 =	vld [tilespmem:$0x10050];
	v5 =	vand.u32 $0x7F, v16;
	v20 =	vadd.s32 v4, v8;
	v1 =	vor.u32 v17, v1  }
0xbf: {  	v40 =	vld [tilespmem:$0x100D0];
	v23 =	vand.u32 $0x7F, v18;
	v2 =	vor.u32 v2, v20;
	v1 =	vor.u32 v3, v1  }
0xc0: {  	v42 =	vld [tilespmem:$0x10060];
	v27 =	vshll.u32 v25, $0x3;
	v6 =	vand.u32 $0xFFFFFC00, v21;
	v2 =	vor.u32 v3, v2  }
0xc1: {  	v45 =	vld [tilespmem:$0x100E0];
	v30 =	vshll.u32 v26, $0x3;
	v6 =	vadd.s32 v4, v6;
	v8 =	vand.u32 $0xFFFFFC00, v22  }
0xc2: {  	v47 =	vld [tilespmem:$0x10070];
	v7 =	vand.u32 $0x7F, v25;
	v5 =	vor.u32 v5, v6;
	v24 =	vadd.s32 v4, v8  }
0xc3: {  	v51 =	vld [tilespmem:$0x100F0];
	v31 =	vand.u32 $0x7F, v26;
	v5 =	vor.u32 v3, v5;
	v6 =	vor.u32 v23, v24  }
0xc4: {  	v35 =	vshll.u32 v28, $0x3;
	v36 =	vand.u32 $0x7F, v28;
	v6 =	vor.u32 v3, v6;
	v1 =	vld.idx.msk [tilespmem:v1+s2+$0x0], $0xffff  }
0xc5: {  	v39 =	vshll.u32 v32, $0x3;
	v41 =	vshll.u32 v34, $0x3;
	v9 =	vand.u32 $0x7F, v34;
	v2 =	vld.idx.msk [tilespmem:v2+s2+$0x0], $0xffff  }
0xc6: {  	v44 =	vshll.u32 v38, $0x3;
	v46 =	vshll.u32 v40, $0x3;
	v12 =	vand.u32 $0x7F, v40  }
0xc7: {  	v48 =	vshll.u32 v42, $0x3;
	v14 =	vand.u32 $0x7F, v42;
	v52 =	vshll.u32 v45, $0x3  }
0xc8: {  	v54 =	vshll.u32 v47, $0x3;
	v16 =	vand.u32 $0x7F, v47;
	v56 =	vshll.u32 v51, $0x3;
	v5 =	vld.idx.msk [tilespmem:v5+s2+$0x0], $0xffff  }
0xc9: {  	v29 =	vand.u32 $0xFFFFFC00, v27;
	v11 =	vand.u32 $0xFFFFFC00, v35;
	v10 =	vand.u32 $0xFFFFFC00, v39;
	v6 =	vld.idx.msk [tilespmem:v6+s2+$0x0], $0xffff  }
0xca: {  	v13 =	vand.u32 $0xFFFFFC00, v41;
	v15 =	vand.u32 $0xFFFFFC00, v46;
	vm8 =	vgt.f32 v1, v2;
	v1 =	vld [tilespmem:$0x10030]  }
0xcb: {  	v50 =	vand.u32 $0xFFFFFC00, v48;
	v53 =	vand.u32 $0xFFFFFC00, v52;
	v55 =	vand.u32 $0xFFFFFC00, v54  }
0xcc: {  	v57 =	vand.u32 $0xFFFFFC00, v56;
	v37 =	vadd.s32 v4, v11;
	v10 =	vadd.s32 v4, v10  }
0xcd: {  	v43 =	vadd.s32 v4, v13;
	v11 =	vand.u32 $0x7F, v38;
	v15 =	vadd.s32 v4, v15  }
0xce: {  	v13 =	vand.u32 $0x7F, v45;
	vm9 =	vgt.f32 v5, v6;
	v5 =	vadd.s32 v4, v29  }
0xcf: {  	v6 =	vand.u32 $0xFFFFFC00, v30;
	v5 =	vor.u32 v7, v5;
	v33 =	vshll.u32 v1, $0x3  }
0xd0: {  	v6 =	vadd.s32 v4, v6;
	v5 =	vor.u32 v3, v5;
	v7 =	vand.u32 $0xFFFFFC00, v33  }
0xd1: {  	v6 =	vor.u32 v31, v6;
	v1 =	vand.u32 $0x7F, v1;
	v7 =	vadd.s32 v4, v7  }
0xd2: {  	v8 =	vand.u32 $0x7F, v32;
	v6 =	vor.u32 v3, v6;
	v1 =	vor.u32 v1, v7  }
0xd3: {  	v9 =	vor.u32 v9, v43;
	v7 =	vor.u32 v36, v37;
	v1 =	vor.u32 v3, v1  }
0xd4: {  	v49 =	vor.u32 v12, v15;
	v12 =	vadd.s32 v4, v50;
	v7 =	vor.u32 v3, v7  }
0xd5: {  	v8 =	vor.u32 v8, v10;
	v9 =	vor.u32 v3, v9;
	v10 =	vand.u32 $0xFFFFFC00, v44  }
0xd6: {  	v12 =	vor.u32 v14, v12;
	v8 =	vor.u32 v3, v8;
	v10 =	vadd.s32 v4, v10;
	v5 =	vld.idx.msk [tilespmem:v5+s2+$0x0], $0xffff  }
0xd7: {  	v14 =	vadd.s32 v4, v53;
	v10 =	vor.u32 v11, v10;
	v11 =	vor.u32 v3, v49;
	v6 =	vld.idx.msk [tilespmem:v6+s2+$0x0], $0xffff  }
0xd8: {  	v13 =	vor.u32 v13, v14;
	v14 =	vadd.s32 v4, v55;
	v10 =	vor.u32 v3, v10;
	v1 =	vld.idx.msk [tilespmem:v1+s2+$0x0], $0xffff  }
0xd9: {  	v15 =	vand.u32 $0x7F, v51;
	v14 =	vor.u32 v16, v14;
	v13 =	vor.u32 v3, v13;
	v7 =	vld.idx.msk [tilespmem:v7+s2+$0x0], $0xffff  }
0xda: {  	v12 =	vor.u32 v3, v12;
	v14 =	vor.u32 v3, v14;
	v9 =	vld.idx.msk [tilespmem:v9+s2+$0x0], $0xffff;
	v4 =	vadd.s32 v4, v57  }
0xdb: {  	v8 =	vld.idx.msk [tilespmem:v8+s2+$0x0], $0xffff;
	v2 =	vsel vm8, $0x3F800000, v0;
	v58 =	vsel vm9, $0x40000000, v0;
	v4 =	vor.u32 v15, v4  }
0xdc: {  	v60 =	vld.idx.msk [tilespmem:v11+s2+$0x0], $0xffff;
	v2 =	vadd.f32 v58, v2;
	v3 =	vor.u32 v3, v4;
	vm10 =	vgt.f32 v5, v6  }
0xdd: {  	v59 =	vld.idx.msk [tilespmem:v10+s2+$0x0], $0xffff;
	v5 =	vsel vm10, $0x40800000, v0  }
0xde: {  	v62 =	vld.idx.msk [tilespmem:v13+s2+$0x0], $0xffff;
	vm11 =	vgt.f32 v1, v7;
	v1 =	vadd.f32 v5, v2  }
0xdf: {  	v2 =	vld.idx.msk [tilespmem:v12+s2+$0x0], $0xffff;
	v61 =	vsel vm11, $0x41000000, v0  }
0xe0: {  	v63 =	vld.idx.msk [tilespmem:v14+s2+$0x0], $0xffff;
	vm12 =	vgt.f32 v8, v9;
	v1 =	vadd.f32 v61, v1  }
0xe1: {  	v8 =	vsel vm12, $0x41800000, v0;
	v3 =	vld.idx.msk [tilespmem:v3+s2+$0x0], $0xffff  }
0xe2: {  	vm13 =	vgt.f32 v59, v60;
	v1 =	vadd.f32 v8, v1  }
0xe3: {  	v4 =	vsel vm13, $0x42000000, v0  }
0xe4: {  	vm14 =	vgt.f32 v2, v62;
	v1 =	vadd.f32 v4, v1  }
0xe5: {  	p0 =	slt.u32 s14, $0x3C;
	v2 =	vsel vm14, $0x42800000, v0  }
.Ltmp0:
0xe6: {  	vm15 =	vgt.f32 v63, v3;
	v1 =	vadd.f32 v2, v1;
	(pc) =	sbr.rel @p0 .LBB2_3-.Ltmp0, $3  }
0xe7: {  	v2 =	vsel vm15, $0x43000000, v0  }
0xe8: {  	v1 =	vadd.f32 v2, v1;
	_ =	sdelay $0x1  }
0xe9: {  	s14 =	sadd.s32 $0x4, s14;
	[tilespmem:s15+$0x80] =	vst v1;
	s15 =	sadd.s32 $0x200, s15  }
0xea: {  	s12 =	sadd.s32 $0x1, s12  }
0xeb: {  	s13 =	sshll.u32 s13, $0x4;
	p0 =	sne.s32 s12, $0x3  }
.Ltmp1:
0xec: {  	s13 =	sadd.s32 s4, s13;
	(pc) =	sbr.rel @p0 .LBB2_2-.Ltmp1, $4  }
0xed: {  	[hbm4b:s13+s2] =	stream.linear.scatter [tilespmem:s10], [sflag:$0x1], $0x2000, $0x38;
	[tilespmem:$0x12100] =	vst v63  }
0xee: {  	_ =	swait.ge [sflag:s9], $0x2000  }
0xef: {  	[sflag:s9] =	ssyncset.done $0x0  }
0xf0: {  	[sflag:s9] =	ssyncadd.s32 $0xFFFFE000  }
0xf1: {  	s11 =	sadd.s32 $0x1, s11  }
0xf2: {  	p0 =	sne.s32 s11, s7  }
.Ltmp2:
0xf3: {  	_ = 	snop;
	(pc) =	sbr.rel @p0 .LBB2_1-.Ltmp2, $1  }
0xf4: {  	_ =	sdelay $0x3  }
0xf5: {  	_ =	sfence.sel $0x180000  }
0xf6: {  	[bflag:$0x0] =	sbarrier.arrive $0xFFFF  }
0xf7: {  	p0 =	sne.s32 s1, $0x0;
	_ =	strace $0x9000004A  }
0xf8: {  	s0 =	sadd.s32 @!p0 $0x100000, s0;
	[bflag:$0x2] =	sbarrier.arrive $0xFFFF  }
0xf9: {  	[sflag:s0] =	ssyncadd.tile.s32 @!p0 $0x1;
	_ =	shalt  }
.Lfunc_end2:
_tile_overlayer_lowered:
.L_overlay_start_2:
0xfa: {  	(tag) =	ssettag $0x2  }
0xfb: {  	s0 =	rddreg [dreg:$0x0];
	s2 =	stileid.u32  }
0xfc: {  	s1 =	rddreg [dreg:$0x1];
	p0 =	sne.s32 s2, $0x0  }
0xfd: {  	s3 =	rddreg [dreg:$0x2];
	[bflag:$0x3] =	sbarrier.arrive $0xFFFF;
	s2 =	simm.s32 @!p0 $0x1C01  }
0xfe: {  	[timem:s3], [sflag:s2] =	dma.local @!p0 [hbm:s0], s1  }
0xff: {  	s0 =	simm.s32 @!p0 $0x1  }
0x100: {  	_ =	swait.ge @!p0 [sflag:s0], s1  }
0x101: {  	s1 =	ssub.s32 @!p0 $0x0, s1;
	[sflag:s0] =	ssyncset.done @!p0 $0x0  }
0x102: {  	[sflag:s0] =	ssyncadd.s32 @!p0 s1  }
0x103: {  	[bflag:$0x3] =	sbarrier.arrive $0xFFFF  }
0x104: {  	_ =	shalt  }

</sc_bundles>
